<compile_context>
chip_gen: v7x
topology: tpu7x:2x2x1
jax: 0.10.2.dev20260603
libtpu: 0.0.44.dev20260713+nightly
codegen_flags: <defaults>
</compile_context>

<pallas_src>
import jax
import jax.numpy as jnp
from jax import lax
from jax.experimental import pallas as pl
from jax.experimental.pallas import tpu as pltpu
from jax.experimental.pallas import tpu_sc as plsc

N = 10000
E = 320000
D = 128

NC = 2
NS = 16
L = 16
NW = NC * NS

EPW = E // NW
K = 128
CH = 79
EPAD = CH * K
NP = 10240
DUMP = NP - 1
RPT = NP // NS

BLK = 5000
GRID = N // BLK

_MESH = plsc.VectorSubcoreMesh(core_axis_name="c", subcore_axis_name="s")


def _deg_body(row3_hbm, degp_hbm, rowt, ones, zbufh, hist, sem):
    cid = lax.axis_index("c")
    sid = lax.axis_index("s")
    wid = cid * NS + sid
    rbase = sid * RPT
    zeros16 = jnp.zeros((L,), jnp.float32)
    ones16 = jnp.ones((L,), jnp.float32)

    pltpu.sync_copy(row3_hbm.at[wid], rowt)

    def fill(i, _):
        ones[i, :] = ones16
        return 0

    lax.fori_loop(0, K, fill, 0)

    def fillz(i, _):
        zbufh[i, :] = zeros16
        return 0

    lax.fori_loop(0, K, fillz, 0)
    for k in range(RPT // K):
        pltpu.sync_copy(zbufh, hist.at[pl.ds(rbase + k * K, K)])
    plsc.subcore_barrier()

    def scat(c):
        pltpu.make_async_copy(ones, hist.at[rowt.at[c]], sem).start(add=True)

    def drain():
        pltpu.make_async_copy(ones, hist.at[rowt.at[0]], sem).wait()

    for c in range(4):
        scat(c)

    def body(c, _):
        scat(c)
        drain()
        return 0

    lax.fori_loop(4, CH, body, 0)
    for _ in range(4):
        drain()
    plsc.subcore_barrier()
    for k in range(RPT // K):
        pltpu.sync_copy(hist.at[pl.ds(rbase + k * K, K)], zbufh)
        pltpu.sync_copy(zbufh, degp_hbm.at[cid, pl.ds(rbase + k * K, K)])


_deg_call = pl.kernel(
    _deg_body,
    out_type=jax.ShapeDtypeStruct((NC, NP, L), jnp.float32),
    mesh=_MESH,
    scratch_types=[
        pltpu.VMEM((CH, K), jnp.int32),
        pltpu.VMEM((K, L), jnp.float32),
        pltpu.VMEM((K, L), jnp.float32),
        pltpu.VMEM_SHARED((NP, L), jnp.float32),
        pltpu.SemaphoreType.DMA,
    ],
)


KA = 80
CA = EPW // KA


def _agg_body(hs_hbm, col2_hbm, rowa_hbm, part_hbm,
              colv, rowv, rows0, rows1, acc, gsem0, gsem1):
    cid = lax.axis_index("c")
    sid = lax.axis_index("s")
    wid = cid * NS + sid
    rbase = sid * RPT
    zeros16 = jnp.zeros((L,), jnp.float32)

    pltpu.sync_copy(col2_hbm.at[wid], colv)
    pltpu.sync_copy(rowa_hbm.at[wid], rowv)

    def zb(i, _):
        rows0[i // 8, pl.ds((i % 8) * L, L)] = zeros16
        return 0

    lax.fori_loop(0, KA * 8, zb, 0)
    for k in range(RPT // KA):
        pltpu.sync_copy(rows0, acc.at[pl.ds(rbase + k * KA, KA)])
    plsc.subcore_barrier()

    rows = (rows0, rows1)
    gsem = (gsem0, gsem1)

    def g_start(c, b):
        pltpu.make_async_copy(
            hs_hbm.at[colv.at[pl.ds(c * KA, KA)]], rows[b], gsem[b]).start()

    def g_wait(c, b):
        pltpu.make_async_copy(
            hs_hbm.at[colv.at[pl.ds(c * KA, KA)]], rows[b], gsem[b]).wait()

    def scat(c, b):
        pltpu.sync_copy(rows[b], acc.at[rowv.at[c]], add=True)

    g_start(0, 0)

    def body(i, _):
        c = 2 * i
        g_start(c + 1, 1)
        g_wait(c, 0)
        scat(c, 0)
        g_start(c + 2, 0)
        g_wait(c + 1, 1)
        scat(c + 1, 1)
        return 0

    lax.fori_loop(0, (CA - 1) // 2, body, 0)
    g_wait(CA - 1, 0)
    scat(CA - 1, 0)
    plsc.subcore_barrier()
    for k in range(RPT // KA):
        pltpu.sync_copy(acc.at[pl.ds(rbase + k * KA, KA)], rows0)
        pltpu.sync_copy(rows0, part_hbm.at[cid, pl.ds(rbase + k * KA, KA)])


_agg_call = pl.kernel(
    _agg_body,
    out_type=jax.ShapeDtypeStruct((NC, NP, D), jnp.float32),
    mesh=_MESH,
    scratch_types=[
        pltpu.VMEM((EPW,), jnp.int32),
        pltpu.VMEM((CA, KA), jnp.int32),
        pltpu.VMEM((KA, D), jnp.float32),
        pltpu.VMEM((KA, D), jnp.float32),
        pltpu.VMEM_SHARED((NP, D), jnp.float32),
        pltpu.SemaphoreType.DMA,
        pltpu.SemaphoreType.DMA,
    ],
)


def _dinv_of(dp):
    return lax.rsqrt(1.0 + dp[0, :, 0:1] + dp[1, :, 0:1])


def _tc1_body(x_ref, w_ref, dp_ref, out_ref):
    dinv = _dinv_of(dp_ref[...])
    h = jnp.dot(x_ref[...], w_ref[...], preferred_element_type=jnp.float32)
    out_ref[...] = h * dinv


def _tc2_body(hs_ref, p_ref, dp_ref, w_ref, out_ref):
    dinv = _dinv_of(dp_ref[...])
    p = p_ref[...]
    h1 = jnp.maximum((hs_ref[...] + p[0] + p[1]) * dinv, 0.0)
    out_ref[...] = jnp.dot(h1, w_ref[...],
                           preferred_element_type=jnp.float32) * dinv


def _tc3_body(hs_ref, p_ref, dp_ref, out_ref):
    dinv = _dinv_of(dp_ref[...])
    p = p_ref[...]
    t = jnp.maximum((hs_ref[...] + p[0] + p[1]) * dinv, 0.0)
    m = jnp.max(t, axis=-1, keepdims=True)
    e = jnp.exp(t - m)
    out_ref[...] = e / jnp.sum(e, axis=-1, keepdims=True)


_ROWB = pl.BlockSpec((BLK, D), lambda i: (i, 0))
_WB = pl.BlockSpec((D, D), lambda i: (0, 0))
_DPB = pl.BlockSpec((NC, BLK, L), lambda i: (0, i, 0))
_PB = pl.BlockSpec((NC, BLK, D), lambda i: (0, i, 0))
_OUT = jax.ShapeDtypeStruct((N, D), jnp.float32)

_tc1 = pl.pallas_call(
    _tc1_body, grid=(GRID,),
    in_specs=[_ROWB, _WB, _DPB], out_specs=_ROWB, out_shape=_OUT)

_tc2 = pl.pallas_call(
    _tc2_body, grid=(GRID,),
    in_specs=[_ROWB, _PB, _DPB, _WB], out_specs=_ROWB, out_shape=_OUT)

_tc3 = pl.pallas_call(
    _tc3_body, grid=(GRID,),
    in_specs=[_ROWB, _PB, _DPB], out_specs=_ROWB, out_shape=_OUT)


@jax.jit
def kernel(x, edge_index, W0, W1):
    row = edge_index[0].reshape(NW, EPW)
    col2 = edge_index[1].reshape(NW, EPW)
    pad_r = jnp.full((NW, EPAD - EPW), DUMP, jnp.int32)
    row3 = jnp.concatenate([row, pad_r], axis=1).reshape(NW, CH, K)
    rowa = row.reshape(NW, CA, KA)
    degp = _deg_call(row3)
    hs0 = _tc1(x, W0, degp)
    p1 = _agg_call(hs0, col2, rowa)
    hs1 = _tc2(hs0, p1, degp, W1)
    p2 = _agg_call(hs1, col2, rowa)
    return _tc3(hs1, p2, degp)

# --- scband reference (transcript-rebuilt; emitter-appended) ---
"""Pipeline reference for scband-gcn-42941083025466 (READ-ONLY COPY).

The authoritative reference and input builder live on the scoring server;
editing this copy changes nothing except your own understanding.
"""

import jax, jax.numpy as jnp
import numpy as np

N = 10000
E = 320000
D = 128


def setup_inputs(seed: int = 0) -> dict:
    key = jax.random.key(seed)
    k1, k2, k3, k4 = jax.random.split(key, 4)
    x = jax.random.normal(k1, (N, D), dtype=jnp.float32)
    edge_index = jax.random.randint(k2, (2, E), 0, N, dtype=jnp.int32)
    # Learned weights: one per GraphDense layer (input_dim=128 -> hidden=128 -> output=128)
    W0 = jax.random.normal(k3, (D, D), dtype=jnp.float32)
    W1 = jax.random.normal(k4, (D, D), dtype=jnp.float32)
    return {"x": x, "edge_index": edge_index, "W0": W0, "W1": W1}


def _spmm_normalized(H, row, col, dinv):
    # agg_mat = D^{-1/2} (I + A) D^{-1/2}; A has a 1 at (row_e, col_e) for each edge e.
    # (agg @ H)_i = dinv_i^2 * H_i + sum_{e: row_e = i} dinv_i * dinv_{col_e} * H_{col_e}
    self_part = (dinv * dinv)[:, None] * H
    w = dinv[row] * dinv[col]
    neigh = jax.ops.segment_sum(w[:, None] * H[col], row, num_segments=H.shape[0])
    return self_part + neigh


def reference(x, edge_index, W0, W1):
    row = edge_index[0]
    col = edge_index[1]
    n = x.shape[0]
    # Row sums of adj_hat = I + A (degree vector of the self-loop-augmented graph)
    deg = 1.0 + jax.ops.segment_sum(jnp.ones(row.shape[0], dtype=x.dtype), row, num_segments=n)
    dinv = 1.0 / jnp.sqrt(deg)
    # Layer 1: agg @ (x @ W0), then Relu
    h = _spmm_normalized(x @ W0, row, col, dinv)
    h = jax.nn.relu(h)
    # Layer 2: agg @ (h @ W1), then Relu
    h = _spmm_normalized(h @ W1, row, col, dinv)
    h = jax.nn.relu(h)
    return jax.nn.softmax(h, axis=-1)

if __name__ == "__main__":
    import jax
    _d = setup_inputs()
    print(jax.jit(kernel)(*tuple(_d.values())))

</pallas_src>

<mosaic_0001>
#map = affine_map<(d0, d1) -> (0, 0)>
#map1 = affine_map<(d0, d1) -> (0, 0, 0)>
module attributes {stable_mosaic.version = 14 : i64} {
  func.func @_agg_body(%arg0: i32, %arg1: i32, %arg2: memref<10000x128xf32, #tpu.memory_space<hbm>>, %arg3: memref<32x10000xi32, #tpu.memory_space<hbm>>, %arg4: memref<32x125x80xi32, #tpu.memory_space<hbm>>, %arg5: memref<2x10240x128xf32, #tpu.memory_space<hbm>>, %arg6: memref<10000xi32, #tpu.memory_space<vmem>>, %arg7: memref<125x80xi32, #tpu.memory_space<vmem>>, %arg8: memref<80x128xf32, #tpu.memory_space<vmem>>, %arg9: memref<80x128xf32, #tpu.memory_space<vmem>>, %arg10: memref<10240x128xf32, #tpu.memory_space<vmem_shared>>, %arg11: memref<!tpu.dma_semaphore, #tpu.memory_space<semaphore_mem>>, %arg12: memref<!tpu.dma_semaphore, #tpu.memory_space<semaphore_mem>>) attributes {dimension_semantics = [#tpu.dimension_semantics<core_parallel>, #tpu.dimension_semantics<subcore_parallel>], iteration_bounds = array<i64: 2, 16>, scalar_prefetch = 0 : i64, scratch_operands = 7 : i64, tpu.core_type = #tpu.core_type<sc_vector_subcore>, window_params = [{transform_indices = #map}, {transform_indices = #map}, {transform_indices = #map1}, {transform_indices = #map1}]} {
    %mul3A = arith.constant 16 : i32
    %mul3A_0 = arith.muli %arg0, %mul3A : i32
    %add3A = arith.addi %mul3A_0, %arg1 : i32
    %mul3A_1 = arith.constant 640 : i32
    %mul3A_2 = arith.muli %arg1, %mul3A_1 : i32
    %broadcast_in_dim3A = arith.constant 0.000000e+00 : f32
    %broadcast_in_dim3A_3 = vector.broadcast %broadcast_in_dim3A : f32 to vector<16xf32>
    "tpu.region"() ({
      %run_scoped3A_74 = tpu.sem_alloc : memref<!tpu.dma_semaphore, #tpu.memory_space<semaphore_mem>>
      %dma_start3A_75 = arith.constant 0 : i32
      %dma_start3A_76 = tpu.memref_slice %arg3[%add3A, %dma_start3A_75] : memref<32x10000xi32, #tpu.memory_space<hbm>> -> memref<1x10000xi32, #tpu.memory_space<hbm>>
      %dma_start3A_77 = tpu.memref_squeeze %dma_start3A_76 : memref<1x10000xi32, #tpu.memory_space<hbm>> -> memref<10000xi32, #tpu.memory_space<hbm>>
      %dma_start3A_78 = arith.constant 0 : i32
      %dma_start3A_79 = tpu.memref_slice %arg3[%add3A, %dma_start3A_78] : memref<32x10000xi32, #tpu.memory_space<hbm>> -> memref<1x10000xi32, #tpu.memory_space<hbm>>
      %dma_start3A_80 = tpu.memref_squeeze %dma_start3A_79 : memref<1x10000xi32, #tpu.memory_space<hbm>> -> memref<10000xi32, #tpu.memory_space<hbm>>
      tpu.enqueue_dma source(%dma_start3A_80 : memref<10000xi32, #tpu.memory_space<hbm>>) target(%arg6 : memref<10000xi32, #tpu.memory_space<vmem>>) target_semaphore(%run_scoped3A_74 : memref<!tpu.dma_semaphore, #tpu.memory_space<semaphore_mem>>)
      %dma_wait3A_81 = arith.constant 0 : i32
      %dma_wait3A_82 = tpu.memref_slice %arg3[%add3A, %dma_wait3A_81] : memref<32x10000xi32, #tpu.memory_space<hbm>> -> memref<1x10000xi32, #tpu.memory_space<hbm>>
      %dma_wait3A_83 = tpu.memref_squeeze %dma_wait3A_82 : memref<1x10000xi32, #tpu.memory_space<hbm>> -> memref<10000xi32, #tpu.memory_space<hbm>>
      %dma_wait3A_84 = arith.constant 0 : i32
      %dma_wait3A_85 = tpu.memref_slice %arg3[%add3A, %dma_wait3A_84] : memref<32x10000xi32, #tpu.memory_space<hbm>> -> memref<1x10000xi32, #tpu.memory_space<hbm>>
      %dma_wait3A_86 = tpu.memref_squeeze %dma_wait3A_85 : memref<1x10000xi32, #tpu.memory_space<hbm>> -> memref<10000xi32, #tpu.memory_space<hbm>>
      tpu.wait_dma2 semaphore(%run_scoped3A_74 : memref<!tpu.dma_semaphore, #tpu.memory_space<semaphore_mem>>) src(%dma_wait3A_86 : memref<10000xi32, #tpu.memory_space<hbm>>) dst(%arg6 : memref<10000xi32, #tpu.memory_space<vmem>>)
      tpu.yield
    }) : () -> ()
    "tpu.region"() ({
      %run_scoped3A_74 = tpu.sem_alloc : memref<!tpu.dma_semaphore, #tpu.memory_space<semaphore_mem>>
      %dma_start3A_75 = arith.constant 0 : i32
      %dma_start3A_76 = arith.constant 0 : i32
      %dma_start3A_77 = tpu.memref_slice %arg4[%add3A, %dma_start3A_75, %dma_start3A_76] : memref<32x125x80xi32, #tpu.memory_space<hbm>> -> memref<1x125x80xi32, #tpu.memory_space<hbm>>
      %dma_start3A_78 = tpu.memref_squeeze %dma_start3A_77 : memref<1x125x80xi32, #tpu.memory_space<hbm>> -> memref<125x80xi32, #tpu.memory_space<hbm>>
      %dma_start3A_79 = arith.constant 0 : i32
      %dma_start3A_80 = arith.constant 0 : i32
      %dma_start3A_81 = tpu.memref_slice %arg4[%add3A, %dma_start3A_79, %dma_start3A_80] : memref<32x125x80xi32, #tpu.memory_space<hbm>> -> memref<1x125x80xi32, #tpu.memory_space<hbm>>
      %dma_start3A_82 = tpu.memref_squeeze %dma_start3A_81 : memref<1x125x80xi32, #tpu.memory_space<hbm>> -> memref<125x80xi32, #tpu.memory_space<hbm>>
      tpu.enqueue_dma source(%dma_start3A_82 : memref<125x80xi32, #tpu.memory_space<hbm>>) target(%arg7 : memref<125x80xi32, #tpu.memory_space<vmem>>) target_semaphore(%run_scoped3A_74 : memref<!tpu.dma_semaphore, #tpu.memory_space<semaphore_mem>>)
      %dma_wait3A_83 = arith.constant 0 : i32
      %dma_wait3A_84 = arith.constant 0 : i32
      %dma_wait3A_85 = tpu.memref_slice %arg4[%add3A, %dma_wait3A_83, %dma_wait3A_84] : memref<32x125x80xi32, #tpu.memory_space<hbm>> -> memref<1x125x80xi32, #tpu.memory_space<hbm>>
      %dma_wait3A_86 = tpu.memref_squeeze %dma_wait3A_85 : memref<1x125x80xi32, #tpu.memory_space<hbm>> -> memref<125x80xi32, #tpu.memory_space<hbm>>
      %dma_wait3A_87 = arith.constant 0 : i32
      %dma_wait3A_88 = arith.constant 0 : i32
      %dma_wait3A_89 = tpu.memref_slice %arg4[%add3A, %dma_wait3A_87, %dma_wait3A_88] : memref<32x125x80xi32, #tpu.memory_space<hbm>> -> memref<1x125x80xi32, #tpu.memory_space<hbm>>
      %dma_wait3A_90 = tpu.memref_squeeze %dma_wait3A_89 : memref<1x125x80xi32, #tpu.memory_space<hbm>> -> memref<125x80xi32, #tpu.memory_space<hbm>>
      tpu.wait_dma2 semaphore(%run_scoped3A_74 : memref<!tpu.dma_semaphore, #tpu.memory_space<semaphore_mem>>) src(%dma_wait3A_90 : memref<125x80xi32, #tpu.memory_space<hbm>>) dst(%arg7 : memref<125x80xi32, #tpu.memory_space<vmem>>)
      tpu.yield
    }) : () -> ()
    %scan3A = arith.constant 0 : i32
    %scan3A_4 = arith.constant 0 : i32
    %scan3A_5 = arith.constant 640 : i32
    %scan3A_6 = arith.addi %scan3A_4, %scan3A_5 : i32
    %scan3A_7 = arith.constant 1 : i32
    %scan3A_8 = scf.for %scan3A_74 = %scan3A_4 to %scan3A_6 step %scan3A_7 iter_args(%scan3A_75 = %scan3A) -> (i32)  : i32 {
      %jit3A = arith.constant 8 : i32
      %div3A = arith.divsi %scan3A_74, %jit3A : i32
      %sign3A = arith.constant 0 : i32
      %sign3A_76 = arith.cmpi sgt, %scan3A_74, %sign3A : i32
      %sign3A_77 = arith.extui %sign3A_76 : i1 to i32
      %sign3A_78 = arith.constant 0 : i32
      %sign3A_79 = arith.cmpi slt, %scan3A_74, %sign3A_78 : i32
      %sign3A_80 = arith.extui %sign3A_79 : i1 to i32
      %sign3A_81 = arith.subi %sign3A_77, %sign3A_80 : i32
      %sign3A_82 = arith.constant 0 : i32
      %sign3A_83 = arith.cmpi sgt, %jit3A, %sign3A_82 : i32
      %sign3A_84 = arith.extui %sign3A_83 : i1 to i32
      %sign3A_85 = arith.constant 0 : i32
      %sign3A_86 = arith.cmpi slt, %jit3A, %sign3A_85 : i32
      %sign3A_87 = arith.extui %sign3A_86 : i1 to i32
      %sign3A_88 = arith.subi %sign3A_84, %sign3A_87 : i32
      %ne3A = arith.cmpi ne, %sign3A_81, %sign3A_88 : i32
      %rem3A = arith.remsi %scan3A_74, %jit3A : i32
      %ne3A_89 = arith.constant 0 : i32
      %ne3A_90 = arith.cmpi ne, %rem3A, %ne3A_89 : i32
      %and3A = arith.andi %ne3A, %ne3A_90 : i1
      %sub3A = arith.constant 1 : i32
      %sub3A_91 = arith.subi %div3A, %sub3A : i32
      %select_n3A = arith.select %and3A, %sub3A_91, %div3A : i32
      %jit3A_92 = arith.constant 8 : i32
      %eq3A = arith.constant 0 : i32
      %eq3A_93 = arith.cmpi eq, %jit3A_92, %eq3A : i32
      %jit3A_94 = arith.constant 1 : i32
      %select_n3A_95 = arith.select %eq3A_93, %jit3A_94, %jit3A_92 : i32
      %rem3A_96 = arith.remsi %scan3A_74, %select_n3A_95 : i32
      %ne3A_97 = arith.constant 0 : i32
      %ne3A_98 = arith.cmpi ne, %rem3A_96, %ne3A_97 : i32
      %lt3A = arith.constant 0 : i32
      %lt3A_99 = arith.cmpi slt, %rem3A_96, %lt3A : i32
      %lt3A_100 = arith.constant 0 : i32
      %lt3A_101 = arith.cmpi slt, %select_n3A_95, %lt3A_100 : i32
      %ne3A_102 = arith.xori %lt3A_99, %lt3A_101 : i1
      %and3A_103 = arith.andi %ne3A_102, %ne3A_98 : i1
      %add3A_104 = arith.addi %rem3A_96, %select_n3A_95 : i32
      %select_n3A_105 = arith.select %and3A_103, %add3A_104, %rem3A_96 : i32
      %mul3A_106 = arith.constant 16 : i32
      %mul3A_107 = arith.muli %select_n3A_105, %mul3A_106 : i32
      %swap3A = arith.index_cast %select_n3A : i32 to index
      %swap3A_108 = arith.index_cast %mul3A_107 : i32 to index
      %swap3A_109 = tpu.vector_load %arg8[%swap3A, %swap3A_108] {strides = array<i32>} : memref<80x128xf32, #tpu.memory_space<vmem>>, vector<1x16xf32>,
      %swap3A_110 = vector.shape_cast %swap3A_109 : vector<1x16xf32> to vector<16xf32>
      %swap3A_111 = vector.shape_cast %broadcast_in_dim3A_3 : vector<16xf32> to vector<1x16xf32>
      tpu.vector_store %arg8[%swap3A, %swap3A_108], %swap3A_111 {strides = array<i32>} : memref<80x128xf32, #tpu.memory_space<vmem>>, vector<1x16xf32>,
      %scan3A_112 = arith.constant 0 : i32
      scf.yield %scan3A_112 : i32
    }
    %scan3A_9 = arith.constant 640 : i32
    %add3A_10 = arith.constant 0 : i32
    %add3A_11 = arith.addi %mul3A_2, %add3A_10 : i32
    "tpu.region"() ({
      %run_scoped3A_74 = tpu.sem_alloc : memref<!tpu.dma_semaphore, #tpu.memory_space<semaphore_mem>>
      %dma_start3A_75 = arith.constant 0 : i32
      %dma_start3A_76 = tpu.memref_slice %arg10[%add3A_11, %dma_start3A_75] : memref<10240x128xf32, #tpu.memory_space<vmem_shared>> -> memref<80x128xf32, #tpu.memory_space<vmem_shared>>
      %dma_start3A_77 = arith.constant 0 : i32
      %dma_start3A_78 = tpu.memref_slice %arg10[%add3A_11, %dma_start3A_77] : memref<10240x128xf32, #tpu.memory_space<vmem_shared>> -> memref<80x128xf32, #tpu.memory_space<vmem_shared>>
      tpu.enqueue_dma source(%arg8 : memref<80x128xf32, #tpu.memory_space<vmem>>) target(%dma_start3A_78 : memref<80x128xf32, #tpu.memory_space<vmem_shared>>) target_semaphore(%run_scoped3A_74 : memref<!tpu.dma_semaphore, #tpu.memory_space<semaphore_mem>>)
      %dma_wait3A_79 = arith.constant 0 : i32
      %dma_wait3A_80 = tpu.memref_slice %arg10[%add3A_11, %dma_wait3A_79] : memref<10240x128xf32, #tpu.memory_space<vmem_shared>> -> memref<80x128xf32, #tpu.memory_space<vmem_shared>>
      %dma_wait3A_81 = arith.constant 0 : i32
      %dma_wait3A_82 = tpu.memref_slice %arg10[%add3A_11, %dma_wait3A_81] : memref<10240x128xf32, #tpu.memory_space<vmem_shared>> -> memref<80x128xf32, #tpu.memory_space<vmem_shared>>
      tpu.wait_dma2 semaphore(%run_scoped3A_74 : memref<!tpu.dma_semaphore, #tpu.memory_space<semaphore_mem>>) src(%arg8 : memref<80x128xf32, #tpu.memory_space<vmem>>) dst(%dma_wait3A_82 : memref<80x128xf32, #tpu.memory_space<vmem_shared>>)
      tpu.yield
    }) : () -> ()
    %add3A_12 = arith.constant 80 : i32
    %add3A_13 = arith.addi %mul3A_2, %add3A_12 : i32
    "tpu.region"() ({
      %run_scoped3A_74 = tpu.sem_alloc : memref<!tpu.dma_semaphore, #tpu.memory_space<semaphore_mem>>
      %dma_start3A_75 = arith.constant 0 : i32
      %dma_start3A_76 = tpu.memref_slice %arg10[%add3A_13, %dma_start3A_75] : memref<10240x128xf32, #tpu.memory_space<vmem_shared>> -> memref<80x128xf32, #tpu.memory_space<vmem_shared>>
      %dma_start3A_77 = arith.constant 0 : i32
      %dma_start3A_78 = tpu.memref_slice %arg10[%add3A_13, %dma_start3A_77] : memref<10240x128xf32, #tpu.memory_space<vmem_shared>> -> memref<80x128xf32, #tpu.memory_space<vmem_shared>>
      tpu.enqueue_dma source(%arg8 : memref<80x128xf32, #tpu.memory_space<vmem>>) target(%dma_start3A_78 : memref<80x128xf32, #tpu.memory_space<vmem_shared>>) target_semaphore(%run_scoped3A_74 : memref<!tpu.dma_semaphore, #tpu.memory_space<semaphore_mem>>)
      %dma_wait3A_79 = arith.constant 0 : i32
      %dma_wait3A_80 = tpu.memref_slice %arg10[%add3A_13, %dma_wait3A_79] : memref<10240x128xf32, #tpu.memory_space<vmem_shared>> -> memref<80x128xf32, #tpu.memory_space<vmem_shared>>
      %dma_wait3A_81 = arith.constant 0 : i32
      %dma_wait3A_82 = tpu.memref_slice %arg10[%add3A_13, %dma_wait3A_81] : memref<10240x128xf32, #tpu.memory_space<vmem_shared>> -> memref<80x128xf32, #tpu.memory_space<vmem_shared>>
      tpu.wait_dma2 semaphore(%run_scoped3A_74 : memref<!tpu.dma_semaphore, #tpu.memory_space<semaphore_mem>>) src(%arg8 : memref<80x128xf32, #tpu.memory_space<vmem>>) dst(%dma_wait3A_82 : memref<80x128xf32, #tpu.memory_space<vmem_shared>>)
      tpu.yield
    }) : () -> ()
    %add3A_14 = arith.constant 160 : i32
    %add3A_15 = arith.addi %mul3A_2, %add3A_14 : i32
    "tpu.region"() ({
      %run_scoped3A_74 = tpu.sem_alloc : memref<!tpu.dma_semaphore, #tpu.memory_space<semaphore_mem>>
      %dma_start3A_75 = arith.constant 0 : i32
      %dma_start3A_76 = tpu.memref_slice %arg10[%add3A_15, %dma_start3A_75] : memref<10240x128xf32, #tpu.memory_space<vmem_shared>> -> memref<80x128xf32, #tpu.memory_space<vmem_shared>>
      %dma_start3A_77 = arith.constant 0 : i32
      %dma_start3A_78 = tpu.memref_slice %arg10[%add3A_15, %dma_start3A_77] : memref<10240x128xf32, #tpu.memory_space<vmem_shared>> -> memref<80x128xf32, #tpu.memory_space<vmem_shared>>
      tpu.enqueue_dma source(%arg8 : memref<80x128xf32, #tpu.memory_space<vmem>>) target(%dma_start3A_78 : memref<80x128xf32, #tpu.memory_space<vmem_shared>>) target_semaphore(%run_scoped3A_74 : memref<!tpu.dma_semaphore, #tpu.memory_space<semaphore_mem>>)
      %dma_wait3A_79 = arith.constant 0 : i32
      %dma_wait3A_80 = tpu.memref_slice %arg10[%add3A_15, %dma_wait3A_79] : memref<10240x128xf32, #tpu.memory_space<vmem_shared>> -> memref<80x128xf32, #tpu.memory_space<vmem_shared>>
      %dma_wait3A_81 = arith.constant 0 : i32
      %dma_wait3A_82 = tpu.memref_slice %arg10[%add3A_15, %dma_wait3A_81] : memref<10240x128xf32, #tpu.memory_space<vmem_shared>> -> memref<80x128xf32, #tpu.memory_space<vmem_shared>>
      tpu.wait_dma2 semaphore(%run_scoped3A_74 : memref<!tpu.dma_semaphore, #tpu.memory_space<semaphore_mem>>) src(%arg8 : memref<80x128xf32, #tpu.memory_space<vmem>>) dst(%dma_wait3A_82 : memref<80x128xf32, #tpu.memory_space<vmem_shared>>)
      tpu.yield
    }) : () -> ()
    %add3A_16 = arith.constant 240 : i32
    %add3A_17 = arith.addi %mul3A_2, %add3A_16 : i32
    "tpu.region"() ({
      %run_scoped3A_74 = tpu.sem_alloc : memref<!tpu.dma_semaphore, #tpu.memory_space<semaphore_mem>>
      %dma_start3A_75 = arith.constant 0 : i32
      %dma_start3A_76 = tpu.memref_slice %arg10[%add3A_17, %dma_start3A_75] : memref<10240x128xf32, #tpu.memory_space<vmem_shared>> -> memref<80x128xf32, #tpu.memory_space<vmem_shared>>
      %dma_start3A_77 = arith.constant 0 : i32
      %dma_start3A_78 = tpu.memref_slice %arg10[%add3A_17, %dma_start3A_77] : memref<10240x128xf32, #tpu.memory_space<vmem_shared>> -> memref<80x128xf32, #tpu.memory_space<vmem_shared>>
      tpu.enqueue_dma source(%arg8 : memref<80x128xf32, #tpu.memory_space<vmem>>) target(%dma_start3A_78 : memref<80x128xf32, #tpu.memory_space<vmem_shared>>) target_semaphore(%run_scoped3A_74 : memref<!tpu.dma_semaphore, #tpu.memory_space<semaphore_mem>>)
      %dma_wait3A_79 = arith.constant 0 : i32
      %dma_wait3A_80 = tpu.memref_slice %arg10[%add3A_17, %dma_wait3A_79] : memref<10240x128xf32, #tpu.memory_space<vmem_shared>> -> memref<80x128xf32, #tpu.memory_space<vmem_shared>>
      %dma_wait3A_81 = arith.constant 0 : i32
      %dma_wait3A_82 = tpu.memref_slice %arg10[%add3A_17, %dma_wait3A_81] : memref<10240x128xf32, #tpu.memory_space<vmem_shared>> -> memref<80x128xf32, #tpu.memory_space<vmem_shared>>
      tpu.wait_dma2 semaphore(%run_scoped3A_74 : memref<!tpu.dma_semaphore, #tpu.memory_space<semaphore_mem>>) src(%arg8 : memref<80x128xf32, #tpu.memory_space<vmem>>) dst(%dma_wait3A_82 : memref<80x128xf32, #tpu.memory_space<vmem_shared>>)
      tpu.yield
    }) : () -> ()
    %add3A_18 = arith.constant 320 : i32
    %add3A_19 = arith.addi %mul3A_2, %add3A_18 : i32
    "tpu.region"() ({
      %run_scoped3A_74 = tpu.sem_alloc : memref<!tpu.dma_semaphore, #tpu.memory_space<semaphore_mem>>
      %dma_start3A_75 = arith.constant 0 : i32
      %dma_start3A_76 = tpu.memref_slice %arg10[%add3A_19, %dma_start3A_75] : memref<10240x128xf32, #tpu.memory_space<vmem_shared>> -> memref<80x128xf32, #tpu.memory_space<vmem_shared>>
      %dma_start3A_77 = arith.constant 0 : i32
      %dma_start3A_78 = tpu.memref_slice %arg10[%add3A_19, %dma_start3A_77] : memref<10240x128xf32, #tpu.memory_space<vmem_shared>> -> memref<80x128xf32, #tpu.memory_space<vmem_shared>>
      tpu.enqueue_dma source(%arg8 : memref<80x128xf32, #tpu.memory_space<vmem>>) target(%dma_start3A_78 : memref<80x128xf32, #tpu.memory_space<vmem_shared>>) target_semaphore(%run_scoped3A_74 : memref<!tpu.dma_semaphore, #tpu.memory_space<semaphore_mem>>)
      %dma_wait3A_79 = arith.constant 0 : i32
      %dma_wait3A_80 = tpu.memref_slice %arg10[%add3A_19, %dma_wait3A_79] : memref<10240x128xf32, #tpu.memory_space<vmem_shared>> -> memref<80x128xf32, #tpu.memory_space<vmem_shared>>
      %dma_wait3A_81 = arith.constant 0 : i32
      %dma_wait3A_82 = tpu.memref_slice %arg10[%add3A_19, %dma_wait3A_81] : memref<10240x128xf32, #tpu.memory_space<vmem_shared>> -> memref<80x128xf32, #tpu.memory_space<vmem_shared>>
      tpu.wait_dma2 semaphore(%run_scoped3A_74 : memref<!tpu.dma_semaphore, #tpu.memory_space<semaphore_mem>>) src(%arg8 : memref<80x128xf32, #tpu.memory_space<vmem>>) dst(%dma_wait3A_82 : memref<80x128xf32, #tpu.memory_space<vmem_shared>>)
      tpu.yield
    }) : () -> ()
    %add3A_20 = arith.constant 400 : i32
    %add3A_21 = arith.addi %mul3A_2, %add3A_20 : i32
    "tpu.region"() ({
      %run_scoped3A_74 = tpu.sem_alloc : memref<!tpu.dma_semaphore, #tpu.memory_space<semaphore_mem>>
      %dma_start3A_75 = arith.constant 0 : i32
      %dma_start3A_76 = tpu.memref_slice %arg10[%add3A_21, %dma_start3A_75] : memref<10240x128xf32, #tpu.memory_space<vmem_shared>> -> memref<80x128xf32, #tpu.memory_space<vmem_shared>>
      %dma_start3A_77 = arith.constant 0 : i32
      %dma_start3A_78 = tpu.memref_slice %arg10[%add3A_21, %dma_start3A_77] : memref<10240x128xf32, #tpu.memory_space<vmem_shared>> -> memref<80x128xf32, #tpu.memory_space<vmem_shared>>
      tpu.enqueue_dma source(%arg8 : memref<80x128xf32, #tpu.memory_space<vmem>>) target(%dma_start3A_78 : memref<80x128xf32, #tpu.memory_space<vmem_shared>>) target_semaphore(%run_scoped3A_74 : memref<!tpu.dma_semaphore, #tpu.memory_space<semaphore_mem>>)
      %dma_wait3A_79 = arith.constant 0 : i32
      %dma_wait3A_80 = tpu.memref_slice %arg10[%add3A_21, %dma_wait3A_79] : memref<10240x128xf32, #tpu.memory_space<vmem_shared>> -> memref<80x128xf32, #tpu.memory_space<vmem_shared>>
      %dma_wait3A_81 = arith.constant 0 : i32
      %dma_wait3A_82 = tpu.memref_slice %arg10[%add3A_21, %dma_wait3A_81] : memref<10240x128xf32, #tpu.memory_space<vmem_shared>> -> memref<80x128xf32, #tpu.memory_space<vmem_shared>>
      tpu.wait_dma2 semaphore(%run_scoped3A_74 : memref<!tpu.dma_semaphore, #tpu.memory_space<semaphore_mem>>) src(%arg8 : memref<80x128xf32, #tpu.memory_space<vmem>>) dst(%dma_wait3A_82 : memref<80x128xf32, #tpu.memory_space<vmem_shared>>)
      tpu.yield
    }) : () -> ()
    %add3A_22 = arith.constant 480 : i32
    %add3A_23 = arith.addi %mul3A_2, %add3A_22 : i32
    "tpu.region"() ({
      %run_scoped3A_74 = tpu.sem_alloc : memref<!tpu.dma_semaphore, #tpu.memory_space<semaphore_mem>>
      %dma_start3A_75 = arith.constant 0 : i32
      %dma_start3A_76 = tpu.memref_slice %arg10[%add3A_23, %dma_start3A_75] : memref<10240x128xf32, #tpu.memory_space<vmem_shared>> -> memref<80x128xf32, #tpu.memory_space<vmem_shared>>
      %dma_start3A_77 = arith.constant 0 : i32
      %dma_start3A_78 = tpu.memref_slice %arg10[%add3A_23, %dma_start3A_77] : memref<10240x128xf32, #tpu.memory_space<vmem_shared>> -> memref<80x128xf32, #tpu.memory_space<vmem_shared>>
      tpu.enqueue_dma source(%arg8 : memref<80x128xf32, #tpu.memory_space<vmem>>) target(%dma_start3A_78 : memref<80x128xf32, #tpu.memory_space<vmem_shared>>) target_semaphore(%run_scoped3A_74 : memref<!tpu.dma_semaphore, #tpu.memory_space<semaphore_mem>>)
      %dma_wait3A_79 = arith.constant 0 : i32
      %dma_wait3A_80 = tpu.memref_slice %arg10[%add3A_23, %dma_wait3A_79] : memref<10240x128xf32, #tpu.memory_space<vmem_shared>> -> memref<80x128xf32, #tpu.memory_space<vmem_shared>>
      %dma_wait3A_81 = arith.constant 0 : i32
      %dma_wait3A_82 = tpu.memref_slice %arg10[%add3A_23, %dma_wait3A_81] : memref<10240x128xf32, #tpu.memory_space<vmem_shared>> -> memref<80x128xf32, #tpu.memory_space<vmem_shared>>
      tpu.wait_dma2 semaphore(%run_scoped3A_74 : memref<!tpu.dma_semaphore, #tpu.memory_space<semaphore_mem>>) src(%arg8 : memref<80x128xf32, #tpu.memory_space<vmem>>) dst(%dma_wait3A_82 : memref<80x128xf32, #tpu.memory_space<vmem_shared>>)
      tpu.yield
    }) : () -> ()
    %add3A_24 = arith.constant 560 : i32
    %add3A_25 = arith.addi %mul3A_2, %add3A_24 : i32
    "tpu.region"() ({
      %run_scoped3A_74 = tpu.sem_alloc : memref<!tpu.dma_semaphore, #tpu.memory_space<semaphore_mem>>
      %dma_start3A_75 = arith.constant 0 : i32
      %dma_start3A_76 = tpu.memref_slice %arg10[%add3A_25, %dma_start3A_75] : memref<10240x128xf32, #tpu.memory_space<vmem_shared>> -> memref<80x128xf32, #tpu.memory_space<vmem_shared>>
      %dma_start3A_77 = arith.constant 0 : i32
      %dma_start3A_78 = tpu.memref_slice %arg10[%add3A_25, %dma_start3A_77] : memref<10240x128xf32, #tpu.memory_space<vmem_shared>> -> memref<80x128xf32, #tpu.memory_space<vmem_shared>>
      tpu.enqueue_dma source(%arg8 : memref<80x128xf32, #tpu.memory_space<vmem>>) target(%dma_start3A_78 : memref<80x128xf32, #tpu.memory_space<vmem_shared>>) target_semaphore(%run_scoped3A_74 : memref<!tpu.dma_semaphore, #tpu.memory_space<semaphore_mem>>)
      %dma_wait3A_79 = arith.constant 0 : i32
      %dma_wait3A_80 = tpu.memref_slice %arg10[%add3A_25, %dma_wait3A_79] : memref<10240x128xf32, #tpu.memory_space<vmem_shared>> -> memref<80x128xf32, #tpu.memory_space<vmem_shared>>
      %dma_wait3A_81 = arith.constant 0 : i32
      %dma_wait3A_82 = tpu.memref_slice %arg10[%add3A_25, %dma_wait3A_81] : memref<10240x128xf32, #tpu.memory_space<vmem_shared>> -> memref<80x128xf32, #tpu.memory_space<vmem_shared>>
      tpu.wait_dma2 semaphore(%run_scoped3A_74 : memref<!tpu.dma_semaphore, #tpu.memory_space<semaphore_mem>>) src(%arg8 : memref<80x128xf32, #tpu.memory_space<vmem>>) dst(%dma_wait3A_82 : memref<80x128xf32, #tpu.memory_space<vmem_shared>>)
      tpu.yield
    }) : () -> ()
    %barrier3A = arith.constant 0 : index
    tpu.barrier barrier_id(%barrier3A)
    %dma_start3A = arith.constant 0 : i32
    %dma_start3A_26 = tpu.memref_slice %arg6[%dma_start3A] : memref<10000xi32, #tpu.memory_space<vmem>> -> memref<80xi32, #tpu.memory_space<vmem>>
    %dma_start3A_27 = arith.constant 0 : i32
    %dma_start3A_28 = arith.constant 0 : i32
    %dma_start3A_29 = tpu.memref_slice %arg2[%dma_start3A_27, %dma_start3A_28] : memref<10000x128xf32, #tpu.memory_space<hbm>> -> memref<10000x128xf32, #tpu.memory_space<hbm>>
    tpu.enqueue_indirect_dma source(%dma_start3A_29 : memref<10000x128xf32, #tpu.memory_space<hbm>>) target(%arg8 : memref<80x128xf32, #tpu.memory_space<vmem>>) offsets(%dma_start3A_26 : memref<80xi32, #tpu.memory_space<vmem>>) semaphore(%arg11 : memref<!tpu.dma_semaphore, #tpu.memory_space<semaphore_mem>>)
    %scan3A_30 = arith.constant 0 : i32
    %scan3A_31 = arith.constant 0 : i32
    %scan3A_32 = arith.constant 62 : i32
    %scan3A_33 = arith.addi %scan3A_31, %scan3A_32 : i32
    %scan3A_34 = arith.constant 1 : i32
    %scan3A_35 = scf.for %scan3A_74 = %scan3A_31 to %scan3A_33 step %scan3A_34 iter_args(%scan3A_75 = %scan3A_30) -> (i32)  : i32 {
      %mul3A_76 = arith.constant 2 : i32
      %mul3A_77 = arith.muli %mul3A_76, %scan3A_74 : i32
      %add3A_78 = arith.constant 1 : i32
      %add3A_79 = arith.addi %mul3A_77, %add3A_78 : i32
      %mul3A_80 = arith.constant 80 : i32
      %mul3A_81 = arith.muli %add3A_79, %mul3A_80 : i32
      %dma_start3A_82 = tpu.memref_slice %arg6[%mul3A_81] : memref<10000xi32, #tpu.memory_space<vmem>> -> memref<80xi32, #tpu.memory_space<vmem>>
      %dma_start3A_83 = arith.constant 0 : i32
      %dma_start3A_84 = arith.constant 0 : i32
      %dma_start3A_85 = tpu.memref_slice %arg2[%dma_start3A_83, %dma_start3A_84] : memref<10000x128xf32, #tpu.memory_space<hbm>> -> memref<10000x128xf32, #tpu.memory_space<hbm>>
      tpu.enqueue_indirect_dma source(%dma_start3A_85 : memref<10000x128xf32, #tpu.memory_space<hbm>>) target(%arg9 : memref<80x128xf32, #tpu.memory_space<vmem>>) offsets(%dma_start3A_82 : memref<80xi32, #tpu.memory_space<vmem>>) semaphore(%arg12 : memref<!tpu.dma_semaphore, #tpu.memory_space<semaphore_mem>>)
      %mul3A_86 = arith.constant 80 : i32
      %mul3A_87 = arith.muli %mul3A_77, %mul3A_86 : i32
      %dma_wait3A_88 = tpu.memref_slice %arg6[%mul3A_87] : memref<10000xi32, #tpu.memory_space<vmem>> -> memref<80xi32, #tpu.memory_space<vmem>>
      %dma_wait3A_89 = arith.constant 0 : i32
      %dma_wait3A_90 = arith.constant 0 : i32
      %dma_wait3A_91 = tpu.memref_slice %arg2[%dma_wait3A_89, %dma_wait3A_90] : memref<10000x128xf32, #tpu.memory_space<hbm>> -> memref<10000x128xf32, #tpu.memory_space<hbm>>
      tpu.wait_indirect_dma semaphore(%arg11 : memref<!tpu.dma_semaphore, #tpu.memory_space<semaphore_mem>>) src(%dma_wait3A_91 : memref<10000x128xf32, #tpu.memory_space<hbm>>) dst(%arg8 : memref<80x128xf32, #tpu.memory_space<vmem>>)
      "tpu.region"() ({
        %run_scoped3A_111 = tpu.sem_alloc : memref<!tpu.dma_semaphore, #tpu.memory_space<semaphore_mem>>
        %dma_start3A_112 = arith.constant 0 : i32
        %dma_start3A_113 = tpu.memref_slice %arg7[%mul3A_77, %dma_start3A_112] : memref<125x80xi32, #tpu.memory_space<vmem>> -> memref<1x80xi32, #tpu.memory_space<vmem>>
        %dma_start3A_114 = tpu.memref_squeeze %dma_start3A_113 : memref<1x80xi32, #tpu.memory_space<vmem>> -> memref<80xi32, #tpu.memory_space<vmem>>
        %dma_start3A_115 = arith.constant 0 : i32
        %dma_start3A_116 = arith.constant 0 : i32
        %dma_start3A_117 = tpu.memref_slice %arg10[%dma_start3A_115, %dma_start3A_116] : memref<10240x128xf32, #tpu.memory_space<vmem_shared>> -> memref<10240x128xf32, #tpu.memory_space<vmem_shared>>
        tpu.enqueue_indirect_dma source(%arg8 : memref<80x128xf32, #tpu.memory_space<vmem>>) target(%dma_start3A_117 : memref<10240x128xf32, #tpu.memory_space<vmem_shared>>) offsets(%dma_start3A_114 : memref<80xi32, #tpu.memory_space<vmem>>) semaphore(%run_scoped3A_111 : memref<!tpu.dma_semaphore, #tpu.memory_space<semaphore_mem>>) {add = true}
        %dma_wait3A_118 = arith.constant 0 : i32
        %dma_wait3A_119 = tpu.memref_slice %arg7[%mul3A_77, %dma_wait3A_118] : memref<125x80xi32, #tpu.memory_space<vmem>> -> memref<1x80xi32, #tpu.memory_space<vmem>>
        %dma_wait3A_120 = tpu.memref_squeeze %dma_wait3A_119 : memref<1x80xi32, #tpu.memory_space<vmem>> -> memref<80xi32, #tpu.memory_space<vmem>>
        %dma_wait3A_121 = arith.constant 0 : i32
        %dma_wait3A_122 = arith.constant 0 : i32
        %dma_wait3A_123 = tpu.memref_slice %arg10[%dma_wait3A_121, %dma_wait3A_122] : memref<10240x128xf32, #tpu.memory_space<vmem_shared>> -> memref<10240x128xf32, #tpu.memory_space<vmem_shared>>
        tpu.wait_indirect_dma semaphore(%run_scoped3A_111 : memref<!tpu.dma_semaphore, #tpu.memory_space<semaphore_mem>>) src(%arg8 : memref<80x128xf32, #tpu.memory_space<vmem>>) dst(%dma_wait3A_123 : memref<10240x128xf32, #tpu.memory_space<vmem_shared>>)
        tpu.yield
      }) : () -> ()
      %add3A_92 = arith.constant 2 : i32
      %add3A_93 = arith.addi %mul3A_77, %add3A_92 : i32
      %mul3A_94 = arith.constant 80 : i32
      %mul3A_95 = arith.muli %add3A_93, %mul3A_94 : i32
      %dma_start3A_96 = tpu.memref_slice %arg6[%mul3A_95] : memref<10000xi32, #tpu.memory_space<vmem>> -> memref<80xi32, #tpu.memory_space<vmem>>
      %dma_start3A_97 = arith.constant 0 : i32
      %dma_start3A_98 = arith.constant 0 : i32
      %dma_start3A_99 = tpu.memref_slice %arg2[%dma_start3A_97, %dma_start3A_98] : memref<10000x128xf32, #tpu.memory_space<hbm>> -> memref<10000x128xf32, #tpu.memory_space<hbm>>
      tpu.enqueue_indirect_dma source(%dma_start3A_99 : memref<10000x128xf32, #tpu.memory_space<hbm>>) target(%arg8 : memref<80x128xf32, #tpu.memory_space<vmem>>) offsets(%dma_start3A_96 : memref<80xi32, #tpu.memory_space<vmem>>) semaphore(%arg11 : memref<!tpu.dma_semaphore, #tpu.memory_space<semaphore_mem>>)
      %add3A_100 = arith.constant 1 : i32
      %add3A_101 = arith.addi %mul3A_77, %add3A_100 : i32
      %mul3A_102 = arith.constant 80 : i32
      %mul3A_103 = arith.muli %add3A_101, %mul3A_102 : i32
      %dma_wait3A_104 = tpu.memref_slice %arg6[%mul3A_103] : memref<10000xi32, #tpu.memory_space<vmem>> -> memref<80xi32, #tpu.memory_space<vmem>>
      %dma_wait3A_105 = arith.constant 0 : i32
      %dma_wait3A_106 = arith.constant 0 : i32
      %dma_wait3A_107 = tpu.memref_slice %arg2[%dma_wait3A_105, %dma_wait3A_106] : memref<10000x128xf32, #tpu.memory_space<hbm>> -> memref<10000x128xf32, #tpu.memory_space<hbm>>
      tpu.wait_indirect_dma semaphore(%arg12 : memref<!tpu.dma_semaphore, #tpu.memory_space<semaphore_mem>>) src(%dma_wait3A_107 : memref<10000x128xf32, #tpu.memory_space<hbm>>) dst(%arg9 : memref<80x128xf32, #tpu.memory_space<vmem>>)
      %add3A_108 = arith.constant 1 : i32
      %add3A_109 = arith.addi %mul3A_77, %add3A_108 : i32
      "tpu.region"() ({
        %run_scoped3A_111 = tpu.sem_alloc : memref<!tpu.dma_semaphore, #tpu.memory_space<semaphore_mem>>
        %dma_start3A_112 = arith.constant 0 : i32
        %dma_start3A_113 = tpu.memref_slice %arg7[%add3A_109, %dma_start3A_112] : memref<125x80xi32, #tpu.memory_space<vmem>> -> memref<1x80xi32, #tpu.memory_space<vmem>>
        %dma_start3A_114 = tpu.memref_squeeze %dma_start3A_113 : memref<1x80xi32, #tpu.memory_space<vmem>> -> memref<80xi32, #tpu.memory_space<vmem>>
        %dma_start3A_115 = arith.constant 0 : i32
        %dma_start3A_116 = arith.constant 0 : i32
        %dma_start3A_117 = tpu.memref_slice %arg10[%dma_start3A_115, %dma_start3A_116] : memref<10240x128xf32, #tpu.memory_space<vmem_shared>> -> memref<10240x128xf32, #tpu.memory_space<vmem_shared>>
        tpu.enqueue_indirect_dma source(%arg9 : memref<80x128xf32, #tpu.memory_space<vmem>>) target(%dma_start3A_117 : memref<10240x128xf32, #tpu.memory_space<vmem_shared>>) offsets(%dma_start3A_114 : memref<80xi32, #tpu.memory_space<vmem>>) semaphore(%run_scoped3A_111 : memref<!tpu.dma_semaphore, #tpu.memory_space<semaphore_mem>>) {add = true}
        %dma_wait3A_118 = arith.constant 0 : i32
        %dma_wait3A_119 = tpu.memref_slice %arg7[%add3A_109, %dma_wait3A_118] : memref<125x80xi32, #tpu.memory_space<vmem>> -> memref<1x80xi32, #tpu.memory_space<vmem>>
        %dma_wait3A_120 = tpu.memref_squeeze %dma_wait3A_119 : memref<1x80xi32, #tpu.memory_space<vmem>> -> memref<80xi32, #tpu.memory_space<vmem>>
        %dma_wait3A_121 = arith.constant 0 : i32
        %dma_wait3A_122 = arith.constant 0 : i32
        %dma_wait3A_123 = tpu.memref_slice %arg10[%dma_wait3A_121, %dma_wait3A_122] : memref<10240x128xf32, #tpu.memory_space<vmem_shared>> -> memref<10240x128xf32, #tpu.memory_space<vmem_shared>>
        tpu.wait_indirect_dma semaphore(%run_scoped3A_111 : memref<!tpu.dma_semaphore, #tpu.memory_space<semaphore_mem>>) src(%arg9 : memref<80x128xf32, #tpu.memory_space<vmem>>) dst(%dma_wait3A_123 : memref<10240x128xf32, #tpu.memory_space<vmem_shared>>)
        tpu.yield
      }) : () -> ()
      %scan3A_110 = arith.constant 0 : i32
      scf.yield %scan3A_110 : i32
    }
    %scan3A_36 = arith.constant 62 : i32
    %dma_wait3A = arith.constant 9920 : i32
    %dma_wait3A_37 = tpu.memref_slice %arg6[%dma_wait3A] : memref<10000xi32, #tpu.memory_space<vmem>> -> memref<80xi32, #tpu.memory_space<vmem>>
    %dma_wait3A_38 = arith.constant 0 : i32
    %dma_wait3A_39 = arith.constant 0 : i32
    %dma_wait3A_40 = tpu.memref_slice %arg2[%dma_wait3A_38, %dma_wait3A_39] : memref<10000x128xf32, #tpu.memory_space<hbm>> -> memref<10000x128xf32, #tpu.memory_space<hbm>>
    tpu.wait_indirect_dma semaphore(%arg11 : memref<!tpu.dma_semaphore, #tpu.memory_space<semaphore_mem>>) src(%dma_wait3A_40 : memref<10000x128xf32, #tpu.memory_space<hbm>>) dst(%arg8 : memref<80x128xf32, #tpu.memory_space<vmem>>)
    %run_scoped3A = arith.constant 124 : i32
    "tpu.region"() ({
      %run_scoped3A_74 = tpu.sem_alloc : memref<!tpu.dma_semaphore, #tpu.memory_space<semaphore_mem>>
      %dma_start3A_75 = arith.constant 0 : i32
      %dma_start3A_76 = tpu.memref_slice %arg7[%run_scoped3A, %dma_start3A_75] : memref<125x80xi32, #tpu.memory_space<vmem>> -> memref<1x80xi32, #tpu.memory_space<vmem>>
      %dma_start3A_77 = tpu.memref_squeeze %dma_start3A_76 : memref<1x80xi32, #tpu.memory_space<vmem>> -> memref<80xi32, #tpu.memory_space<vmem>>
      %dma_start3A_78 = arith.constant 0 : i32
      %dma_start3A_79 = arith.constant 0 : i32
      %dma_start3A_80 = tpu.memref_slice %arg10[%dma_start3A_78, %dma_start3A_79] : memref<10240x128xf32, #tpu.memory_space<vmem_shared>> -> memref<10240x128xf32, #tpu.memory_space<vmem_shared>>
      tpu.enqueue_indirect_dma source(%arg8 : memref<80x128xf32, #tpu.memory_space<vmem>>) target(%dma_start3A_80 : memref<10240x128xf32, #tpu.memory_space<vmem_shared>>) offsets(%dma_start3A_77 : memref<80xi32, #tpu.memory_space<vmem>>) semaphore(%run_scoped3A_74 : memref<!tpu.dma_semaphore, #tpu.memory_space<semaphore_mem>>) {add = true}
      %dma_wait3A_81 = arith.constant 0 : i32
      %dma_wait3A_82 = tpu.memref_slice %arg7[%run_scoped3A, %dma_wait3A_81] : memref<125x80xi32, #tpu.memory_space<vmem>> -> memref<1x80xi32, #tpu.memory_space<vmem>>
      %dma_wait3A_83 = tpu.memref_squeeze %dma_wait3A_82 : memref<1x80xi32, #tpu.memory_space<vmem>> -> memref<80xi32, #tpu.memory_space<vmem>>
      %dma_wait3A_84 = arith.constant 0 : i32
      %dma_wait3A_85 = arith.constant 0 : i32
      %dma_wait3A_86 = tpu.memref_slice %arg10[%dma_wait3A_84, %dma_wait3A_85] : memref<10240x128xf32, #tpu.memory_space<vmem_shared>> -> memref<10240x128xf32, #tpu.memory_space<vmem_shared>>
      tpu.wait_indirect_dma semaphore(%run_scoped3A_74 : memref<!tpu.dma_semaphore, #tpu.memory_space<semaphore_mem>>) src(%arg8 : memref<80x128xf32, #tpu.memory_space<vmem>>) dst(%dma_wait3A_86 : memref<10240x128xf32, #tpu.memory_space<vmem_shared>>)
      tpu.yield
    }) : () -> ()
    %barrier3A_41 = arith.constant 0 : index
    tpu.barrier barrier_id(%barrier3A_41)
    %add3A_42 = arith.constant 0 : i32
    %add3A_43 = arith.addi %mul3A_2, %add3A_42 : i32
    "tpu.region"() ({
      %run_scoped3A_74 = tpu.sem_alloc : memref<!tpu.dma_semaphore, #tpu.memory_space<semaphore_mem>>
      %dma_start3A_75 = arith.constant 0 : i32
      %dma_start3A_76 = tpu.memref_slice %arg10[%add3A_43, %dma_start3A_75] : memref<10240x128xf32, #tpu.memory_space<vmem_shared>> -> memref<80x128xf32, #tpu.memory_space<vmem_shared>>
      %dma_start3A_77 = arith.constant 0 : i32
      %dma_start3A_78 = tpu.memref_slice %arg10[%add3A_43, %dma_start3A_77] : memref<10240x128xf32, #tpu.memory_space<vmem_shared>> -> memref<80x128xf32, #tpu.memory_space<vmem_shared>>
      tpu.enqueue_dma source(%dma_start3A_78 : memref<80x128xf32, #tpu.memory_space<vmem_shared>>) target(%arg8 : memref<80x128xf32, #tpu.memory_space<vmem>>) target_semaphore(%run_scoped3A_74 : memref<!tpu.dma_semaphore, #tpu.memory_space<semaphore_mem>>)
      %dma_wait3A_79 = arith.constant 0 : i32
      %dma_wait3A_80 = tpu.memref_slice %arg10[%add3A_43, %dma_wait3A_79] : memref<10240x128xf32, #tpu.memory_space<vmem_shared>> -> memref<80x128xf32, #tpu.memory_space<vmem_shared>>
      %dma_wait3A_81 = arith.constant 0 : i32
      %dma_wait3A_82 = tpu.memref_slice %arg10[%add3A_43, %dma_wait3A_81] : memref<10240x128xf32, #tpu.memory_space<vmem_shared>> -> memref<80x128xf32, #tpu.memory_space<vmem_shared>>
      tpu.wait_dma2 semaphore(%run_scoped3A_74 : memref<!tpu.dma_semaphore, #tpu.memory_space<semaphore_mem>>) src(%dma_wait3A_82 : memref<80x128xf32, #tpu.memory_space<vmem_shared>>) dst(%arg8 : memref<80x128xf32, #tpu.memory_space<vmem>>)
      tpu.yield
    }) : () -> ()
    %add3A_44 = arith.constant 0 : i32
    %add3A_45 = arith.addi %mul3A_2, %add3A_44 : i32
    "tpu.region"() ({
      %run_scoped3A_74 = tpu.sem_alloc : memref<!tpu.dma_semaphore, #tpu.memory_space<semaphore_mem>>
      %dma_start3A_75 = arith.constant 0 : i32
      %dma_start3A_76 = tpu.memref_slice %arg5[%arg0, %add3A_45, %dma_start3A_75] : memref<2x10240x128xf32, #tpu.memory_space<hbm>> -> memref<1x80x128xf32, #tpu.memory_space<hbm>>
      %dma_start3A_77 = tpu.memref_squeeze %dma_start3A_76 : memref<1x80x128xf32, #tpu.memory_space<hbm>> -> memref<80x128xf32, #tpu.memory_space<hbm>>
      %dma_start3A_78 = arith.constant 0 : i32
      %dma_start3A_79 = tpu.memref_slice %arg5[%arg0, %add3A_45, %dma_start3A_78] : memref<2x10240x128xf32, #tpu.memory_space<hbm>> -> memref<1x80x128xf32, #tpu.memory_space<hbm>>
      %dma_start3A_80 = tpu.memref_squeeze %dma_start3A_79 : memref<1x80x128xf32, #tpu.memory_space<hbm>> -> memref<80x128xf32, #tpu.memory_space<hbm>>
      tpu.enqueue_dma source(%arg8 : memref<80x128xf32, #tpu.memory_space<vmem>>) target(%dma_start3A_80 : memref<80x128xf32, #tpu.memory_space<hbm>>) target_semaphore(%run_scoped3A_74 : memref<!tpu.dma_semaphore, #tpu.memory_space<semaphore_mem>>)
      %dma_wait3A_81 = arith.constant 0 : i32
      %dma_wait3A_82 = tpu.memref_slice %arg5[%arg0, %add3A_45, %dma_wait3A_81] : memref<2x10240x128xf32, #tpu.memory_space<hbm>> -> memref<1x80x128xf32, #tpu.memory_space<hbm>>
      %dma_wait3A_83 = tpu.memref_squeeze %dma_wait3A_82 : memref<1x80x128xf32, #tpu.memory_space<hbm>> -> memref<80x128xf32, #tpu.memory_space<hbm>>
      %dma_wait3A_84 = arith.constant 0 : i32
      %dma_wait3A_85 = tpu.memref_slice %arg5[%arg0, %add3A_45, %dma_wait3A_84] : memref<2x10240x128xf32, #tpu.memory_space<hbm>> -> memref<1x80x128xf32, #tpu.memory_space<hbm>>
      %dma_wait3A_86 = tpu.memref_squeeze %dma_wait3A_85 : memref<1x80x128xf32, #tpu.memory_space<hbm>> -> memref<80x128xf32, #tpu.memory_space<hbm>>
      tpu.wait_dma2 semaphore(%run_scoped3A_74 : memref<!tpu.dma_semaphore, #tpu.memory_space<semaphore_mem>>) src(%arg8 : memref<80x128xf32, #tpu.memory_space<vmem>>) dst(%dma_wait3A_86 : memref<80x128xf32, #tpu.memory_space<hbm>>)
      tpu.yield
    }) : () -> ()
    %add3A_46 = arith.constant 80 : i32
    %add3A_47 = arith.addi %mul3A_2, %add3A_46 : i32
    "tpu.region"() ({
      %run_scoped3A_74 = tpu.sem_alloc : memref<!tpu.dma_semaphore, #tpu.memory_space<semaphore_mem>>
      %dma_start3A_75 = arith.constant 0 : i32
      %dma_start3A_76 = tpu.memref_slice %arg10[%add3A_47, %dma_start3A_75] : memref<10240x128xf32, #tpu.memory_space<vmem_shared>> -> memref<80x128xf32, #tpu.memory_space<vmem_shared>>
      %dma_start3A_77 = arith.constant 0 : i32
      %dma_start3A_78 = tpu.memref_slice %arg10[%add3A_47, %dma_start3A_77] : memref<10240x128xf32, #tpu.memory_space<vmem_shared>> -> memref<80x128xf32, #tpu.memory_space<vmem_shared>>
      tpu.enqueue_dma source(%dma_start3A_78 : memref<80x128xf32, #tpu.memory_space<vmem_shared>>) target(%arg8 : memref<80x128xf32, #tpu.memory_space<vmem>>) target_semaphore(%run_scoped3A_74 : memref<!tpu.dma_semaphore, #tpu.memory_space<semaphore_mem>>)
      %dma_wait3A_79 = arith.constant 0 : i32
      %dma_wait3A_80 = tpu.memref_slice %arg10[%add3A_47, %dma_wait3A_79] : memref<10240x128xf32, #tpu.memory_space<vmem_shared>> -> memref<80x128xf32, #tpu.memory_space<vmem_shared>>
      %dma_wait3A_81 = arith.constant 0 : i32
      %dma_wait3A_82 = tpu.memref_slice %arg10[%add3A_47, %dma_wait3A_81] : memref<10240x128xf32, #tpu.memory_space<vmem_shared>> -> memref<80x128xf32, #tpu.memory_space<vmem_shared>>
      tpu.wait_dma2 semaphore(%run_scoped3A_74 : memref<!tpu.dma_semaphore, #tpu.memory_space<semaphore_mem>>) src(%dma_wait3A_82 : memref<80x128xf32, #tpu.memory_space<vmem_shared>>) dst(%arg8 : memref<80x128xf32, #tpu.memory_space<vmem>>)
      tpu.yield
    }) : () -> ()
    %add3A_48 = arith.constant 80 : i32
    %add3A_49 = arith.addi %mul3A_2, %add3A_48 : i32
    "tpu.region"() ({
      %run_scoped3A_74 = tpu.sem_alloc : memref<!tpu.dma_semaphore, #tpu.memory_space<semaphore_mem>>
      %dma_start3A_75 = arith.constant 0 : i32
      %dma_start3A_76 = tpu.memref_slice %arg5[%arg0, %add3A_49, %dma_start3A_75] : memref<2x10240x128xf32, #tpu.memory_space<hbm>> -> memref<1x80x128xf32, #tpu.memory_space<hbm>>
      %dma_start3A_77 = tpu.memref_squeeze %dma_start3A_76 : memref<1x80x128xf32, #tpu.memory_space<hbm>> -> memref<80x128xf32, #tpu.memory_space<hbm>>
      %dma_start3A_78 = arith.constant 0 : i32
      %dma_start3A_79 = tpu.memref_slice %arg5[%arg0, %add3A_49, %dma_start3A_78] : memref<2x10240x128xf32, #tpu.memory_space<hbm>> -> memref<1x80x128xf32, #tpu.memory_space<hbm>>
      %dma_start3A_80 = tpu.memref_squeeze %dma_start3A_79 : memref<1x80x128xf32, #tpu.memory_space<hbm>> -> memref<80x128xf32, #tpu.memory_space<hbm>>
      tpu.enqueue_dma source(%arg8 : memref<80x128xf32, #tpu.memory_space<vmem>>) target(%dma_start3A_80 : memref<80x128xf32, #tpu.memory_space<hbm>>) target_semaphore(%run_scoped3A_74 : memref<!tpu.dma_semaphore, #tpu.memory_space<semaphore_mem>>)
      %dma_wait3A_81 = arith.constant 0 : i32
      %dma_wait3A_82 = tpu.memref_slice %arg5[%arg0, %add3A_49, %dma_wait3A_81] : memref<2x10240x128xf32, #tpu.memory_space<hbm>> -> memref<1x80x128xf32, #tpu.memory_space<hbm>>
      %dma_wait3A_83 = tpu.memref_squeeze %dma_wait3A_82 : memref<1x80x128xf32, #tpu.memory_space<hbm>> -> memref<80x128xf32, #tpu.memory_space<hbm>>
      %dma_wait3A_84 = arith.constant 0 : i32
      %dma_wait3A_85 = tpu.memref_slice %arg5[%arg0, %add3A_49, %dma_wait3A_84] : memref<2x10240x128xf32, #tpu.memory_space<hbm>> -> memref<1x80x128xf32, #tpu.memory_space<hbm>>
      %dma_wait3A_86 = tpu.memref_squeeze %dma_wait3A_85 : memref<1x80x128xf32, #tpu.memory_space<hbm>> -> memref<80x128xf32, #tpu.memory_space<hbm>>
      tpu.wait_dma2 semaphore(%run_scoped3A_74 : memref<!tpu.dma_semaphore, #tpu.memory_space<semaphore_mem>>) src(%arg8 : memref<80x128xf32, #tpu.memory_space<vmem>>) dst(%dma_wait3A_86 : memref<80x128xf32, #tpu.memory_space<hbm>>)
      tpu.yield
    }) : () -> ()
    %add3A_50 = arith.constant 160 : i32
    %add3A_51 = arith.addi %mul3A_2, %add3A_50 : i32
    "tpu.region"() ({
      %run_scoped3A_74 = tpu.sem_alloc : memref<!tpu.dma_semaphore, #tpu.memory_space<semaphore_mem>>
      %dma_start3A_75 = arith.constant 0 : i32
      %dma_start3A_76 = tpu.memref_slice %arg10[%add3A_51, %dma_start3A_75] : memref<10240x128xf32, #tpu.memory_space<vmem_shared>> -> memref<80x128xf32, #tpu.memory_space<vmem_shared>>
      %dma_start3A_77 = arith.constant 0 : i32
      %dma_start3A_78 = tpu.memref_slice %arg10[%add3A_51, %dma_start3A_77] : memref<10240x128xf32, #tpu.memory_space<vmem_shared>> -> memref<80x128xf32, #tpu.memory_space<vmem_shared>>
      tpu.enqueue_dma source(%dma_start3A_78 : memref<80x128xf32, #tpu.memory_space<vmem_shared>>) target(%arg8 : memref<80x128xf32, #tpu.memory_space<vmem>>) target_semaphore(%run_scoped3A_74 : memref<!tpu.dma_semaphore, #tpu.memory_space<semaphore_mem>>)
      %dma_wait3A_79 = arith.constant 0 : i32
      %dma_wait3A_80 = tpu.memref_slice %arg10[%add3A_51, %dma_wait3A_79] : memref<10240x128xf32, #tpu.memory_space<vmem_shared>> -> memref<80x128xf32, #tpu.memory_space<vmem_shared>>
      %dma_wait3A_81 = arith.constant 0 : i32
      %dma_wait3A_82 = tpu.memref_slice %arg10[%add3A_51, %dma_wait3A_81] : memref<10240x128xf32, #tpu.memory_space<vmem_shared>> -> memref<80x128xf32, #tpu.memory_space<vmem_shared>>
      tpu.wait_dma2 semaphore(%run_scoped3A_74 : memref<!tpu.dma_semaphore, #tpu.memory_space<semaphore_mem>>) src(%dma_wait3A_82 : memref<80x128xf32, #tpu.memory_space<vmem_shared>>) dst(%arg8 : memref<80x128xf32, #tpu.memory_space<vmem>>)
      tpu.yield
    }) : () -> ()
    %add3A_52 = arith.constant 160 : i32
    %add3A_53 = arith.addi %mul3A_2, %add3A_52 : i32
    "tpu.region"() ({
      %run_scoped3A_74 = tpu.sem_alloc : memref<!tpu.dma_semaphore, #tpu.memory_space<semaphore_mem>>
      %dma_start3A_75 = arith.constant 0 : i32
      %dma_start3A_76 = tpu.memref_slice %arg5[%arg0, %add3A_53, %dma_start3A_75] : memref<2x10240x128xf32, #tpu.memory_space<hbm>> -> memref<1x80x128xf32, #tpu.memory_space<hbm>>
      %dma_start3A_77 = tpu.memref_squeeze %dma_start3A_76 : memref<1x80x128xf32, #tpu.memory_space<hbm>> -> memref<80x128xf32, #tpu.memory_space<hbm>>
      %dma_start3A_78 = arith.constant 0 : i32
      %dma_start3A_79 = tpu.memref_slice %arg5[%arg0, %add3A_53, %dma_start3A_78] : memref<2x10240x128xf32, #tpu.memory_space<hbm>> -> memref<1x80x128xf32, #tpu.memory_space<hbm>>
      %dma_start3A_80 = tpu.memref_squeeze %dma_start3A_79 : memref<1x80x128xf32, #tpu.memory_space<hbm>> -> memref<80x128xf32, #tpu.memory_space<hbm>>
      tpu.enqueue_dma source(%arg8 : memref<80x128xf32, #tpu.memory_space<vmem>>) target(%dma_start3A_80 : memref<80x128xf32, #tpu.memory_space<hbm>>) target_semaphore(%run_scoped3A_74 : memref<!tpu.dma_semaphore, #tpu.memory_space<semaphore_mem>>)
      %dma_wait3A_81 = arith.constant 0 : i32
      %dma_wait3A_82 = tpu.memref_slice %arg5[%arg0, %add3A_53, %dma_wait3A_81] : memref<2x10240x128xf32, #tpu.memory_space<hbm>> -> memref<1x80x128xf32, #tpu.memory_space<hbm>>
      %dma_wait3A_83 = tpu.memref_squeeze %dma_wait3A_82 : memref<1x80x128xf32, #tpu.memory_space<hbm>> -> memref<80x128xf32, #tpu.memory_space<hbm>>
      %dma_wait3A_84 = arith.constant 0 : i32
      %dma_wait3A_85 = tpu.memref_slice %arg5[%arg0, %add3A_53, %dma_wait3A_84] : memref<2x10240x128xf32, #tpu.memory_space<hbm>> -> memref<1x80x128xf32, #tpu.memory_space<hbm>>
      %dma_wait3A_86 = tpu.memref_squeeze %dma_wait3A_85 : memref<1x80x128xf32, #tpu.memory_space<hbm>> -> memref<80x128xf32, #tpu.memory_space<hbm>>
      tpu.wait_dma2 semaphore(%run_scoped3A_74 : memref<!tpu.dma_semaphore, #tpu.memory_space<semaphore_mem>>) src(%arg8 : memref<80x128xf32, #tpu.memory_space<vmem>>) dst(%dma_wait3A_86 : memref<80x128xf32, #tpu.memory_space<hbm>>)
      tpu.yield
    }) : () -> ()
    %add3A_54 = arith.constant 240 : i32
    %add3A_55 = arith.addi %mul3A_2, %add3A_54 : i32
    "tpu.region"() ({
      %run_scoped3A_74 = tpu.sem_alloc : memref<!tpu.dma_semaphore, #tpu.memory_space<semaphore_mem>>
      %dma_start3A_75 = arith.constant 0 : i32
      %dma_start3A_76 = tpu.memref_slice %arg10[%add3A_55, %dma_start3A_75] : memref<10240x128xf32, #tpu.memory_space<vmem_shared>> -> memref<80x128xf32, #tpu.memory_space<vmem_shared>>
      %dma_start3A_77 = arith.constant 0 : i32
      %dma_start3A_78 = tpu.memref_slice %arg10[%add3A_55, %dma_start3A_77] : memref<10240x128xf32, #tpu.memory_space<vmem_shared>> -> memref<80x128xf32, #tpu.memory_space<vmem_shared>>
      tpu.enqueue_dma source(%dma_start3A_78 : memref<80x128xf32, #tpu.memory_space<vmem_shared>>) target(%arg8 : memref<80x128xf32, #tpu.memory_space<vmem>>) target_semaphore(%run_scoped3A_74 : memref<!tpu.dma_semaphore, #tpu.memory_space<semaphore_mem>>)
      %dma_wait3A_79 = arith.constant 0 : i32
      %dma_wait3A_80 = tpu.memref_slice %arg10[%add3A_55, %dma_wait3A_79] : memref<10240x128xf32, #tpu.memory_space<vmem_shared>> -> memref<80x128xf32, #tpu.memory_space<vmem_shared>>
      %dma_wait3A_81 = arith.constant 0 : i32
      %dma_wait3A_82 = tpu.memref_slice %arg10[%add3A_55, %dma_wait3A_81] : memref<10240x128xf32, #tpu.memory_space<vmem_shared>> -> memref<80x128xf32, #tpu.memory_space<vmem_shared>>
      tpu.wait_dma2 semaphore(%run_scoped3A_74 : memref<!tpu.dma_semaphore, #tpu.memory_space<semaphore_mem>>) src(%dma_wait3A_82 : memref<80x128xf32, #tpu.memory_space<vmem_shared>>) dst(%arg8 : memref<80x128xf32, #tpu.memory_space<vmem>>)
      tpu.yield
    }) : () -> ()
    %add3A_56 = arith.constant 240 : i32
    %add3A_57 = arith.addi %mul3A_2, %add3A_56 : i32
    "tpu.region"() ({
      %run_scoped3A_74 = tpu.sem_alloc : memref<!tpu.dma_semaphore, #tpu.memory_space<semaphore_mem>>
      %dma_start3A_75 = arith.constant 0 : i32
      %dma_start3A_76 = tpu.memref_slice %arg5[%arg0, %add3A_57, %dma_start3A_75] : memref<2x10240x128xf32, #tpu.memory_space<hbm>> -> memref<1x80x128xf32, #tpu.memory_space<hbm>>
      %dma_start3A_77 = tpu.memref_squeeze %dma_start3A_76 : memref<1x80x128xf32, #tpu.memory_space<hbm>> -> memref<80x128xf32, #tpu.memory_space<hbm>>
      %dma_start3A_78 = arith.constant 0 : i32
      %dma_start3A_79 = tpu.memref_slice %arg5[%arg0, %add3A_57, %dma_start3A_78] : memref<2x10240x128xf32, #tpu.memory_space<hbm>> -> memref<1x80x128xf32, #tpu.memory_space<hbm>>
      %dma_start3A_80 = tpu.memref_squeeze %dma_start3A_79 : memref<1x80x128xf32, #tpu.memory_space<hbm>> -> memref<80x128xf32, #tpu.memory_space<hbm>>
      tpu.enqueue_dma source(%arg8 : memref<80x128xf32, #tpu.memory_space<vmem>>) target(%dma_start3A_80 : memref<80x128xf32, #tpu.memory_space<hbm>>) target_semaphore(%run_scoped3A_74 : memref<!tpu.dma_semaphore, #tpu.memory_space<semaphore_mem>>)
      %dma_wait3A_81 = arith.constant 0 : i32
      %dma_wait3A_82 = tpu.memref_slice %arg5[%arg0, %add3A_57, %dma_wait3A_81] : memref<2x10240x128xf32, #tpu.memory_space<hbm>> -> memref<1x80x128xf32, #tpu.memory_space<hbm>>
      %dma_wait3A_83 = tpu.memref_squeeze %dma_wait3A_82 : memref<1x80x128xf32, #tpu.memory_space<hbm>> -> memref<80x128xf32, #tpu.memory_space<hbm>>
      %dma_wait3A_84 = arith.constant 0 : i32
      %dma_wait3A_85 = tpu.memref_slice %arg5[%arg0, %add3A_57, %dma_wait3A_84] : memref<2x10240x128xf32, #tpu.memory_space<hbm>> -> memref<1x80x128xf32, #tpu.memory_space<hbm>>
      %dma_wait3A_86 = tpu.memref_squeeze %dma_wait3A_85 : memref<1x80x128xf32, #tpu.memory_space<hbm>> -> memref<80x128xf32, #tpu.memory_space<hbm>>
      tpu.wait_dma2 semaphore(%run_scoped3A_74 : memref<!tpu.dma_semaphore, #tpu.memory_space<semaphore_mem>>) src(%arg8 : memref<80x128xf32, #tpu.memory_space<vmem>>) dst(%dma_wait3A_86 : memref<80x128xf32, #tpu.memory_space<hbm>>)
      tpu.yield
    }) : () -> ()
    %add3A_58 = arith.constant 320 : i32
    %add3A_59 = arith.addi %mul3A_2, %add3A_58 : i32
    "tpu.region"() ({
      %run_scoped3A_74 = tpu.sem_alloc : memref<!tpu.dma_semaphore, #tpu.memory_space<semaphore_mem>>
      %dma_start3A_75 = arith.constant 0 : i32
      %dma_start3A_76 = tpu.memref_slice %arg10[%add3A_59, %dma_start3A_75] : memref<10240x128xf32, #tpu.memory_space<vmem_shared>> -> memref<80x128xf32, #tpu.memory_space<vmem_shared>>
      %dma_start3A_77 = arith.constant 0 : i32
      %dma_start3A_78 = tpu.memref_slice %arg10[%add3A_59, %dma_start3A_77] : memref<10240x128xf32, #tpu.memory_space<vmem_shared>> -> memref<80x128xf32, #tpu.memory_space<vmem_shared>>
      tpu.enqueue_dma source(%dma_start3A_78 : memref<80x128xf32, #tpu.memory_space<vmem_shared>>) target(%arg8 : memref<80x128xf32, #tpu.memory_space<vmem>>) target_semaphore(%run_scoped3A_74 : memref<!tpu.dma_semaphore, #tpu.memory_space<semaphore_mem>>)
      %dma_wait3A_79 = arith.constant 0 : i32
      %dma_wait3A_80 = tpu.memref_slice %arg10[%add3A_59, %dma_wait3A_79] : memref<10240x128xf32, #tpu.memory_space<vmem_shared>> -> memref<80x128xf32, #tpu.memory_space<vmem_shared>>
      %dma_wait3A_81 = arith.constant 0 : i32
      %dma_wait3A_82 = tpu.memref_slice %arg10[%add3A_59, %dma_wait3A_81] : memref<10240x128xf32, #tpu.memory_space<vmem_shared>> -> memref<80x128xf32, #tpu.memory_space<vmem_shared>>
      tpu.wait_dma2 semaphore(%run_scoped3A_74 : memref<!tpu.dma_semaphore, #tpu.memory_space<semaphore_mem>>) src(%dma_wait3A_82 : memref<80x128xf32, #tpu.memory_space<vmem_shared>>) dst(%arg8 : memref<80x128xf32, #tpu.memory_space<vmem>>)
      tpu.yield
    }) : () -> ()
    %add3A_60 = arith.constant 320 : i32
    %add3A_61 = arith.addi %mul3A_2, %add3A_60 : i32
    "tpu.region"() ({
      %run_scoped3A_74 = tpu.sem_alloc : memref<!tpu.dma_semaphore, #tpu.memory_space<semaphore_mem>>
      %dma_start3A_75 = arith.constant 0 : i32
      %dma_start3A_76 = tpu.memref_slice %arg5[%arg0, %add3A_61, %dma_start3A_75] : memref<2x10240x128xf32, #tpu.memory_space<hbm>> -> memref<1x80x128xf32, #tpu.memory_space<hbm>>
      %dma_start3A_77 = tpu.memref_squeeze %dma_start3A_76 : memref<1x80x128xf32, #tpu.memory_space<hbm>> -> memref<80x128xf32, #tpu.memory_space<hbm>>
      %dma_start3A_78 = arith.constant 0 : i32
      %dma_start3A_79 = tpu.memref_slice %arg5[%arg0, %add3A_61, %dma_start3A_78] : memref<2x10240x128xf32, #tpu.memory_space<hbm>> -> memref<1x80x128xf32, #tpu.memory_space<hbm>>
      %dma_start3A_80 = tpu.memref_squeeze %dma_start3A_79 : memref<1x80x128xf32, #tpu.memory_space<hbm>> -> memref<80x128xf32, #tpu.memory_space<hbm>>
      tpu.enqueue_dma source(%arg8 : memref<80x128xf32, #tpu.memory_space<vmem>>) target(%dma_start3A_80 : memref<80x128xf32, #tpu.memory_space<hbm>>) target_semaphore(%run_scoped3A_74 : memref<!tpu.dma_semaphore, #tpu.memory_space<semaphore_mem>>)
      %dma_wait3A_81 = arith.constant 0 : i32
      %dma_wait3A_82 = tpu.memref_slice %arg5[%arg0, %add3A_61, %dma_wait3A_81] : memref<2x10240x128xf32, #tpu.memory_space<hbm>> -> memref<1x80x128xf32, #tpu.memory_space<hbm>>
      %dma_wait3A_83 = tpu.memref_squeeze %dma_wait3A_82 : memref<1x80x128xf32, #tpu.memory_space<hbm>> -> memref<80x128xf32, #tpu.memory_space<hbm>>
      %dma_wait3A_84 = arith.constant 0 : i32
      %dma_wait3A_85 = tpu.memref_slice %arg5[%arg0, %add3A_61, %dma_wait3A_84] : memref<2x10240x128xf32, #tpu.memory_space<hbm>> -> memref<1x80x128xf32, #tpu.memory_space<hbm>>
      %dma_wait3A_86 = tpu.memref_squeeze %dma_wait3A_85 : memref<1x80x128xf32, #tpu.memory_space<hbm>> -> memref<80x128xf32, #tpu.memory_space<hbm>>
      tpu.wait_dma2 semaphore(%run_scoped3A_74 : memref<!tpu.dma_semaphore, #tpu.memory_space<semaphore_mem>>) src(%arg8 : memref<80x128xf32, #tpu.memory_space<vmem>>) dst(%dma_wait3A_86 : memref<80x128xf32, #tpu.memory_space<hbm>>)
      tpu.yield
    }) : () -> ()
    %add3A_62 = arith.constant 400 : i32
    %add3A_63 = arith.addi %mul3A_2, %add3A_62 : i32
    "tpu.region"() ({
      %run_scoped3A_74 = tpu.sem_alloc : memref<!tpu.dma_semaphore, #tpu.memory_space<semaphore_mem>>
      %dma_start3A_75 = arith.constant 0 : i32
      %dma_start3A_76 = tpu.memref_slice %arg10[%add3A_63, %dma_start3A_75] : memref<10240x128xf32, #tpu.memory_space<vmem_shared>> -> memref<80x128xf32, #tpu.memory_space<vmem_shared>>
      %dma_start3A_77 = arith.constant 0 : i32
      %dma_start3A_78 = tpu.memref_slice %arg10[%add3A_63, %dma_start3A_77] : memref<10240x128xf32, #tpu.memory_space<vmem_shared>> -> memref<80x128xf32, #tpu.memory_space<vmem_shared>>
      tpu.enqueue_dma source(%dma_start3A_78 : memref<80x128xf32, #tpu.memory_space<vmem_shared>>) target(%arg8 : memref<80x128xf32, #tpu.memory_space<vmem>>) target_semaphore(%run_scoped3A_74 : memref<!tpu.dma_semaphore, #tpu.memory_space<semaphore_mem>>)
      %dma_wait3A_79 = arith.constant 0 : i32
      %dma_wait3A_80 = tpu.memref_slice %arg10[%add3A_63, %dma_wait3A_79] : memref<10240x128xf32, #tpu.memory_space<vmem_shared>> -> memref<80x128xf32, #tpu.memory_space<vmem_shared>>
      %dma_wait3A_81 = arith.constant 0 : i32
      %dma_wait3A_82 = tpu.memref_slice %arg10[%add3A_63, %dma_wait3A_81] : memref<10240x128xf32, #tpu.memory_space<vmem_shared>> -> memref<80x128xf32, #tpu.memory_space<vmem_shared>>
      tpu.wait_dma2 semaphore(%run_scoped3A_74 : memref<!tpu.dma_semaphore, #tpu.memory_space<semaphore_mem>>) src(%dma_wait3A_82 : memref<80x128xf32, #tpu.memory_space<vmem_shared>>) dst(%arg8 : memref<80x128xf32, #tpu.memory_space<vmem>>)
      tpu.yield
    }) : () -> ()
    %add3A_64 = arith.constant 400 : i32
    %add3A_65 = arith.addi %mul3A_2, %add3A_64 : i32
    "tpu.region"() ({
      %run_scoped3A_74 = tpu.sem_alloc : memref<!tpu.dma_semaphore, #tpu.memory_space<semaphore_mem>>
      %dma_start3A_75 = arith.constant 0 : i32
      %dma_start3A_76 = tpu.memref_slice %arg5[%arg0, %add3A_65, %dma_start3A_75] : memref<2x10240x128xf32, #tpu.memory_space<hbm>> -> memref<1x80x128xf32, #tpu.memory_space<hbm>>
      %dma_start3A_77 = tpu.memref_squeeze %dma_start3A_76 : memref<1x80x128xf32, #tpu.memory_space<hbm>> -> memref<80x128xf32, #tpu.memory_space<hbm>>
      %dma_start3A_78 = arith.constant 0 : i32
      %dma_start3A_79 = tpu.memref_slice %arg5[%arg0, %add3A_65, %dma_start3A_78] : memref<2x10240x128xf32, #tpu.memory_space<hbm>> -> memref<1x80x128xf32, #tpu.memory_space<hbm>>
      %dma_start3A_80 = tpu.memref_squeeze %dma_start3A_79 : memref<1x80x128xf32, #tpu.memory_space<hbm>> -> memref<80x128xf32, #tpu.memory_space<hbm>>
      tpu.enqueue_dma source(%arg8 : memref<80x128xf32, #tpu.memory_space<vmem>>) target(%dma_start3A_80 : memref<80x128xf32, #tpu.memory_space<hbm>>) target_semaphore(%run_scoped3A_74 : memref<!tpu.dma_semaphore, #tpu.memory_space<semaphore_mem>>)
      %dma_wait3A_81 = arith.constant 0 : i32
      %dma_wait3A_82 = tpu.memref_slice %arg5[%arg0, %add3A_65, %dma_wait3A_81] : memref<2x10240x128xf32, #tpu.memory_space<hbm>> -> memref<1x80x128xf32, #tpu.memory_space<hbm>>
      %dma_wait3A_83 = tpu.memref_squeeze %dma_wait3A_82 : memref<1x80x128xf32, #tpu.memory_space<hbm>> -> memref<80x128xf32, #tpu.memory_space<hbm>>
      %dma_wait3A_84 = arith.constant 0 : i32
      %dma_wait3A_85 = tpu.memref_slice %arg5[%arg0, %add3A_65, %dma_wait3A_84] : memref<2x10240x128xf32, #tpu.memory_space<hbm>> -> memref<1x80x128xf32, #tpu.memory_space<hbm>>
      %dma_wait3A_86 = tpu.memref_squeeze %dma_wait3A_85 : memref<1x80x128xf32, #tpu.memory_space<hbm>> -> memref<80x128xf32, #tpu.memory_space<hbm>>
      tpu.wait_dma2 semaphore(%run_scoped3A_74 : memref<!tpu.dma_semaphore, #tpu.memory_space<semaphore_mem>>) src(%arg8 : memref<80x128xf32, #tpu.memory_space<vmem>>) dst(%dma_wait3A_86 : memref<80x128xf32, #tpu.memory_space<hbm>>)
      tpu.yield
    }) : () -> ()
    %add3A_66 = arith.constant 480 : i32
    %add3A_67 = arith.addi %mul3A_2, %add3A_66 : i32
    "tpu.region"() ({
      %run_scoped3A_74 = tpu.sem_alloc : memref<!tpu.dma_semaphore, #tpu.memory_space<semaphore_mem>>
      %dma_start3A_75 = arith.constant 0 : i32
      %dma_start3A_76 = tpu.memref_slice %arg10[%add3A_67, %dma_start3A_75] : memref<10240x128xf32, #tpu.memory_space<vmem_shared>> -> memref<80x128xf32, #tpu.memory_space<vmem_shared>>
      %dma_start3A_77 = arith.constant 0 : i32
      %dma_start3A_78 = tpu.memref_slice %arg10[%add3A_67, %dma_start3A_77] : memref<10240x128xf32, #tpu.memory_space<vmem_shared>> -> memref<80x128xf32, #tpu.memory_space<vmem_shared>>
      tpu.enqueue_dma source(%dma_start3A_78 : memref<80x128xf32, #tpu.memory_space<vmem_shared>>) target(%arg8 : memref<80x128xf32, #tpu.memory_space<vmem>>) target_semaphore(%run_scoped3A_74 : memref<!tpu.dma_semaphore, #tpu.memory_space<semaphore_mem>>)
      %dma_wait3A_79 = arith.constant 0 : i32
      %dma_wait3A_80 = tpu.memref_slice %arg10[%add3A_67, %dma_wait3A_79] : memref<10240x128xf32, #tpu.memory_space<vmem_shared>> -> memref<80x128xf32, #tpu.memory_space<vmem_shared>>
      %dma_wait3A_81 = arith.constant 0 : i32
      %dma_wait3A_82 = tpu.memref_slice %arg10[%add3A_67, %dma_wait3A_81] : memref<10240x128xf32, #tpu.memory_space<vmem_shared>> -> memref<80x128xf32, #tpu.memory_space<vmem_shared>>
      tpu.wait_dma2 semaphore(%run_scoped3A_74 : memref<!tpu.dma_semaphore, #tpu.memory_space<semaphore_mem>>) src(%dma_wait3A_82 : memref<80x128xf32, #tpu.memory_space<vmem_shared>>) dst(%arg8 : memref<80x128xf32, #tpu.memory_space<vmem>>)
      tpu.yield
    }) : () -> ()
    %add3A_68 = arith.constant 480 : i32
    %add3A_69 = arith.addi %mul3A_2, %add3A_68 : i32
    "tpu.region"() ({
      %run_scoped3A_74 = tpu.sem_alloc : memref<!tpu.dma_semaphore, #tpu.memory_space<semaphore_mem>>
      %dma_start3A_75 = arith.constant 0 : i32
      %dma_start3A_76 = tpu.memref_slice %arg5[%arg0, %add3A_69, %dma_start3A_75] : memref<2x10240x128xf32, #tpu.memory_space<hbm>> -> memref<1x80x128xf32, #tpu.memory_space<hbm>>
      %dma_start3A_77 = tpu.memref_squeeze %dma_start3A_76 : memref<1x80x128xf32, #tpu.memory_space<hbm>> -> memref<80x128xf32, #tpu.memory_space<hbm>>
      %dma_start3A_78 = arith.constant 0 : i32
      %dma_start3A_79 = tpu.memref_slice %arg5[%arg0, %add3A_69, %dma_start3A_78] : memref<2x10240x128xf32, #tpu.memory_space<hbm>> -> memref<1x80x128xf32, #tpu.memory_space<hbm>>
      %dma_start3A_80 = tpu.memref_squeeze %dma_start3A_79 : memref<1x80x128xf32, #tpu.memory_space<hbm>> -> memref<80x128xf32, #tpu.memory_space<hbm>>
      tpu.enqueue_dma source(%arg8 : memref<80x128xf32, #tpu.memory_space<vmem>>) target(%dma_start3A_80 : memref<80x128xf32, #tpu.memory_space<hbm>>) target_semaphore(%run_scoped3A_74 : memref<!tpu.dma_semaphore, #tpu.memory_space<semaphore_mem>>)
      %dma_wait3A_81 = arith.constant 0 : i32
      %dma_wait3A_82 = tpu.memref_slice %arg5[%arg0, %add3A_69, %dma_wait3A_81] : memref<2x10240x128xf32, #tpu.memory_space<hbm>> -> memref<1x80x128xf32, #tpu.memory_space<hbm>>
      %dma_wait3A_83 = tpu.memref_squeeze %dma_wait3A_82 : memref<1x80x128xf32, #tpu.memory_space<hbm>> -> memref<80x128xf32, #tpu.memory_space<hbm>>
      %dma_wait3A_84 = arith.constant 0 : i32
      %dma_wait3A_85 = tpu.memref_slice %arg5[%arg0, %add3A_69, %dma_wait3A_84] : memref<2x10240x128xf32, #tpu.memory_space<hbm>> -> memref<1x80x128xf32, #tpu.memory_space<hbm>>
      %dma_wait3A_86 = tpu.memref_squeeze %dma_wait3A_85 : memref<1x80x128xf32, #tpu.memory_space<hbm>> -> memref<80x128xf32, #tpu.memory_space<hbm>>
      tpu.wait_dma2 semaphore(%run_scoped3A_74 : memref<!tpu.dma_semaphore, #tpu.memory_space<semaphore_mem>>) src(%arg8 : memref<80x128xf32, #tpu.memory_space<vmem>>) dst(%dma_wait3A_86 : memref<80x128xf32, #tpu.memory_space<hbm>>)
      tpu.yield
    }) : () -> ()
    %add3A_70 = arith.constant 560 : i32
    %add3A_71 = arith.addi %mul3A_2, %add3A_70 : i32
    "tpu.region"() ({
      %run_scoped3A_74 = tpu.sem_alloc : memref<!tpu.dma_semaphore, #tpu.memory_space<semaphore_mem>>
      %dma_start3A_75 = arith.constant 0 : i32
      %dma_start3A_76 = tpu.memref_slice %arg10[%add3A_71, %dma_start3A_75] : memref<10240x128xf32, #tpu.memory_space<vmem_shared>> -> memref<80x128xf32, #tpu.memory_space<vmem_shared>>
      %dma_start3A_77 = arith.constant 0 : i32
      %dma_start3A_78 = tpu.memref_slice %arg10[%add3A_71, %dma_start3A_77] : memref<10240x128xf32, #tpu.memory_space<vmem_shared>> -> memref<80x128xf32, #tpu.memory_space<vmem_shared>>
      tpu.enqueue_dma source(%dma_start3A_78 : memref<80x128xf32, #tpu.memory_space<vmem_shared>>) target(%arg8 : memref<80x128xf32, #tpu.memory_space<vmem>>) target_semaphore(%run_scoped3A_74 : memref<!tpu.dma_semaphore, #tpu.memory_space<semaphore_mem>>)
      %dma_wait3A_79 = arith.constant 0 : i32
      %dma_wait3A_80 = tpu.memref_slice %arg10[%add3A_71, %dma_wait3A_79] : memref<10240x128xf32, #tpu.memory_space<vmem_shared>> -> memref<80x128xf32, #tpu.memory_space<vmem_shared>>
      %dma_wait3A_81 = arith.constant 0 : i32
      %dma_wait3A_82 = tpu.memref_slice %arg10[%add3A_71, %dma_wait3A_81] : memref<10240x128xf32, #tpu.memory_space<vmem_shared>> -> memref<80x128xf32, #tpu.memory_space<vmem_shared>>
      tpu.wait_dma2 semaphore(%run_scoped3A_74 : memref<!tpu.dma_semaphore, #tpu.memory_space<semaphore_mem>>) src(%dma_wait3A_82 : memref<80x128xf32, #tpu.memory_space<vmem_shared>>) dst(%arg8 : memref<80x128xf32, #tpu.memory_space<vmem>>)
      tpu.yield
    }) : () -> ()
    %add3A_72 = arith.constant 560 : i32
    %add3A_73 = arith.addi %mul3A_2, %add3A_72 : i32
    "tpu.region"() ({
      %run_scoped3A_74 = tpu.sem_alloc : memref<!tpu.dma_semaphore, #tpu.memory_space<semaphore_mem>>
      %dma_start3A_75 = arith.constant 0 : i32
      %dma_start3A_76 = tpu.memref_slice %arg5[%arg0, %add3A_73, %dma_start3A_75] : memref<2x10240x128xf32, #tpu.memory_space<hbm>> -> memref<1x80x128xf32, #tpu.memory_space<hbm>>
      %dma_start3A_77 = tpu.memref_squeeze %dma_start3A_76 : memref<1x80x128xf32, #tpu.memory_space<hbm>> -> memref<80x128xf32, #tpu.memory_space<hbm>>
      %dma_start3A_78 = arith.constant 0 : i32
      %dma_start3A_79 = tpu.memref_slice %arg5[%arg0, %add3A_73, %dma_start3A_78] : memref<2x10240x128xf32, #tpu.memory_space<hbm>> -> memref<1x80x128xf32, #tpu.memory_space<hbm>>
      %dma_start3A_80 = tpu.memref_squeeze %dma_start3A_79 : memref<1x80x128xf32, #tpu.memory_space<hbm>> -> memref<80x128xf32, #tpu.memory_space<hbm>>
      tpu.enqueue_dma source(%arg8 : memref<80x128xf32, #tpu.memory_space<vmem>>) target(%dma_start3A_80 : memref<80x128xf32, #tpu.memory_space<hbm>>) target_semaphore(%run_scoped3A_74 : memref<!tpu.dma_semaphore, #tpu.memory_space<semaphore_mem>>)
      %dma_wait3A_81 = arith.constant 0 : i32
      %dma_wait3A_82 = tpu.memref_slice %arg5[%arg0, %add3A_73, %dma_wait3A_81] : memref<2x10240x128xf32, #tpu.memory_space<hbm>> -> memref<1x80x128xf32, #tpu.memory_space<hbm>>
      %dma_wait3A_83 = tpu.memref_squeeze %dma_wait3A_82 : memref<1x80x128xf32, #tpu.memory_space<hbm>> -> memref<80x128xf32, #tpu.memory_space<hbm>>
      %dma_wait3A_84 = arith.constant 0 : i32
      %dma_wait3A_85 = tpu.memref_slice %arg5[%arg0, %add3A_73, %dma_wait3A_84] : memref<2x10240x128xf32, #tpu.memory_space<hbm>> -> memref<1x80x128xf32, #tpu.memory_space<hbm>>
      %dma_wait3A_86 = tpu.memref_squeeze %dma_wait3A_85 : memref<1x80x128xf32, #tpu.memory_space<hbm>> -> memref<80x128xf32, #tpu.memory_space<hbm>>
      tpu.wait_dma2 semaphore(%run_scoped3A_74 : memref<!tpu.dma_semaphore, #tpu.memory_space<semaphore_mem>>) src(%arg8 : memref<80x128xf32, #tpu.memory_space<vmem>>) dst(%dma_wait3A_86 : memref<80x128xf32, #tpu.memory_space<hbm>>)
      tpu.yield
    }) : () -> ()
    return
  }
}

#map = affine_map<(d0, d1) -> (0, 0)>
#map1 = affine_map<(d0, d1) -> (0, 0, 0)>
module attributes {stable_mosaic.version = 14 : i64} {
  func.func @_agg_body(%arg0: i32, %arg1: i32, %arg2: memref<10000x128xf32, #tpu.memory_space<hbm>>, %arg3: memref<32x10000xi32, #tpu.memory_space<hbm>>, %arg4: memref<32x125x80xi32, #tpu.memory_space<hbm>>, %arg5: memref<2x10240x128xf32, #tpu.memory_space<hbm>>, %arg6: memref<10000xi32, #tpu.memory_space<vmem>>, %arg7: memref<125x80xi32, #tpu.memory_space<vmem>>, %arg8: memref<80x128xf32, #tpu.memory_space<vmem>>, %arg9: memref<80x128xf32, #tpu.memory_space<vmem>>, %arg10: memref<10240x128xf32, #tpu.memory_space<vmem_shared>>, %arg11: memref<!tpu.dma_semaphore, #tpu.memory_space<semaphore_mem>>, %arg12: memref<!tpu.dma_semaphore, #tpu.memory_space<semaphore_mem>>) attributes {dimension_semantics = [#tpu.dimension_semantics<core_parallel>, #tpu.dimension_semantics<subcore_parallel>], iteration_bounds = array<i64: 2, 16>, scalar_prefetch = 0 : i64, scratch_operands = 7 : i64, tpu.core_type = #tpu.core_type<sc_vector_subcore>, window_params = [{transform_indices = #map}, {transform_indices = #map}, {transform_indices = #map1}, {transform_indices = #map1}]} {
    %mul3A = arith.constant 16 : i32
    %mul3A_0 = arith.muli %arg0, %mul3A : i32
    %add3A = arith.addi %mul3A_0, %arg1 : i32
    %mul3A_1 = arith.constant 640 : i32
    %mul3A_2 = arith.muli %arg1, %mul3A_1 : i32
    %broadcast_in_dim3A = arith.constant 0.000000e+00 : f32
    %broadcast_in_dim3A_3 = vector.broadcast %broadcast_in_dim3A : f32 to vector<16xf32>
    "tpu.region"() ({
      %run_scoped3A_74 = tpu.sem_alloc : memref<!tpu.dma_semaphore, #tpu.memory_space<semaphore_mem>>
      %dma_start3A_75 = arith.constant 0 : i32
      %dma_start3A_76 = tpu.memref_slice %arg3[%add3A, %dma_start3A_75] : memref<32x10000xi32, #tpu.memory_space<hbm>> -> memref<1x10000xi32, #tpu.memory_space<hbm>>
      %dma_start3A_77 = tpu.memref_squeeze %dma_start3A_76 : memref<1x10000xi32, #tpu.memory_space<hbm>> -> memref<10000xi32, #tpu.memory_space<hbm>>
      %dma_start3A_78 = arith.constant 0 : i32
      %dma_start3A_79 = tpu.memref_slice %arg3[%add3A, %dma_start3A_78] : memref<32x10000xi32, #tpu.memory_space<hbm>> -> memref<1x10000xi32, #tpu.memory_space<hbm>>
      %dma_start3A_80 = tpu.memref_squeeze %dma_start3A_79 : memref<1x10000xi32, #tpu.memory_space<hbm>> -> memref<10000xi32, #tpu.memory_space<hbm>>
      tpu.enqueue_dma source(%dma_start3A_80 : memref<10000xi32, #tpu.memory_space<hbm>>) target(%arg6 : memref<10000xi32, #tpu.memory_space<vmem>>) target_semaphore(%run_scoped3A_74 : memref<!tpu.dma_semaphore, #tpu.memory_space<semaphore_mem>>)
      %dma_wait3A_81 = arith.constant 0 : i32
      %dma_wait3A_82 = tpu.memref_slice %arg3[%add3A, %dma_wait3A_81] : memref<32x10000xi32, #tpu.memory_space<hbm>> -> memref<1x10000xi32, #tpu.memory_space<hbm>>
      %dma_wait3A_83 = tpu.memref_squeeze %dma_wait3A_82 : memref<1x10000xi32, #tpu.memory_space<hbm>> -> memref<10000xi32, #tpu.memory_space<hbm>>
      %dma_wait3A_84 = arith.constant 0 : i32
      %dma_wait3A_85 = tpu.memref_slice %arg3[%add3A, %dma_wait3A_84] : memref<32x10000xi32, #tpu.memory_space<hbm>> -> memref<1x10000xi32, #tpu.memory_space<hbm>>
      %dma_wait3A_86 = tpu.memref_squeeze %dma_wait3A_85 : memref<1x10000xi32, #tpu.memory_space<hbm>> -> memref<10000xi32, #tpu.memory_space<hbm>>
      tpu.wait_dma2 semaphore(%run_scoped3A_74 : memref<!tpu.dma_semaphore, #tpu.memory_space<semaphore_mem>>) src(%dma_wait3A_86 : memref<10000xi32, #tpu.memory_space<hbm>>) dst(%arg6 : memref<10000xi32, #tpu.memory_space<vmem>>)
      tpu.yield
    }) : () -> ()
    "tpu.region"() ({
      %run_scoped3A_74 = tpu.sem_alloc : memref<!tpu.dma_semaphore, #tpu.memory_space<semaphore_mem>>
      %dma_start3A_75 = arith.constant 0 : i32
      %dma_start3A_76 = arith.constant 0 : i32
      %dma_start3A_77 = tpu.memref_slice %arg4[%add3A, %dma_start3A_75, %dma_start3A_76] : memref<32x125x80xi32, #tpu.memory_space<hbm>> -> memref<1x125x80xi32, #tpu.memory_space<hbm>>
      %dma_start3A_78 = tpu.memref_squeeze %dma_start3A_77 : memref<1x125x80xi32, #tpu.memory_space<hbm>> -> memref<125x80xi32, #tpu.memory_space<hbm>>
      %dma_start3A_79 = arith.constant 0 : i32
      %dma_start3A_80 = arith.constant 0 : i32
      %dma_start3A_81 = tpu.memref_slice %arg4[%add3A, %dma_start3A_79, %dma_start3A_80] : memref<32x125x80xi32, #tpu.memory_space<hbm>> -> memref<1x125x80xi32, #tpu.memory_space<hbm>>
      %dma_start3A_82 = tpu.memref_squeeze %dma_start3A_81 : memref<1x125x80xi32, #tpu.memory_space<hbm>> -> memref<125x80xi32, #tpu.memory_space<hbm>>
      tpu.enqueue_dma source(%dma_start3A_82 : memref<125x80xi32, #tpu.memory_space<hbm>>) target(%arg7 : memref<125x80xi32, #tpu.memory_space<vmem>>) target_semaphore(%run_scoped3A_74 : memref<!tpu.dma_semaphore, #tpu.memory_space<semaphore_mem>>)
      %dma_wait3A_83 = arith.constant 0 : i32
      %dma_wait3A_84 = arith.constant 0 : i32
      %dma_wait3A_85 = tpu.memref_slice %arg4[%add3A, %dma_wait3A_83, %dma_wait3A_84] : memref<32x125x80xi32, #tpu.memory_space<hbm>> -> memref<1x125x80xi32, #tpu.memory_space<hbm>>
      %dma_wait3A_86 = tpu.memref_squeeze %dma_wait3A_85 : memref<1x125x80xi32, #tpu.memory_space<hbm>> -> memref<125x80xi32, #tpu.memory_space<hbm>>
      %dma_wait3A_87 = arith.constant 0 : i32
      %dma_wait3A_88 = arith.constant 0 : i32
      %dma_wait3A_89 = tpu.memref_slice %arg4[%add3A, %dma_wait3A_87, %dma_wait3A_88] : memref<32x125x80xi32, #tpu.memory_space<hbm>> -> memref<1x125x80xi32, #tpu.memory_space<hbm>>
      %dma_wait3A_90 = tpu.memref_squeeze %dma_wait3A_89 : memref<1x125x80xi32, #tpu.memory_space<hbm>> -> memref<125x80xi32, #tpu.memory_space<hbm>>
      tpu.wait_dma2 semaphore(%run_scoped3A_74 : memref<!tpu.dma_semaphore, #tpu.memory_space<semaphore_mem>>) src(%dma_wait3A_90 : memref<125x80xi32, #tpu.memory_space<hbm>>) dst(%arg7 : memref<125x80xi32, #tpu.memory_space<vmem>>)
      tpu.yield
    }) : () -> ()
    %scan3A = arith.constant 0 : i32
    %scan3A_4 = arith.constant 0 : i32
    %scan3A_5 = arith.constant 640 : i32
    %scan3A_6 = arith.addi %scan3A_4, %scan3A_5 : i32
    %scan3A_7 = arith.constant 1 : i32
    %scan3A_8 = scf.for %scan3A_74 = %scan3A_4 to %scan3A_6 step %scan3A_7 iter_args(%scan3A_75 = %scan3A) -> (i32)  : i32 {
      %jit3A = arith.constant 8 : i32
      %div3A = arith.divsi %scan3A_74, %jit3A : i32
      %sign3A = arith.constant 0 : i32
      %sign3A_76 = arith.cmpi sgt, %scan3A_74, %sign3A : i32
      %sign3A_77 = arith.extui %sign3A_76 : i1 to i32
      %sign3A_78 = arith.constant 0 : i32
      %sign3A_79 = arith.cmpi slt, %scan3A_74, %sign3A_78 : i32
      %sign3A_80 = arith.extui %sign3A_79 : i1 to i32
      %sign3A_81 = arith.subi %sign3A_77, %sign3A_80 : i32
      %sign3A_82 = arith.constant 0 : i32
      %sign3A_83 = arith.cmpi sgt, %jit3A, %sign3A_82 : i32
      %sign3A_84 = arith.extui %sign3A_83 : i1 to i32
      %sign3A_85 = arith.constant 0 : i32
      %sign3A_86 = arith.cmpi slt, %jit3A, %sign3A_85 : i32
      %sign3A_87 = arith.extui %sign3A_86 : i1 to i32
      %sign3A_88 = arith.subi %sign3A_84, %sign3A_87 : i32
      %ne3A = arith.cmpi ne, %sign3A_81, %sign3A_88 : i32
      %rem3A = arith.remsi %scan3A_74, %jit3A : i32
      %ne3A_89 = arith.constant 0 : i32
      %ne3A_90 = arith.cmpi ne, %rem3A, %ne3A_89 : i32
      %and3A = arith.andi %ne3A, %ne3A_90 : i1
      %sub3A = arith.constant 1 : i32
      %sub3A_91 = arith.subi %div3A, %sub3A : i32
      %select_n3A = arith.select %and3A, %sub3A_91, %div3A : i32
      %jit3A_92 = arith.constant 8 : i32
      %eq3A = arith.constant 0 : i32
      %eq3A_93 = arith.cmpi eq, %jit3A_92, %eq3A : i32
      %jit3A_94 = arith.constant 1 : i32
      %select_n3A_95 = arith.select %eq3A_93, %jit3A_94, %jit3A_92 : i32
      %rem3A_96 = arith.remsi %scan3A_74, %select_n3A_95 : i32
      %ne3A_97 = arith.constant 0 : i32
      %ne3A_98 = arith.cmpi ne, %rem3A_96, %ne3A_97 : i32
      %lt3A = arith.constant 0 : i32
      %lt3A_99 = arith.cmpi slt, %rem3A_96, %lt3A : i32
      %lt3A_100 = arith.constant 0 : i32
      %lt3A_101 = arith.cmpi slt, %select_n3A_95, %lt3A_100 : i32
      %ne3A_102 = arith.xori %lt3A_99, %lt3A_101 : i1
      %and3A_103 = arith.andi %ne3A_102, %ne3A_98 : i1
      %add3A_104 = arith.addi %rem3A_96, %select_n3A_95 : i32
      %select_n3A_105 = arith.select %and3A_103, %add3A_104, %rem3A_96 : i32
      %mul3A_106 = arith.constant 16 : i32
      %mul3A_107 = arith.muli %select_n3A_105, %mul3A_106 : i32
      %swap3A = arith.index_cast %select_n3A : i32 to index
      %swap3A_108 = arith.index_cast %mul3A_107 : i32 to index
      %swap3A_109 = tpu.vector_load %arg8[%swap3A, %swap3A_108] {strides = array<i32>} : memref<80x128xf32, #tpu.memory_space<vmem>>, vector<1x16xf32>,
      %swap3A_110 = vector.shape_cast %swap3A_109 : vector<1x16xf32> to vector<16xf32>
      %swap3A_111 = vector.shape_cast %broadcast_in_dim3A_3 : vector<16xf32> to vector<1x16xf32>
      tpu.vector_store %arg8[%swap3A, %swap3A_108], %swap3A_111 {strides = array<i32>} : memref<80x128xf32, #tpu.memory_space<vmem>>, vector<1x16xf32>,
      %scan3A_112 = arith.constant 0 : i32
      scf.yield %scan3A_112 : i32
    }
    %scan3A_9 = arith.constant 640 : i32
    %add3A_10 = arith.constant 0 : i32
    %add3A_11 = arith.addi %mul3A_2, %add3A_10 : i32
    "tpu.region"() ({
      %run_scoped3A_74 = tpu.sem_alloc : memref<!tpu.dma_semaphore, #tpu.memory_space<semaphore_mem>>
      %dma_start3A_75 = arith.constant 0 : i32
      %dma_start3A_76 = tpu.memref_slice %arg10[%add3A_11, %dma_start3A_75] : memref<10240x128xf32, #tpu.memory_space<vmem_shared>> -> memref<80x128xf32, #tpu.memory_space<vmem_shared>>
      %dma_start3A_77 = arith.constant 0 : i32
      %dma_start3A_78 = tpu.memref_slice %arg10[%add3A_11, %dma_start3A_77] : memref<10240x128xf32, #tpu.memory_space<vmem_shared>> -> memref<80x128xf32, #tpu.memory_space<vmem_shared>>
      tpu.enqueue_dma source(%arg8 : memref<80x128xf32, #tpu.memory_space<vmem>>) target(%dma_start3A_78 : memref<80x128xf32, #tpu.memory_space<vmem_shared>>) target_semaphore(%run_scoped3A_74 : memref<!tpu.dma_semaphore, #tpu.memory_space<semaphore_mem>>)
      %dma_wait3A_79 = arith.constant 0 : i32
      %dma_wait3A_80 = tpu.memref_slice %arg10[%add3A_11, %dma_wait3A_79] : memref<10240x128xf32, #tpu.memory_space<vmem_shared>> -> memref<80x128xf32, #tpu.memory_space<vmem_shared>>
      %dma_wait3A_81 = arith.constant 0 : i32
      %dma_wait3A_82 = tpu.memref_slice %arg10[%add3A_11, %dma_wait3A_81] : memref<10240x128xf32, #tpu.memory_space<vmem_shared>> -> memref<80x128xf32, #tpu.memory_space<vmem_shared>>
      tpu.wait_dma2 semaphore(%run_scoped3A_74 : memref<!tpu.dma_semaphore, #tpu.memory_space<semaphore_mem>>) src(%arg8 : memref<80x128xf32, #tpu.memory_space<vmem>>) dst(%dma_wait3A_82 : memref<80x128xf32, #tpu.memory_space<vmem_shared>>)
      tpu.yield
    }) : () -> ()
    %add3A_12 = arith.constant 80 : i32
    %add3A_13 = arith.addi %mul3A_2, %add3A_12 : i32
    "tpu.region"() ({
      %run_scoped3A_74 = tpu.sem_alloc : memref<!tpu.dma_semaphore, #tpu.memory_space<semaphore_mem>>
      %dma_start3A_75 = arith.constant 0 : i32
      %dma_start3A_76 = tpu.memref_slice %arg10[%add3A_13, %dma_start3A_75] : memref<10240x128xf32, #tpu.memory_space<vmem_shared>> -> memref<80x128xf32, #tpu.memory_space<vmem_shared>>
      %dma_start3A_77 = arith.constant 0 : i32
      %dma_start3A_78 = tpu.memref_slice %arg10[%add3A_13, %dma_start3A_77] : memref<10240x128xf32, #tpu.memory_space<vmem_shared>> -> memref<80x128xf32, #tpu.memory_space<vmem_shared>>
      tpu.enqueue_dma source(%arg8 : memref<80x128xf32, #tpu.memory_space<vmem>>) target(%dma_start3A_78 : memref<80x128xf32, #tpu.memory_space<vmem_shared>>) target_semaphore(%run_scoped3A_74 : memref<!tpu.dma_semaphore, #tpu.memory_space<semaphore_mem>>)
      %dma_wait3A_79 = arith.constant 0 : i32
      %dma_wait3A_80 = tpu.memref_slice %arg10[%add3A_13, %dma_wait3A_79] : memref<10240x128xf32, #tpu.memory_space<vmem_shared>> -> memref<80x128xf32, #tpu.memory_space<vmem_shared>>
      %dma_wait3A_81 = arith.constant 0 : i32
      %dma_wait3A_82 = tpu.memref_slice %arg10[%add3A_13, %dma_wait3A_81] : memref<10240x128xf32, #tpu.memory_space<vmem_shared>> -> memref<80x128xf32, #tpu.memory_space<vmem_shared>>
      tpu.wait_dma2 semaphore(%run_scoped3A_74 : memref<!tpu.dma_semaphore, #tpu.memory_space<semaphore_mem>>) src(%arg8 : memref<80x128xf32, #tpu.memory_space<vmem>>) dst(%dma_wait3A_82 : memref<80x128xf32, #tpu.memory_space<vmem_shared>>)
      tpu.yield
    }) : () -> ()
    %add3A_14 = arith.constant 160 : i32
    %add3A_15 = arith.addi %mul3A_2, %add3A_14 : i32
    "tpu.region"() ({
      %run_scoped3A_74 = tpu.sem_alloc : memref<!tpu.dma_semaphore, #tpu.memory_space<semaphore_mem>>
      %dma_start3A_75 = arith.constant 0 : i32
      %dma_start3A_76 = tpu.memref_slice %arg10[%add3A_15, %dma_start3A_75] : memref<10240x128xf32, #tpu.memory_space<vmem_shared>> -> memref<80x128xf32, #tpu.memory_space<vmem_shared>>
      %dma_start3A_77 = arith.constant 0 : i32
      %dma_start3A_78 = tpu.memref_slice %arg10[%add3A_15, %dma_start3A_77] : memref<10240x128xf32, #tpu.memory_space<vmem_shared>> -> memref<80x128xf32, #tpu.memory_space<vmem_shared>>
      tpu.enqueue_dma source(%arg8 : memref<80x128xf32, #tpu.memory_space<vmem>>) target(%dma_start3A_78 : memref<80x128xf32, #tpu.memory_space<vmem_shared>>) target_semaphore(%run_scoped3A_74 : memref<!tpu.dma_semaphore, #tpu.memory_space<semaphore_mem>>)
      %dma_wait3A_79 = arith.constant 0 : i32
      %dma_wait3A_80 = tpu.memref_slice %arg10[%add3A_15, %dma_wait3A_79] : memref<10240x128xf32, #tpu.memory_space<vmem_shared>> -> memref<80x128xf32, #tpu.memory_space<vmem_shared>>
      %dma_wait3A_81 = arith.constant 0 : i32
      %dma_wait3A_82 = tpu.memref_slice %arg10[%add3A_15, %dma_wait3A_81] : memref<10240x128xf32, #tpu.memory_space<vmem_shared>> -> memref<80x128xf32, #tpu.memory_space<vmem_shared>>
      tpu.wait_dma2 semaphore(%run_scoped3A_74 : memref<!tpu.dma_semaphore, #tpu.memory_space<semaphore_mem>>) src(%arg8 : memref<80x128xf32, #tpu.memory_space<vmem>>) dst(%dma_wait3A_82 : memref<80x128xf32, #tpu.memory_space<vmem_shared>>)
      tpu.yield
    }) : () -> ()
    %add3A_16 = arith.constant 240 : i32
    %add3A_17 = arith.addi %mul3A_2, %add3A_16 : i32
    "tpu.region"() ({
      %run_scoped3A_74 = tpu.sem_alloc : memref<!tpu.dma_semaphore, #tpu.memory_space<semaphore_mem>>
      %dma_start3A_75 = arith.constant 0 : i32
      %dma_start3A_76 = tpu.memref_slice %arg10[%add3A_17, %dma_start3A_75] : memref<10240x128xf32, #tpu.memory_space<vmem_shared>> -> memref<80x128xf32, #tpu.memory_space<vmem_shared>>
      %dma_start3A_77 = arith.constant 0 : i32
      %dma_start3A_78 = tpu.memref_slice %arg10[%add3A_17, %dma_start3A_77] : memref<10240x128xf32, #tpu.memory_space<vmem_shared>> -> memref<80x128xf32, #tpu.memory_space<vmem_shared>>
      tpu.enqueue_dma source(%arg8 : memref<80x128xf32, #tpu.memory_space<vmem>>) target(%dma_start3A_78 : memref<80x128xf32, #tpu.memory_space<vmem_shared>>) target_semaphore(%run_scoped3A_74 : memref<!tpu.dma_semaphore, #tpu.memory_space<semaphore_mem>>)
      %dma_wait3A_79 = arith.constant 0 : i32
      %dma_wait3A_80 = tpu.memref_slice %arg10[%add3A_17, %dma_wait3A_79] : memref<10240x128xf32, #tpu.memory_space<vmem_shared>> -> memref<80x128xf32, #tpu.memory_space<vmem_shared>>
      %dma_wait3A_81 = arith.constant 0 : i32
      %dma_wait3A_82 = tpu.memref_slice %arg10[%add3A_17, %dma_wait3A_81] : memref<10240x128xf32, #tpu.memory_space<vmem_shared>> -> memref<80x128xf32, #tpu.memory_space<vmem_shared>>
      tpu.wait_dma2 semaphore(%run_scoped3A_74 : memref<!tpu.dma_semaphore, #tpu.memory_space<semaphore_mem>>) src(%arg8 : memref<80x128xf32, #tpu.memory_space<vmem>>) dst(%dma_wait3A_82 : memref<80x128xf32, #tpu.memory_space<vmem_shared>>)
      tpu.yield
    }) : () -> ()
    %add3A_18 = arith.constant 320 : i32
    %add3A_19 = arith.addi %mul3A_2, %add3A_18 : i32
    "tpu.region"() ({
      %run_scoped3A_74 = tpu.sem_alloc : memref<!tpu.dma_semaphore, #tpu.memory_space<semaphore_mem>>
      %dma_start3A_75 = arith.constant 0 : i32
      %dma_start3A_76 = tpu.memref_slice %arg10[%add3A_19, %dma_start3A_75] : memref<10240x128xf32, #tpu.memory_space<vmem_shared>> -> memref<80x128xf32, #tpu.memory_space<vmem_shared>>
      %dma_start3A_77 = arith.constant 0 : i32
      %dma_start3A_78 = tpu.memref_slice %arg10[%add3A_19, %dma_start3A_77] : memref<10240x128xf32, #tpu.memory_space<vmem_shared>> -> memref<80x128xf32, #tpu.memory_space<vmem_shared>>
      tpu.enqueue_dma source(%arg8 : memref<80x128xf32, #tpu.memory_space<vmem>>) target(%dma_start3A_78 : memref<80x128xf32, #tpu.memory_space<vmem_shared>>) target_semaphore(%run_scoped3A_74 : memref<!tpu.dma_semaphore, #tpu.memory_space<semaphore_mem>>)
      %dma_wait3A_79 = arith.constant 0 : i32
      %dma_wait3A_80 = tpu.memref_slice %arg10[%add3A_19, %dma_wait3A_79] : memref<10240x128xf32, #tpu.memory_space<vmem_shared>> -> memref<80x128xf32, #tpu.memory_space<vmem_shared>>
      %dma_wait3A_81 = arith.constant 0 : i32
      %dma_wait3A_82 = tpu.memref_slice %arg10[%add3A_19, %dma_wait3A_81] : memref<10240x128xf32, #tpu.memory_space<vmem_shared>> -> memref<80x128xf32, #tpu.memory_space<vmem_shared>>
      tpu.wait_dma2 semaphore(%run_scoped3A_74 : memref<!tpu.dma_semaphore, #tpu.memory_space<semaphore_mem>>) src(%arg8 : memref<80x128xf32, #tpu.memory_space<vmem>>) dst(%dma_wait3A_82 : memref<80x128xf32, #tpu.memory_space<vmem_shared>>)
      tpu.yield
    }) : () -> ()
    %add3A_20 = arith.constant 400 : i32
    %add3A_21 = arith.addi %mul3A_2, %add3A_20 : i32
    "tpu.region"() ({
      %run_scoped3A_74 = tpu.sem_alloc : memref<!tpu.dma_semaphore, #tpu.memory_space<semaphore_mem>>
      %dma_start3A_75 = arith.constant 0 : i32
      %dma_start3A_76 = tpu.memref_slice %arg10[%add3A_21, %dma_start3A_75] : memref<10240x128xf32, #tpu.memory_space<vmem_shared>> -> memref<80x128xf32, #tpu.memory_space<vmem_shared>>
      %dma_start3A_77 = arith.constant 0 : i32
      %dma_start3A_78 = tpu.memref_slice %arg10[%add3A_21, %dma_start3A_77] : memref<10240x128xf32, #tpu.memory_space<vmem_shared>> -> memref<80x128xf32, #tpu.memory_space<vmem_shared>>
      tpu.enqueue_dma source(%arg8 : memref<80x128xf32, #tpu.memory_space<vmem>>) target(%dma_start3A_78 : memref<80x128xf32, #tpu.memory_space<vmem_shared>>) target_semaphore(%run_scoped3A_74 : memref<!tpu.dma_semaphore, #tpu.memory_space<semaphore_mem>>)
      %dma_wait3A_79 = arith.constant 0 : i32
      %dma_wait3A_80 = tpu.memref_slice %arg10[%add3A_21, %dma_wait3A_79] : memref<10240x128xf32, #tpu.memory_space<vmem_shared>> -> memref<80x128xf32, #tpu.memory_space<vmem_shared>>
      %dma_wait3A_81 = arith.constant 0 : i32
      %dma_wait3A_82 = tpu.memref_slice %arg10[%add3A_21, %dma_wait3A_81] : memref<10240x128xf32, #tpu.memory_space<vmem_shared>> -> memref<80x128xf32, #tpu.memory_space<vmem_shared>>
      tpu.wait_dma2 semaphore(%run_scoped3A_74 : memref<!tpu.dma_semaphore, #tpu.memory_space<semaphore_mem>>) src(%arg8 : memref<80x128xf32, #tpu.memory_space<vmem>>) dst(%dma_wait3A_82 : memref<80x128xf32, #tpu.memory_space<vmem_shared>>)
      tpu.yield
    }) : () -> ()
    %add3A_22 = arith.constant 480 : i32
    %add3A_23 = arith.addi %mul3A_2, %add3A_22 : i32
    "tpu.region"() ({
      %run_scoped3A_74 = tpu.sem_alloc : memref<!tpu.dma_semaphore, #tpu.memory_space<semaphore_mem>>
      %dma_start3A_75 = arith.constant 0 : i32
      %dma_start3A_76 = tpu.memref_slice %arg10[%add3A_23, %dma_start3A_75] : memref<10240x128xf32, #tpu.memory_space<vmem_shared>> -> memref<80x128xf32, #tpu.memory_space<vmem_shared>>
      %dma_start3A_77 = arith.constant 0 : i32
      %dma_start3A_78 = tpu.memref_slice %arg10[%add3A_23, %dma_start3A_77] : memref<10240x128xf32, #tpu.memory_space<vmem_shared>> -> memref<80x128xf32, #tpu.memory_space<vmem_shared>>
      tpu.enqueue_dma source(%arg8 : memref<80x128xf32, #tpu.memory_space<vmem>>) target(%dma_start3A_78 : memref<80x128xf32, #tpu.memory_space<vmem_shared>>) target_semaphore(%run_scoped3A_74 : memref<!tpu.dma_semaphore, #tpu.memory_space<semaphore_mem>>)
      %dma_wait3A_79 = arith.constant 0 : i32
      %dma_wait3A_80 = tpu.memref_slice %arg10[%add3A_23, %dma_wait3A_79] : memref<10240x128xf32, #tpu.memory_space<vmem_shared>> -> memref<80x128xf32, #tpu.memory_space<vmem_shared>>
      %dma_wait3A_81 = arith.constant 0 : i32
      %dma_wait3A_82 = tpu.memref_slice %arg10[%add3A_23, %dma_wait3A_81] : memref<10240x128xf32, #tpu.memory_space<vmem_shared>> -> memref<80x128xf32, #tpu.memory_space<vmem_shared>>
      tpu.wait_dma2 semaphore(%run_scoped3A_74 : memref<!tpu.dma_semaphore, #tpu.memory_space<semaphore_mem>>) src(%arg8 : memref<80x128xf32, #tpu.memory_space<vmem>>) dst(%dma_wait3A_82 : memref<80x128xf32, #tpu.memory_space<vmem_shared>>)
      tpu.yield
    }) : () -> ()
    %add3A_24 = arith.constant 560 : i32
    %add3A_25 = arith.addi %mul3A_2, %add3A_24 : i32
    "tpu.region"() ({
      %run_scoped3A_74 = tpu.sem_alloc : memref<!tpu.dma_semaphore, #tpu.memory_space<semaphore_mem>>
      %dma_start3A_75 = arith.constant 0 : i32
      %dma_start3A_76 = tpu.memref_slice %arg10[%add3A_25, %dma_start3A_75] : memref<10240x128xf32, #tpu.memory_space<vmem_shared>> -> memref<80x128xf32, #tpu.memory_space<vmem_shared>>
      %dma_start3A_77 = arith.constant 0 : i32
      %dma_start3A_78 = tpu.memref_slice %arg10[%add3A_25, %dma_start3A_77] : memref<10240x128xf32, #tpu.memory_space<vmem_shared>> -> memref<80x128xf32, #tpu.memory_space<vmem_shared>>
      tpu.enqueue_dma source(%arg8 : memref<80x128xf32, #tpu.memory_space<vmem>>) target(%dma_start3A_78 : memref<80x128xf32, #tpu.memory_space<vmem_shared>>) target_semaphore(%run_scoped3A_74 : memref<!tpu.dma_semaphore, #tpu.memory_space<semaphore_mem>>)
      %dma_wait3A_79 = arith.constant 0 : i32
      %dma_wait3A_80 = tpu.memref_slice %arg10[%add3A_25, %dma_wait3A_79] : memref<10240x128xf32, #tpu.memory_space<vmem_shared>> -> memref<80x128xf32, #tpu.memory_space<vmem_shared>>
      %dma_wait3A_81 = arith.constant 0 : i32
      %dma_wait3A_82 = tpu.memref_slice %arg10[%add3A_25, %dma_wait3A_81] : memref<10240x128xf32, #tpu.memory_space<vmem_shared>> -> memref<80x128xf32, #tpu.memory_space<vmem_shared>>
      tpu.wait_dma2 semaphore(%run_scoped3A_74 : memref<!tpu.dma_semaphore, #tpu.memory_space<semaphore_mem>>) src(%arg8 : memref<80x128xf32, #tpu.memory_space<vmem>>) dst(%dma_wait3A_82 : memref<80x128xf32, #tpu.memory_space<vmem_shared>>)
      tpu.yield
    }) : () -> ()
    %barrier3A = arith.constant 0 : index
    tpu.barrier barrier_id(%barrier3A)
    %dma_start3A = arith.constant 0 : i32
    %dma_start3A_26 = tpu.memref_slice %arg6[%dma_start3A] : memref<10000xi32, #tpu.memory_space<vmem>> -> memref<80xi32, #tpu.memory_space<vmem>>
    %dma_start3A_27 = arith.constant 0 : i32
    %dma_start3A_28 = arith.constant 0 : i32
    %dma_start3A_29 = tpu.memref_slice %arg2[%dma_start3A_27, %dma_start3A_28] : memref<10000x128xf32, #tpu.memory_space<hbm>> -> memref<10000x128xf32, #tpu.memory_space<hbm>>
    tpu.enqueue_indirect_dma source(%dma_start3A_29 : memref<10000x128xf32, #tpu.memory_space<hbm>>) target(%arg8 : memref<80x128xf32, #tpu.memory_space<vmem>>) offsets(%dma_start3A_26 : memref<80xi32, #tpu.memory_space<vmem>>) semaphore(%arg11 : memref<!tpu.dma_semaphore, #tpu.memory_space<semaphore_mem>>)
    %scan3A_30 = arith.constant 0 : i32
    %scan3A_31 = arith.constant 0 : i32
    %scan3A_32 = arith.constant 62 : i32
    %scan3A_33 = arith.addi %scan3A_31, %scan3A_32 : i32
    %scan3A_34 = arith.constant 1 : i32
    %scan3A_35 = scf.for %scan3A_74 = %scan3A_31 to %scan3A_33 step %scan3A_34 iter_args(%scan3A_75 = %scan3A_30) -> (i32)  : i32 {
      %mul3A_76 = arith.constant 2 : i32
      %mul3A_77 = arith.muli %mul3A_76, %scan3A_74 : i32
      %add3A_78 = arith.constant 1 : i32
      %add3A_79 = arith.addi %mul3A_77, %add3A_78 : i32
      %mul3A_80 = arith.constant 80 : i32
      %mul3A_81 = arith.muli %add3A_79, %mul3A_80 : i32
      %dma_start3A_82 = tpu.memref_slice %arg6[%mul3A_81] : memref<10000xi32, #tpu.memory_space<vmem>> -> memref<80xi32, #tpu.memory_space<vmem>>
      %dma_start3A_83 = arith.constant 0 : i32
      %dma_start3A_84 = arith.constant 0 : i32
      %dma_start3A_85 = tpu.memref_slice %arg2[%dma_start3A_83, %dma_start3A_84] : memref<10000x128xf32, #tpu.memory_space<hbm>> -> memref<10000x128xf32, #tpu.memory_space<hbm>>
      tpu.enqueue_indirect_dma source(%dma_start3A_85 : memref<10000x128xf32, #tpu.memory_space<hbm>>) target(%arg9 : memref<80x128xf32, #tpu.memory_space<vmem>>) offsets(%dma_start3A_82 : memref<80xi32, #tpu.memory_space<vmem>>) semaphore(%arg12 : memref<!tpu.dma_semaphore, #tpu.memory_space<semaphore_mem>>)
      %mul3A_86 = arith.constant 80 : i32
      %mul3A_87 = arith.muli %mul3A_77, %mul3A_86 : i32
      %dma_wait3A_88 = tpu.memref_slice %arg6[%mul3A_87] : memref<10000xi32, #tpu.memory_space<vmem>> -> memref<80xi32, #tpu.memory_space<vmem>>
      %dma_wait3A_89 = arith.constant 0 : i32
      %dma_wait3A_90 = arith.constant 0 : i32
      %dma_wait3A_91 = tpu.memref_slice %arg2[%dma_wait3A_89, %dma_wait3A_90] : memref<10000x128xf32, #tpu.memory_space<hbm>> -> memref<10000x128xf32, #tpu.memory_space<hbm>>
      tpu.wait_indirect_dma semaphore(%arg11 : memref<!tpu.dma_semaphore, #tpu.memory_space<semaphore_mem>>) src(%dma_wait3A_91 : memref<10000x128xf32, #tpu.memory_space<hbm>>) dst(%arg8 : memref<80x128xf32, #tpu.memory_space<vmem>>)
      "tpu.region"() ({
        %run_scoped3A_111 = tpu.sem_alloc : memref<!tpu.dma_semaphore, #tpu.memory_space<semaphore_mem>>
        %dma_start3A_112 = arith.constant 0 : i32
        %dma_start3A_113 = tpu.memref_slice %arg7[%mul3A_77, %dma_start3A_112] : memref<125x80xi32, #tpu.memory_space<vmem>> -> memref<1x80xi32, #tpu.memory_space<vmem>>
        %dma_start3A_114 = tpu.memref_squeeze %dma_start3A_113 : memref<1x80xi32, #tpu.memory_space<vmem>> -> memref<80xi32, #tpu.memory_space<vmem>>
        %dma_start3A_115 = arith.constant 0 : i32
        %dma_start3A_116 = arith.constant 0 : i32
        %dma_start3A_117 = tpu.memref_slice %arg10[%dma_start3A_115, %dma_start3A_116] : memref<10240x128xf32, #tpu.memory_space<vmem_shared>> -> memref<10240x128xf32, #tpu.memory_space<vmem_shared>>
        tpu.enqueue_indirect_dma source(%arg8 : memref<80x128xf32, #tpu.memory_space<vmem>>) target(%dma_start3A_117 : memref<10240x128xf32, #tpu.memory_space<vmem_shared>>) offsets(%dma_start3A_114 : memref<80xi32, #tpu.memory_space<vmem>>) semaphore(%run_scoped3A_111 : memref<!tpu.dma_semaphore, #tpu.memory_space<semaphore_mem>>) {add = true}
        %dma_wait3A_118 = arith.constant 0 : i32
        %dma_wait3A_119 = tpu.memref_slice %arg7[%mul3A_77, %dma_wait3A_118] : memref<125x80xi32, #tpu.memory_space<vmem>> -> memref<1x80xi32, #tpu.memory_space<vmem>>
        %dma_wait3A_120 = tpu.memref_squeeze %dma_wait3A_119 : memref<1x80xi32, #tpu.memory_space<vmem>> -> memref<80xi32, #tpu.memory_space<vmem>>
        %dma_wait3A_121 = arith.constant 0 : i32
        %dma_wait3A_122 = arith.constant 0 : i32
        %dma_wait3A_123 = tpu.memref_slice %arg10[%dma_wait3A_121, %dma_wait3A_122] : memref<10240x128xf32, #tpu.memory_space<vmem_shared>> -> memref<10240x128xf32, #tpu.memory_space<vmem_shared>>
        tpu.wait_indirect_dma semaphore(%run_scoped3A_111 : memref<!tpu.dma_semaphore, #tpu.memory_space<semaphore_mem>>) src(%arg8 : memref<80x128xf32, #tpu.memory_space<vmem>>) dst(%dma_wait3A_123 : memref<10240x128xf32, #tpu.memory_space<vmem_shared>>)
        tpu.yield
      }) : () -> ()
      %add3A_92 = arith.constant 2 : i32
      %add3A_93 = arith.addi %mul3A_77, %add3A_92 : i32
      %mul3A_94 = arith.constant 80 : i32
      %mul3A_95 = arith.muli %add3A_93, %mul3A_94 : i32
      %dma_start3A_96 = tpu.memref_slice %arg6[%mul3A_95] : memref<10000xi32, #tpu.memory_space<vmem>> -> memref<80xi32, #tpu.memory_space<vmem>>
      %dma_start3A_97 = arith.constant 0 : i32
      %dma_start3A_98 = arith.constant 0 : i32
      %dma_start3A_99 = tpu.memref_slice %arg2[%dma_start3A_97, %dma_start3A_98] : memref<10000x128xf32, #tpu.memory_space<hbm>> -> memref<10000x128xf32, #tpu.memory_space<hbm>>
      tpu.enqueue_indirect_dma source(%dma_start3A_99 : memref<10000x128xf32, #tpu.memory_space<hbm>>) target(%arg8 : memref<80x128xf32, #tpu.memory_space<vmem>>) offsets(%dma_start3A_96 : memref<80xi32, #tpu.memory_space<vmem>>) semaphore(%arg11 : memref<!tpu.dma_semaphore, #tpu.memory_space<semaphore_mem>>)
      %add3A_100 = arith.constant 1 : i32
      %add3A_101 = arith.addi %mul3A_77, %add3A_100 : i32
      %mul3A_102 = arith.constant 80 : i32
      %mul3A_103 = arith.muli %add3A_101, %mul3A_102 : i32
      %dma_wait3A_104 = tpu.memref_slice %arg6[%mul3A_103] : memref<10000xi32, #tpu.memory_space<vmem>> -> memref<80xi32, #tpu.memory_space<vmem>>
      %dma_wait3A_105 = arith.constant 0 : i32
      %dma_wait3A_106 = arith.constant 0 : i32
      %dma_wait3A_107 = tpu.memref_slice %arg2[%dma_wait3A_105, %dma_wait3A_106] : memref<10000x128xf32, #tpu.memory_space<hbm>> -> memref<10000x128xf32, #tpu.memory_space<hbm>>
      tpu.wait_indirect_dma semaphore(%arg12 : memref<!tpu.dma_semaphore, #tpu.memory_space<semaphore_mem>>) src(%dma_wait3A_107 : memref<10000x128xf32, #tpu.memory_space<hbm>>) dst(%arg9 : memref<80x128xf32, #tpu.memory_space<vmem>>)
      %add3A_108 = arith.constant 1 : i32
      %add3A_109 = arith.addi %mul3A_77, %add3A_108 : i32
      "tpu.region"() ({
        %run_scoped3A_111 = tpu.sem_alloc : memref<!tpu.dma_semaphore, #tpu.memory_space<semaphore_mem>>
        %dma_start3A_112 = arith.constant 0 : i32
        %dma_start3A_113 = tpu.memref_slice %arg7[%add3A_109, %dma_start3A_112] : memref<125x80xi32, #tpu.memory_space<vmem>> -> memref<1x80xi32, #tpu.memory_space<vmem>>
        %dma_start3A_114 = tpu.memref_squeeze %dma_start3A_113 : memref<1x80xi32, #tpu.memory_space<vmem>> -> memref<80xi32, #tpu.memory_space<vmem>>
        %dma_start3A_115 = arith.constant 0 : i32
        %dma_start3A_116 = arith.constant 0 : i32
        %dma_start3A_117 = tpu.memref_slice %arg10[%dma_start3A_115, %dma_start3A_116] : memref<10240x128xf32, #tpu.memory_space<vmem_shared>> -> memref<10240x128xf32, #tpu.memory_space<vmem_shared>>
        tpu.enqueue_indirect_dma source(%arg9 : memref<80x128xf32, #tpu.memory_space<vmem>>) target(%dma_start3A_117 : memref<10240x128xf32, #tpu.memory_space<vmem_shared>>) offsets(%dma_start3A_114 : memref<80xi32, #tpu.memory_space<vmem>>) semaphore(%run_scoped3A_111 : memref<!tpu.dma_semaphore, #tpu.memory_space<semaphore_mem>>) {add = true}
        %dma_wait3A_118 = arith.constant 0 : i32
        %dma_wait3A_119 = tpu.memref_slice %arg7[%add3A_109, %dma_wait3A_118] : memref<125x80xi32, #tpu.memory_space<vmem>> -> memref<1x80xi32, #tpu.memory_space<vmem>>
        %dma_wait3A_120 = tpu.memref_squeeze %dma_wait3A_119 : memref<1x80xi32, #tpu.memory_space<vmem>> -> memref<80xi32, #tpu.memory_space<vmem>>
        %dma_wait3A_121 = arith.constant 0 : i32
        %dma_wait3A_122 = arith.constant 0 : i32
        %dma_wait3A_123 = tpu.memref_slice %arg10[%dma_wait3A_121, %dma_wait3A_122] : memref<10240x128xf32, #tpu.memory_space<vmem_shared>> -> memref<10240x128xf32, #tpu.memory_space<vmem_shared>>
        tpu.wait_indirect_dma semaphore(%run_scoped3A_111 : memref<!tpu.dma_semaphore, #tpu.memory_space<semaphore_mem>>) src(%arg9 : memref<80x128xf32, #tpu.memory_space<vmem>>) dst(%dma_wait3A_123 : memref<10240x128xf32, #tpu.memory_space<vmem_shared>>)
        tpu.yield
      }) : () -> ()
      %scan3A_110 = arith.constant 0 : i32
      scf.yield %scan3A_110 : i32
    }
    %scan3A_36 = arith.constant 62 : i32
    %dma_wait3A = arith.constant 9920 : i32
    %dma_wait3A_37 = tpu.memref_slice %arg6[%dma_wait3A] : memref<10000xi32, #tpu.memory_space<vmem>> -> memref<80xi32, #tpu.memory_space<vmem>>
    %dma_wait3A_38 = arith.constant 0 : i32
    %dma_wait3A_39 = arith.constant 0 : i32
    %dma_wait3A_40 = tpu.memref_slice %arg2[%dma_wait3A_38, %dma_wait3A_39] : memref<10000x128xf32, #tpu.memory_space<hbm>> -> memref<10000x128xf32, #tpu.memory_space<hbm>>
    tpu.wait_indirect_dma semaphore(%arg11 : memref<!tpu.dma_semaphore, #tpu.memory_space<semaphore_mem>>) src(%dma_wait3A_40 : memref<10000x128xf32, #tpu.memory_space<hbm>>) dst(%arg8 : memref<80x128xf32, #tpu.memory_space<vmem>>)
    %run_scoped3A = arith.constant 124 : i32
    "tpu.region"() ({
      %run_scoped3A_74 = tpu.sem_alloc : memref<!tpu.dma_semaphore, #tpu.memory_space<semaphore_mem>>
      %dma_start3A_75 = arith.constant 0 : i32
      %dma_start3A_76 = tpu.memref_slice %arg7[%run_scoped3A, %dma_start3A_75] : memref<125x80xi32, #tpu.memory_space<vmem>> -> memref<1x80xi32, #tpu.memory_space<vmem>>
      %dma_start3A_77 = tpu.memref_squeeze %dma_start3A_76 : memref<1x80xi32, #tpu.memory_space<vmem>> -> memref<80xi32, #tpu.memory_space<vmem>>
      %dma_start3A_78 = arith.constant 0 : i32
      %dma_start3A_79 = arith.constant 0 : i32
      %dma_start3A_80 = tpu.memref_slice %arg10[%dma_start3A_78, %dma_start3A_79] : memref<10240x128xf32, #tpu.memory_space<vmem_shared>> -> memref<10240x128xf32, #tpu.memory_space<vmem_shared>>
      tpu.enqueue_indirect_dma source(%arg8 : memref<80x128xf32, #tpu.memory_space<vmem>>) target(%dma_start3A_80 : memref<10240x128xf32, #tpu.memory_space<vmem_shared>>) offsets(%dma_start3A_77 : memref<80xi32, #tpu.memory_space<vmem>>) semaphore(%run_scoped3A_74 : memref<!tpu.dma_semaphore, #tpu.memory_space<semaphore_mem>>) {add = true}
      %dma_wait3A_81 = arith.constant 0 : i32
      %dma_wait3A_82 = tpu.memref_slice %arg7[%run_scoped3A, %dma_wait3A_81] : memref<125x80xi32, #tpu.memory_space<vmem>> -> memref<1x80xi32, #tpu.memory_space<vmem>>
      %dma_wait3A_83 = tpu.memref_squeeze %dma_wait3A_82 : memref<1x80xi32, #tpu.memory_space<vmem>> -> memref<80xi32, #tpu.memory_space<vmem>>
      %dma_wait3A_84 = arith.constant 0 : i32
      %dma_wait3A_85 = arith.constant 0 : i32
      %dma_wait3A_86 = tpu.memref_slice %arg10[%dma_wait3A_84, %dma_wait3A_85] : memref<10240x128xf32, #tpu.memory_space<vmem_shared>> -> memref<10240x128xf32, #tpu.memory_space<vmem_shared>>
      tpu.wait_indirect_dma semaphore(%run_scoped3A_74 : memref<!tpu.dma_semaphore, #tpu.memory_space<semaphore_mem>>) src(%arg8 : memref<80x128xf32, #tpu.memory_space<vmem>>) dst(%dma_wait3A_86 : memref<10240x128xf32, #tpu.memory_space<vmem_shared>>)
      tpu.yield
    }) : () -> ()
    %barrier3A_41 = arith.constant 0 : index
    tpu.barrier barrier_id(%barrier3A_41)
    %add3A_42 = arith.constant 0 : i32
    %add3A_43 = arith.addi %mul3A_2, %add3A_42 : i32
    "tpu.region"() ({
      %run_scoped3A_74 = tpu.sem_alloc : memref<!tpu.dma_semaphore, #tpu.memory_space<semaphore_mem>>
      %dma_start3A_75 = arith.constant 0 : i32
      %dma_start3A_76 = tpu.memref_slice %arg10[%add3A_43, %dma_start3A_75] : memref<10240x128xf32, #tpu.memory_space<vmem_shared>> -> memref<80x128xf32, #tpu.memory_space<vmem_shared>>
      %dma_start3A_77 = arith.constant 0 : i32
      %dma_start3A_78 = tpu.memref_slice %arg10[%add3A_43, %dma_start3A_77] : memref<10240x128xf32, #tpu.memory_space<vmem_shared>> -> memref<80x128xf32, #tpu.memory_space<vmem_shared>>
      tpu.enqueue_dma source(%dma_start3A_78 : memref<80x128xf32, #tpu.memory_space<vmem_shared>>) target(%arg8 : memref<80x128xf32, #tpu.memory_space<vmem>>) target_semaphore(%run_scoped3A_74 : memref<!tpu.dma_semaphore, #tpu.memory_space<semaphore_mem>>)
      %dma_wait3A_79 = arith.constant 0 : i32
      %dma_wait3A_80 = tpu.memref_slice %arg10[%add3A_43, %dma_wait3A_79] : memref<10240x128xf32, #tpu.memory_space<vmem_shared>> -> memref<80x128xf32, #tpu.memory_space<vmem_shared>>
      %dma_wait3A_81 = arith.constant 0 : i32
      %dma_wait3A_82 = tpu.memref_slice %arg10[%add3A_43, %dma_wait3A_81] : memref<10240x128xf32, #tpu.memory_space<vmem_shared>> -> memref<80x128xf32, #tpu.memory_space<vmem_shared>>
      tpu.wait_dma2 semaphore(%run_scoped3A_74 : memref<!tpu.dma_semaphore, #tpu.memory_space<semaphore_mem>>) src(%dma_wait3A_82 : memref<80x128xf32, #tpu.memory_space<vmem_shared>>) dst(%arg8 : memref<80x128xf32, #tpu.memory_space<vmem>>)
      tpu.yield
    }) : () -> ()
    %add3A_44 = arith.constant 0 : i32
    %add3A_45 = arith.addi %mul3A_2, %add3A_44 : i32
    "tpu.region"() ({
      %run_scoped3A_74 = tpu.sem_alloc : memref<!tpu.dma_semaphore, #tpu.memory_space<semaphore_mem>>
      %dma_start3A_75 = arith.constant 0 : i32
      %dma_start3A_76 = tpu.memref_slice %arg5[%arg0, %add3A_45, %dma_start3A_75] : memref<2x10240x128xf32, #tpu.memory_space<hbm>> -> memref<1x80x128xf32, #tpu.memory_space<hbm>>
      %dma_start3A_77 = tpu.memref_squeeze %dma_start3A_76 : memref<1x80x128xf32, #tpu.memory_space<hbm>> -> memref<80x128xf32, #tpu.memory_space<hbm>>
      %dma_start3A_78 = arith.constant 0 : i32
      %dma_start3A_79 = tpu.memref_slice %arg5[%arg0, %add3A_45, %dma_start3A_78] : memref<2x10240x128xf32, #tpu.memory_space<hbm>> -> memref<1x80x128xf32, #tpu.memory_space<hbm>>
      %dma_start3A_80 = tpu.memref_squeeze %dma_start3A_79 : memref<1x80x128xf32, #tpu.memory_space<hbm>> -> memref<80x128xf32, #tpu.memory_space<hbm>>
      tpu.enqueue_dma source(%arg8 : memref<80x128xf32, #tpu.memory_space<vmem>>) target(%dma_start3A_80 : memref<80x128xf32, #tpu.memory_space<hbm>>) target_semaphore(%run_scoped3A_74 : memref<!tpu.dma_semaphore, #tpu.memory_space<semaphore_mem>>)
      %dma_wait3A_81 = arith.constant 0 : i32
      %dma_wait3A_82 = tpu.memref_slice %arg5[%arg0, %add3A_45, %dma_wait3A_81] : memref<2x10240x128xf32, #tpu.memory_space<hbm>> -> memref<1x80x128xf32, #tpu.memory_space<hbm>>
      %dma_wait3A_83 = tpu.memref_squeeze %dma_wait3A_82 : memref<1x80x128xf32, #tpu.memory_space<hbm>> -> memref<80x128xf32, #tpu.memory_space<hbm>>
      %dma_wait3A_84 = arith.constant 0 : i32
      %dma_wait3A_85 = tpu.memref_slice %arg5[%arg0, %add3A_45, %dma_wait3A_84] : memref<2x10240x128xf32, #tpu.memory_space<hbm>> -> memref<1x80x128xf32, #tpu.memory_space<hbm>>
      %dma_wait3A_86 = tpu.memref_squeeze %dma_wait3A_85 : memref<1x80x128xf32, #tpu.memory_space<hbm>> -> memref<80x128xf32, #tpu.memory_space<hbm>>
      tpu.wait_dma2 semaphore(%run_scoped3A_74 : memref<!tpu.dma_semaphore, #tpu.memory_space<semaphore_mem>>) src(%arg8 : memref<80x128xf32, #tpu.memory_space<vmem>>) dst(%dma_wait3A_86 : memref<80x128xf32, #tpu.memory_space<hbm>>)
      tpu.yield
    }) : () -> ()
    %add3A_46 = arith.constant 80 : i32
    %add3A_47 = arith.addi %mul3A_2, %add3A_46 : i32
    "tpu.region"() ({
      %run_scoped3A_74 = tpu.sem_alloc : memref<!tpu.dma_semaphore, #tpu.memory_space<semaphore_mem>>
      %dma_start3A_75 = arith.constant 0 : i32
      %dma_start3A_76 = tpu.memref_slice %arg10[%add3A_47, %dma_start3A_75] : memref<10240x128xf32, #tpu.memory_space<vmem_shared>> -> memref<80x128xf32, #tpu.memory_space<vmem_shared>>
      %dma_start3A_77 = arith.constant 0 : i32
      %dma_start3A_78 = tpu.memref_slice %arg10[%add3A_47, %dma_start3A_77] : memref<10240x128xf32, #tpu.memory_space<vmem_shared>> -> memref<80x128xf32, #tpu.memory_space<vmem_shared>>
      tpu.enqueue_dma source(%dma_start3A_78 : memref<80x128xf32, #tpu.memory_space<vmem_shared>>) target(%arg8 : memref<80x128xf32, #tpu.memory_space<vmem>>) target_semaphore(%run_scoped3A_74 : memref<!tpu.dma_semaphore, #tpu.memory_space<semaphore_mem>>)
      %dma_wait3A_79 = arith.constant 0 : i32
      %dma_wait3A_80 = tpu.memref_slice %arg10[%add3A_47, %dma_wait3A_79] : memref<10240x128xf32, #tpu.memory_space<vmem_shared>> -> memref<80x128xf32, #tpu.memory_space<vmem_shared>>
      %dma_wait3A_81 = arith.constant 0 : i32
      %dma_wait3A_82 = tpu.memref_slice %arg10[%add3A_47, %dma_wait3A_81] : memref<10240x128xf32, #tpu.memory_space<vmem_shared>> -> memref<80x128xf32, #tpu.memory_space<vmem_shared>>
      tpu.wait_dma2 semaphore(%run_scoped3A_74 : memref<!tpu.dma_semaphore, #tpu.memory_space<semaphore_mem>>) src(%dma_wait3A_82 : memref<80x128xf32, #tpu.memory_space<vmem_shared>>) dst(%arg8 : memref<80x128xf32, #tpu.memory_space<vmem>>)
      tpu.yield
    }) : () -> ()
    %add3A_48 = arith.constant 80 : i32
    %add3A_49 = arith.addi %mul3A_2, %add3A_48 : i32
    "tpu.region"() ({
      %run_scoped3A_74 = tpu.sem_alloc : memref<!tpu.dma_semaphore, #tpu.memory_space<semaphore_mem>>
      %dma_start3A_75 = arith.constant 0 : i32
      %dma_start3A_76 = tpu.memref_slice %arg5[%arg0, %add3A_49, %dma_start3A_75] : memref<2x10240x128xf32, #tpu.memory_space<hbm>> -> memref<1x80x128xf32, #tpu.memory_space<hbm>>
      %dma_start3A_77 = tpu.memref_squeeze %dma_start3A_76 : memref<1x80x128xf32, #tpu.memory_space<hbm>> -> memref<80x128xf32, #tpu.memory_space<hbm>>
      %dma_start3A_78 = arith.constant 0 : i32
      %dma_start3A_79 = tpu.memref_slice %arg5[%arg0, %add3A_49, %dma_start3A_78] : memref<2x10240x128xf32, #tpu.memory_space<hbm>> -> memref<1x80x128xf32, #tpu.memory_space<hbm>>
      %dma_start3A_80 = tpu.memref_squeeze %dma_start3A_79 : memref<1x80x128xf32, #tpu.memory_space<hbm>> -> memref<80x128xf32, #tpu.memory_space<hbm>>
      tpu.enqueue_dma source(%arg8 : memref<80x128xf32, #tpu.memory_space<vmem>>) target(%dma_start3A_80 : memref<80x128xf32, #tpu.memory_space<hbm>>) target_semaphore(%run_scoped3A_74 : memref<!tpu.dma_semaphore, #tpu.memory_space<semaphore_mem>>)
      %dma_wait3A_81 = arith.constant 0 : i32
      %dma_wait3A_82 = tpu.memref_slice %arg5[%arg0, %add3A_49, %dma_wait3A_81] : memref<2x10240x128xf32, #tpu.memory_space<hbm>> -> memref<1x80x128xf32, #tpu.memory_space<hbm>>
      %dma_wait3A_83 = tpu.memref_squeeze %dma_wait3A_82 : memref<1x80x128xf32, #tpu.memory_space<hbm>> -> memref<80x128xf32, #tpu.memory_space<hbm>>
      %dma_wait3A_84 = arith.constant 0 : i32
      %dma_wait3A_85 = tpu.memref_slice %arg5[%arg0, %add3A_49, %dma_wait3A_84] : memref<2x10240x128xf32, #tpu.memory_space<hbm>> -> memref<1x80x128xf32, #tpu.memory_space<hbm>>
      %dma_wait3A_86 = tpu.memref_squeeze %dma_wait3A_85 : memref<1x80x128xf32, #tpu.memory_space<hbm>> -> memref<80x128xf32, #tpu.memory_space<hbm>>
      tpu.wait_dma2 semaphore(%run_scoped3A_74 : memref<!tpu.dma_semaphore, #tpu.memory_space<semaphore_mem>>) src(%arg8 : memref<80x128xf32, #tpu.memory_space<vmem>>) dst(%dma_wait3A_86 : memref<80x128xf32, #tpu.memory_space<hbm>>)
      tpu.yield
    }) : () -> ()
    %add3A_50 = arith.constant 160 : i32
    %add3A_51 = arith.addi %mul3A_2, %add3A_50 : i32
    "tpu.region"() ({
      %run_scoped3A_74 = tpu.sem_alloc : memref<!tpu.dma_semaphore, #tpu.memory_space<semaphore_mem>>
      %dma_start3A_75 = arith.constant 0 : i32
      %dma_start3A_76 = tpu.memref_slice %arg10[%add3A_51, %dma_start3A_75] : memref<10240x128xf32, #tpu.memory_space<vmem_shared>> -> memref<80x128xf32, #tpu.memory_space<vmem_shared>>
      %dma_start3A_77 = arith.constant 0 : i32
      %dma_start3A_78 = tpu.memref_slice %arg10[%add3A_51, %dma_start3A_77] : memref<10240x128xf32, #tpu.memory_space<vmem_shared>> -> memref<80x128xf32, #tpu.memory_space<vmem_shared>>
      tpu.enqueue_dma source(%dma_start3A_78 : memref<80x128xf32, #tpu.memory_space<vmem_shared>>) target(%arg8 : memref<80x128xf32, #tpu.memory_space<vmem>>) target_semaphore(%run_scoped3A_74 : memref<!tpu.dma_semaphore, #tpu.memory_space<semaphore_mem>>)
      %dma_wait3A_79 = arith.constant 0 : i32
      %dma_wait3A_80 = tpu.memref_slice %arg10[%add3A_51, %dma_wait3A_79] : memref<10240x128xf32, #tpu.memory_space<vmem_shared>> -> memref<80x128xf32, #tpu.memory_space<vmem_shared>>
      %dma_wait3A_81 = arith.constant 0 : i32
      %dma_wait3A_82 = tpu.memref_slice %arg10[%add3A_51, %dma_wait3A_81] : memref<10240x128xf32, #tpu.memory_space<vmem_shared>> -> memref<80x128xf32, #tpu.memory_space<vmem_shared>>
      tpu.wait_dma2 semaphore(%run_scoped3A_74 : memref<!tpu.dma_semaphore, #tpu.memory_space<semaphore_mem>>) src(%dma_wait3A_82 : memref<80x128xf32, #tpu.memory_space<vmem_shared>>) dst(%arg8 : memref<80x128xf32, #tpu.memory_space<vmem>>)
      tpu.yield
    }) : () -> ()
    %add3A_52 = arith.constant 160 : i32
    %add3A_53 = arith.addi %mul3A_2, %add3A_52 : i32
    "tpu.region"() ({
      %run_scoped3A_74 = tpu.sem_alloc : memref<!tpu.dma_semaphore, #tpu.memory_space<semaphore_mem>>
      %dma_start3A_75 = arith.constant 0 : i32
      %dma_start3A_76 = tpu.memref_slice %arg5[%arg0, %add3A_53, %dma_start3A_75] : memref<2x10240x128xf32, #tpu.memory_space<hbm>> -> memref<1x80x128xf32, #tpu.memory_space<hbm>>
      %dma_start3A_77 = tpu.memref_squeeze %dma_start3A_76 : memref<1x80x128xf32, #tpu.memory_space<hbm>> -> memref<80x128xf32, #tpu.memory_space<hbm>>
      %dma_start3A_78 = arith.constant 0 : i32
      %dma_start3A_79 = tpu.memref_slice %arg5[%arg0, %add3A_53, %dma_start3A_78] : memref<2x10240x128xf32, #tpu.memory_space<hbm>> -> memref<1x80x128xf32, #tpu.memory_space<hbm>>
      %dma_start3A_80 = tpu.memref_squeeze %dma_start3A_79 : memref<1x80x128xf32, #tpu.memory_space<hbm>> -> memref<80x128xf32, #tpu.memory_space<hbm>>
      tpu.enqueue_dma source(%arg8 : memref<80x128xf32, #tpu.memory_space<vmem>>) target(%dma_start3A_80 : memref<80x128xf32, #tpu.memory_space<hbm>>) target_semaphore(%run_scoped3A_74 : memref<!tpu.dma_semaphore, #tpu.memory_space<semaphore_mem>>)
      %dma_wait3A_81 = arith.constant 0 : i32
      %dma_wait3A_82 = tpu.memref_slice %arg5[%arg0, %add3A_53, %dma_wait3A_81] : memref<2x10240x128xf32, #tpu.memory_space<hbm>> -> memref<1x80x128xf32, #tpu.memory_space<hbm>>
      %dma_wait3A_83 = tpu.memref_squeeze %dma_wait3A_82 : memref<1x80x128xf32, #tpu.memory_space<hbm>> -> memref<80x128xf32, #tpu.memory_space<hbm>>
      %dma_wait3A_84 = arith.constant 0 : i32
      %dma_wait3A_85 = tpu.memref_slice %arg5[%arg0, %add3A_53, %dma_wait3A_84] : memref<2x10240x128xf32, #tpu.memory_space<hbm>> -> memref<1x80x128xf32, #tpu.memory_space<hbm>>
      %dma_wait3A_86 = tpu.memref_squeeze %dma_wait3A_85 : memref<1x80x128xf32, #tpu.memory_space<hbm>> -> memref<80x128xf32, #tpu.memory_space<hbm>>
      tpu.wait_dma2 semaphore(%run_scoped3A_74 : memref<!tpu.dma_semaphore, #tpu.memory_space<semaphore_mem>>) src(%arg8 : memref<80x128xf32, #tpu.memory_space<vmem>>) dst(%dma_wait3A_86 : memref<80x128xf32, #tpu.memory_space<hbm>>)
      tpu.yield
    }) : () -> ()
    %add3A_54 = arith.constant 240 : i32
    %add3A_55 = arith.addi %mul3A_2, %add3A_54 : i32
    "tpu.region"() ({
      %run_scoped3A_74 = tpu.sem_alloc : memref<!tpu.dma_semaphore, #tpu.memory_space<semaphore_mem>>
      %dma_start3A_75 = arith.constant 0 : i32
      %dma_start3A_76 = tpu.memref_slice %arg10[%add3A_55, %dma_start3A_75] : memref<10240x128xf32, #tpu.memory_space<vmem_shared>> -> memref<80x128xf32, #tpu.memory_space<vmem_shared>>
      %dma_start3A_77 = arith.constant 0 : i32
      %dma_start3A_78 = tpu.memref_slice %arg10[%add3A_55, %dma_start3A_77] : memref<10240x128xf32, #tpu.memory_space<vmem_shared>> -> memref<80x128xf32, #tpu.memory_space<vmem_shared>>
      tpu.enqueue_dma source(%dma_start3A_78 : memref<80x128xf32, #tpu.memory_space<vmem_shared>>) target(%arg8 : memref<80x128xf32, #tpu.memory_space<vmem>>) target_semaphore(%run_scoped3A_74 : memref<!tpu.dma_semaphore, #tpu.memory_space<semaphore_mem>>)
      %dma_wait3A_79 = arith.constant 0 : i32
      %dma_wait3A_80 = tpu.memref_slice %arg10[%add3A_55, %dma_wait3A_79] : memref<10240x128xf32, #tpu.memory_space<vmem_shared>> -> memref<80x128xf32, #tpu.memory_space<vmem_shared>>
      %dma_wait3A_81 = arith.constant 0 : i32
      %dma_wait3A_82 = tpu.memref_slice %arg10[%add3A_55, %dma_wait3A_81] : memref<10240x128xf32, #tpu.memory_space<vmem_shared>> -> memref<80x128xf32, #tpu.memory_space<vmem_shared>>
      tpu.wait_dma2 semaphore(%run_scoped3A_74 : memref<!tpu.dma_semaphore, #tpu.memory_space<semaphore_mem>>) src(%dma_wait3A_82 : memref<80x128xf32, #tpu.memory_space<vmem_shared>>) dst(%arg8 : memref<80x128xf32, #tpu.memory_space<vmem>>)
      tpu.yield
    }) : () -> ()
    %add3A_56 = arith.constant 240 : i32
    %add3A_57 = arith.addi %mul3A_2, %add3A_56 : i32
    "tpu.region"() ({
      %run_scoped3A_74 = tpu.sem_alloc : memref<!tpu.dma_semaphore, #tpu.memory_space<semaphore_mem>>
      %dma_start3A_75 = arith.constant 0 : i32
      %dma_start3A_76 = tpu.memref_slice %arg5[%arg0, %add3A_57, %dma_start3A_75] : memref<2x10240x128xf32, #tpu.memory_space<hbm>> -> memref<1x80x128xf32, #tpu.memory_space<hbm>>
      %dma_start3A_77 = tpu.memref_squeeze %dma_start3A_76 : memref<1x80x128xf32, #tpu.memory_space<hbm>> -> memref<80x128xf32, #tpu.memory_space<hbm>>
      %dma_start3A_78 = arith.constant 0 : i32
      %dma_start3A_79 = tpu.memref_slice %arg5[%arg0, %add3A_57, %dma_start3A_78] : memref<2x10240x128xf32, #tpu.memory_space<hbm>> -> memref<1x80x128xf32, #tpu.memory_space<hbm>>
      %dma_start3A_80 = tpu.memref_squeeze %dma_start3A_79 : memref<1x80x128xf32, #tpu.memory_space<hbm>> -> memref<80x128xf32, #tpu.memory_space<hbm>>
      tpu.enqueue_dma source(%arg8 : memref<80x128xf32, #tpu.memory_space<vmem>>) target(%dma_start3A_80 : memref<80x128xf32, #tpu.memory_space<hbm>>) target_semaphore(%run_scoped3A_74 : memref<!tpu.dma_semaphore, #tpu.memory_space<semaphore_mem>>)
      %dma_wait3A_81 = arith.constant 0 : i32
      %dma_wait3A_82 = tpu.memref_slice %arg5[%arg0, %add3A_57, %dma_wait3A_81] : memref<2x10240x128xf32, #tpu.memory_space<hbm>> -> memref<1x80x128xf32, #tpu.memory_space<hbm>>
      %dma_wait3A_83 = tpu.memref_squeeze %dma_wait3A_82 : memref<1x80x128xf32, #tpu.memory_space<hbm>> -> memref<80x128xf32, #tpu.memory_space<hbm>>
      %dma_wait3A_84 = arith.constant 0 : i32
      %dma_wait3A_85 = tpu.memref_slice %arg5[%arg0, %add3A_57, %dma_wait3A_84] : memref<2x10240x128xf32, #tpu.memory_space<hbm>> -> memref<1x80x128xf32, #tpu.memory_space<hbm>>
      %dma_wait3A_86 = tpu.memref_squeeze %dma_wait3A_85 : memref<1x80x128xf32, #tpu.memory_space<hbm>> -> memref<80x128xf32, #tpu.memory_space<hbm>>
      tpu.wait_dma2 semaphore(%run_scoped3A_74 : memref<!tpu.dma_semaphore, #tpu.memory_space<semaphore_mem>>) src(%arg8 : memref<80x128xf32, #tpu.memory_space<vmem>>) dst(%dma_wait3A_86 : memref<80x128xf32, #tpu.memory_space<hbm>>)
      tpu.yield
    }) : () -> ()
    %add3A_58 = arith.constant 320 : i32
    %add3A_59 = arith.addi %mul3A_2, %add3A_58 : i32
    "tpu.region"() ({
      %run_scoped3A_74 = tpu.sem_alloc : memref<!tpu.dma_semaphore, #tpu.memory_space<semaphore_mem>>
      %dma_start3A_75 = arith.constant 0 : i32
      %dma_start3A_76 = tpu.memref_slice %arg10[%add3A_59, %dma_start3A_75] : memref<10240x128xf32, #tpu.memory_space<vmem_shared>> -> memref<80x128xf32, #tpu.memory_space<vmem_shared>>
      %dma_start3A_77 = arith.constant 0 : i32
      %dma_start3A_78 = tpu.memref_slice %arg10[%add3A_59, %dma_start3A_77] : memref<10240x128xf32, #tpu.memory_space<vmem_shared>> -> memref<80x128xf32, #tpu.memory_space<vmem_shared>>
      tpu.enqueue_dma source(%dma_start3A_78 : memref<80x128xf32, #tpu.memory_space<vmem_shared>>) target(%arg8 : memref<80x128xf32, #tpu.memory_space<vmem>>) target_semaphore(%run_scoped3A_74 : memref<!tpu.dma_semaphore, #tpu.memory_space<semaphore_mem>>)
      %dma_wait3A_79 = arith.constant 0 : i32
      %dma_wait3A_80 = tpu.memref_slice %arg10[%add3A_59, %dma_wait3A_79] : memref<10240x128xf32, #tpu.memory_space<vmem_shared>> -> memref<80x128xf32, #tpu.memory_space<vmem_shared>>
      %dma_wait3A_81 = arith.constant 0 : i32
      %dma_wait3A_82 = tpu.memref_slice %arg10[%add3A_59, %dma_wait3A_81] : memref<10240x128xf32, #tpu.memory_space<vmem_shared>> -> memref<80x128xf32, #tpu.memory_space<vmem_shared>>
      tpu.wait_dma2 semaphore(%run_scoped3A_74 : memref<!tpu.dma_semaphore, #tpu.memory_space<semaphore_mem>>) src(%dma_wait3A_82 : memref<80x128xf32, #tpu.memory_space<vmem_shared>>) dst(%arg8 : memref<80x128xf32, #tpu.memory_space<vmem>>)
      tpu.yield
    }) : () -> ()
    %add3A_60 = arith.constant 320 : i32
    %add3A_61 = arith.addi %mul3A_2, %add3A_60 : i32
    "tpu.region"() ({
      %run_scoped3A_74 = tpu.sem_alloc : memref<!tpu.dma_semaphore, #tpu.memory_space<semaphore_mem>>
      %dma_start3A_75 = arith.constant 0 : i32
      %dma_start3A_76 = tpu.memref_slice %arg5[%arg0, %add3A_61, %dma_start3A_75] : memref<2x10240x128xf32, #tpu.memory_space<hbm>> -> memref<1x80x128xf32, #tpu.memory_space<hbm>>
      %dma_start3A_77 = tpu.memref_squeeze %dma_start3A_76 : memref<1x80x128xf32, #tpu.memory_space<hbm>> -> memref<80x128xf32, #tpu.memory_space<hbm>>
      %dma_start3A_78 = arith.constant 0 : i32
      %dma_start3A_79 = tpu.memref_slice %arg5[%arg0, %add3A_61, %dma_start3A_78] : memref<2x10240x128xf32, #tpu.memory_space<hbm>> -> memref<1x80x128xf32, #tpu.memory_space<hbm>>
      %dma_start3A_80 = tpu.memref_squeeze %dma_start3A_79 : memref<1x80x128xf32, #tpu.memory_space<hbm>> -> memref<80x128xf32, #tpu.memory_space<hbm>>
      tpu.enqueue_dma source(%arg8 : memref<80x128xf32, #tpu.memory_space<vmem>>) target(%dma_start3A_80 : memref<80x128xf32, #tpu.memory_space<hbm>>) target_semaphore(%run_scoped3A_74 : memref<!tpu.dma_semaphore, #tpu.memory_space<semaphore_mem>>)
      %dma_wait3A_81 = arith.constant 0 : i32
      %dma_wait3A_82 = tpu.memref_slice %arg5[%arg0, %add3A_61, %dma_wait3A_81] : memref<2x10240x128xf32, #tpu.memory_space<hbm>> -> memref<1x80x128xf32, #tpu.memory_space<hbm>>
      %dma_wait3A_83 = tpu.memref_squeeze %dma_wait3A_82 : memref<1x80x128xf32, #tpu.memory_space<hbm>> -> memref<80x128xf32, #tpu.memory_space<hbm>>
      %dma_wait3A_84 = arith.constant 0 : i32
      %dma_wait3A_85 = tpu.memref_slice %arg5[%arg0, %add3A_61, %dma_wait3A_84] : memref<2x10240x128xf32, #tpu.memory_space<hbm>> -> memref<1x80x128xf32, #tpu.memory_space<hbm>>
      %dma_wait3A_86 = tpu.memref_squeeze %dma_wait3A_85 : memref<1x80x128xf32, #tpu.memory_space<hbm>> -> memref<80x128xf32, #tpu.memory_space<hbm>>
      tpu.wait_dma2 semaphore(%run_scoped3A_74 : memref<!tpu.dma_semaphore, #tpu.memory_space<semaphore_mem>>) src(%arg8 : memref<80x128xf32, #tpu.memory_space<vmem>>) dst(%dma_wait3A_86 : memref<80x128xf32, #tpu.memory_space<hbm>>)
      tpu.yield
    }) : () -> ()
    %add3A_62 = arith.constant 400 : i32
    %add3A_63 = arith.addi %mul3A_2, %add3A_62 : i32
    "tpu.region"() ({
      %run_scoped3A_74 = tpu.sem_alloc : memref<!tpu.dma_semaphore, #tpu.memory_space<semaphore_mem>>
      %dma_start3A_75 = arith.constant 0 : i32
      %dma_start3A_76 = tpu.memref_slice %arg10[%add3A_63, %dma_start3A_75] : memref<10240x128xf32, #tpu.memory_space<vmem_shared>> -> memref<80x128xf32, #tpu.memory_space<vmem_shared>>
      %dma_start3A_77 = arith.constant 0 : i32
      %dma_start3A_78 = tpu.memref_slice %arg10[%add3A_63, %dma_start3A_77] : memref<10240x128xf32, #tpu.memory_space<vmem_shared>> -> memref<80x128xf32, #tpu.memory_space<vmem_shared>>
      tpu.enqueue_dma source(%dma_start3A_78 : memref<80x128xf32, #tpu.memory_space<vmem_shared>>) target(%arg8 : memref<80x128xf32, #tpu.memory_space<vmem>>) target_semaphore(%run_scoped3A_74 : memref<!tpu.dma_semaphore, #tpu.memory_space<semaphore_mem>>)
      %dma_wait3A_79 = arith.constant 0 : i32
      %dma_wait3A_80 = tpu.memref_slice %arg10[%add3A_63, %dma_wait3A_79] : memref<10240x128xf32, #tpu.memory_space<vmem_shared>> -> memref<80x128xf32, #tpu.memory_space<vmem_shared>>
      %dma_wait3A_81 = arith.constant 0 : i32
      %dma_wait3A_82 = tpu.memref_slice %arg10[%add3A_63, %dma_wait3A_81] : memref<10240x128xf32, #tpu.memory_space<vmem_shared>> -> memref<80x128xf32, #tpu.memory_space<vmem_shared>>
      tpu.wait_dma2 semaphore(%run_scoped3A_74 : memref<!tpu.dma_semaphore, #tpu.memory_space<semaphore_mem>>) src(%dma_wait3A_82 : memref<80x128xf32, #tpu.memory_space<vmem_shared>>) dst(%arg8 : memref<80x128xf32, #tpu.memory_space<vmem>>)
      tpu.yield
    }) : () -> ()
    %add3A_64 = arith.constant 400 : i32
    %add3A_65 = arith.addi %mul3A_2, %add3A_64 : i32
    "tpu.region"() ({
      %run_scoped3A_74 = tpu.sem_alloc : memref<!tpu.dma_semaphore, #tpu.memory_space<semaphore_mem>>
      %dma_start3A_75 = arith.constant 0 : i32
      %dma_start3A_76 = tpu.memref_slice %arg5[%arg0, %add3A_65, %dma_start3A_75] : memref<2x10240x128xf32, #tpu.memory_space<hbm>> -> memref<1x80x128xf32, #tpu.memory_space<hbm>>
      %dma_start3A_77 = tpu.memref_squeeze %dma_start3A_76 : memref<1x80x128xf32, #tpu.memory_space<hbm>> -> memref<80x128xf32, #tpu.memory_space<hbm>>
      %dma_start3A_78 = arith.constant 0 : i32
      %dma_start3A_79 = tpu.memref_slice %arg5[%arg0, %add3A_65, %dma_start3A_78] : memref<2x10240x128xf32, #tpu.memory_space<hbm>> -> memref<1x80x128xf32, #tpu.memory_space<hbm>>
      %dma_start3A_80 = tpu.memref_squeeze %dma_start3A_79 : memref<1x80x128xf32, #tpu.memory_space<hbm>> -> memref<80x128xf32, #tpu.memory_space<hbm>>
      tpu.enqueue_dma source(%arg8 : memref<80x128xf32, #tpu.memory_space<vmem>>) target(%dma_start3A_80 : memref<80x128xf32, #tpu.memory_space<hbm>>) target_semaphore(%run_scoped3A_74 : memref<!tpu.dma_semaphore, #tpu.memory_space<semaphore_mem>>)
      %dma_wait3A_81 = arith.constant 0 : i32
      %dma_wait3A_82 = tpu.memref_slice %arg5[%arg0, %add3A_65, %dma_wait3A_81] : memref<2x10240x128xf32, #tpu.memory_space<hbm>> -> memref<1x80x128xf32, #tpu.memory_space<hbm>>
      %dma_wait3A_83 = tpu.memref_squeeze %dma_wait3A_82 : memref<1x80x128xf32, #tpu.memory_space<hbm>> -> memref<80x128xf32, #tpu.memory_space<hbm>>
      %dma_wait3A_84 = arith.constant 0 : i32
      %dma_wait3A_85 = tpu.memref_slice %arg5[%arg0, %add3A_65, %dma_wait3A_84] : memref<2x10240x128xf32, #tpu.memory_space<hbm>> -> memref<1x80x128xf32, #tpu.memory_space<hbm>>
      %dma_wait3A_86 = tpu.memref_squeeze %dma_wait3A_85 : memref<1x80x128xf32, #tpu.memory_space<hbm>> -> memref<80x128xf32, #tpu.memory_space<hbm>>
      tpu.wait_dma2 semaphore(%run_scoped3A_74 : memref<!tpu.dma_semaphore, #tpu.memory_space<semaphore_mem>>) src(%arg8 : memref<80x128xf32, #tpu.memory_space<vmem>>) dst(%dma_wait3A_86 : memref<80x128xf32, #tpu.memory_space<hbm>>)
      tpu.yield
    }) : () -> ()
    %add3A_66 = arith.constant 480 : i32
    %add3A_67 = arith.addi %mul3A_2, %add3A_66 : i32
    "tpu.region"() ({
      %run_scoped3A_74 = tpu.sem_alloc : memref<!tpu.dma_semaphore, #tpu.memory_space<semaphore_mem>>
      %dma_start3A_75 = arith.constant 0 : i32
      %dma_start3A_76 = tpu.memref_slice %arg10[%add3A_67, %dma_start3A_75] : memref<10240x128xf32, #tpu.memory_space<vmem_shared>> -> memref<80x128xf32, #tpu.memory_space<vmem_shared>>
      %dma_start3A_77 = arith.constant 0 : i32
      %dma_start3A_78 = tpu.memref_slice %arg10[%add3A_67, %dma_start3A_77] : memref<10240x128xf32, #tpu.memory_space<vmem_shared>> -> memref<80x128xf32, #tpu.memory_space<vmem_shared>>
      tpu.enqueue_dma source(%dma_start3A_78 : memref<80x128xf32, #tpu.memory_space<vmem_shared>>) target(%arg8 : memref<80x128xf32, #tpu.memory_space<vmem>>) target_semaphore(%run_scoped3A_74 : memref<!tpu.dma_semaphore, #tpu.memory_space<semaphore_mem>>)
      %dma_wait3A_79 = arith.constant 0 : i32
      %dma_wait3A_80 = tpu.memref_slice %arg10[%add3A_67, %dma_wait3A_79] : memref<10240x128xf32, #tpu.memory_space<vmem_shared>> -> memref<80x128xf32, #tpu.memory_space<vmem_shared>>
      %dma_wait3A_81 = arith.constant 0 : i32
      %dma_wait3A_82 = tpu.memref_slice %arg10[%add3A_67, %dma_wait3A_81] : memref<10240x128xf32, #tpu.memory_space<vmem_shared>> -> memref<80x128xf32, #tpu.memory_space<vmem_shared>>
      tpu.wait_dma2 semaphore(%run_scoped3A_74 : memref<!tpu.dma_semaphore, #tpu.memory_space<semaphore_mem>>) src(%dma_wait3A_82 : memref<80x128xf32, #tpu.memory_space<vmem_shared>>) dst(%arg8 : memref<80x128xf32, #tpu.memory_space<vmem>>)
      tpu.yield
    }) : () -> ()
    %add3A_68 = arith.constant 480 : i32
    %add3A_69 = arith.addi %mul3A_2, %add3A_68 : i32
    "tpu.region"() ({
      %run_scoped3A_74 = tpu.sem_alloc : memref<!tpu.dma_semaphore, #tpu.memory_space<semaphore_mem>>
      %dma_start3A_75 = arith.constant 0 : i32
      %dma_start3A_76 = tpu.memref_slice %arg5[%arg0, %add3A_69, %dma_start3A_75] : memref<2x10240x128xf32, #tpu.memory_space<hbm>> -> memref<1x80x128xf32, #tpu.memory_space<hbm>>
      %dma_start3A_77 = tpu.memref_squeeze %dma_start3A_76 : memref<1x80x128xf32, #tpu.memory_space<hbm>> -> memref<80x128xf32, #tpu.memory_space<hbm>>
      %dma_start3A_78 = arith.constant 0 : i32
      %dma_start3A_79 = tpu.memref_slice %arg5[%arg0, %add3A_69, %dma_start3A_78] : memref<2x10240x128xf32, #tpu.memory_space<hbm>> -> memref<1x80x128xf32, #tpu.memory_space<hbm>>
      %dma_start3A_80 = tpu.memref_squeeze %dma_start3A_79 : memref<1x80x128xf32, #tpu.memory_space<hbm>> -> memref<80x128xf32, #tpu.memory_space<hbm>>
      tpu.enqueue_dma source(%arg8 : memref<80x128xf32, #tpu.memory_space<vmem>>) target(%dma_start3A_80 : memref<80x128xf32, #tpu.memory_space<hbm>>) target_semaphore(%run_scoped3A_74 : memref<!tpu.dma_semaphore, #tpu.memory_space<semaphore_mem>>)
      %dma_wait3A_81 = arith.constant 0 : i32
      %dma_wait3A_82 = tpu.memref_slice %arg5[%arg0, %add3A_69, %dma_wait3A_81] : memref<2x10240x128xf32, #tpu.memory_space<hbm>> -> memref<1x80x128xf32, #tpu.memory_space<hbm>>
      %dma_wait3A_83 = tpu.memref_squeeze %dma_wait3A_82 : memref<1x80x128xf32, #tpu.memory_space<hbm>> -> memref<80x128xf32, #tpu.memory_space<hbm>>
      %dma_wait3A_84 = arith.constant 0 : i32
      %dma_wait3A_85 = tpu.memref_slice %arg5[%arg0, %add3A_69, %dma_wait3A_84] : memref<2x10240x128xf32, #tpu.memory_space<hbm>> -> memref<1x80x128xf32, #tpu.memory_space<hbm>>
      %dma_wait3A_86 = tpu.memref_squeeze %dma_wait3A_85 : memref<1x80x128xf32, #tpu.memory_space<hbm>> -> memref<80x128xf32, #tpu.memory_space<hbm>>
      tpu.wait_dma2 semaphore(%run_scoped3A_74 : memref<!tpu.dma_semaphore, #tpu.memory_space<semaphore_mem>>) src(%arg8 : memref<80x128xf32, #tpu.memory_space<vmem>>) dst(%dma_wait3A_86 : memref<80x128xf32, #tpu.memory_space<hbm>>)
      tpu.yield
    }) : () -> ()
    %add3A_70 = arith.constant 560 : i32
    %add3A_71 = arith.addi %mul3A_2, %add3A_70 : i32
    "tpu.region"() ({
      %run_scoped3A_74 = tpu.sem_alloc : memref<!tpu.dma_semaphore, #tpu.memory_space<semaphore_mem>>
      %dma_start3A_75 = arith.constant 0 : i32
      %dma_start3A_76 = tpu.memref_slice %arg10[%add3A_71, %dma_start3A_75] : memref<10240x128xf32, #tpu.memory_space<vmem_shared>> -> memref<80x128xf32, #tpu.memory_space<vmem_shared>>
      %dma_start3A_77 = arith.constant 0 : i32
      %dma_start3A_78 = tpu.memref_slice %arg10[%add3A_71, %dma_start3A_77] : memref<10240x128xf32, #tpu.memory_space<vmem_shared>> -> memref<80x128xf32, #tpu.memory_space<vmem_shared>>
      tpu.enqueue_dma source(%dma_start3A_78 : memref<80x128xf32, #tpu.memory_space<vmem_shared>>) target(%arg8 : memref<80x128xf32, #tpu.memory_space<vmem>>) target_semaphore(%run_scoped3A_74 : memref<!tpu.dma_semaphore, #tpu.memory_space<semaphore_mem>>)
      %dma_wait3A_79 = arith.constant 0 : i32
      %dma_wait3A_80 = tpu.memref_slice %arg10[%add3A_71, %dma_wait3A_79] : memref<10240x128xf32, #tpu.memory_space<vmem_shared>> -> memref<80x128xf32, #tpu.memory_space<vmem_shared>>
      %dma_wait3A_81 = arith.constant 0 : i32
      %dma_wait3A_82 = tpu.memref_slice %arg10[%add3A_71, %dma_wait3A_81] : memref<10240x128xf32, #tpu.memory_space<vmem_shared>> -> memref<80x128xf32, #tpu.memory_space<vmem_shared>>
      tpu.wait_dma2 semaphore(%run_scoped3A_74 : memref<!tpu.dma_semaphore, #tpu.memory_space<semaphore_mem>>) src(%dma_wait3A_82 : memref<80x128xf32, #tpu.memory_space<vmem_shared>>) dst(%arg8 : memref<80x128xf32, #tpu.memory_space<vmem>>)
      tpu.yield
    }) : () -> ()
    %add3A_72 = arith.constant 560 : i32
    %add3A_73 = arith.addi %mul3A_2, %add3A_72 : i32
    "tpu.region"() ({
      %run_scoped3A_74 = tpu.sem_alloc : memref<!tpu.dma_semaphore, #tpu.memory_space<semaphore_mem>>
      %dma_start3A_75 = arith.constant 0 : i32
      %dma_start3A_76 = tpu.memref_slice %arg5[%arg0, %add3A_73, %dma_start3A_75] : memref<2x10240x128xf32, #tpu.memory_space<hbm>> -> memref<1x80x128xf32, #tpu.memory_space<hbm>>
      %dma_start3A_77 = tpu.memref_squeeze %dma_start3A_76 : memref<1x80x128xf32, #tpu.memory_space<hbm>> -> memref<80x128xf32, #tpu.memory_space<hbm>>
      %dma_start3A_78 = arith.constant 0 : i32
      %dma_start3A_79 = tpu.memref_slice %arg5[%arg0, %add3A_73, %dma_start3A_78] : memref<2x10240x128xf32, #tpu.memory_space<hbm>> -> memref<1x80x128xf32, #tpu.memory_space<hbm>>
      %dma_start3A_80 = tpu.memref_squeeze %dma_start3A_79 : memref<1x80x128xf32, #tpu.memory_space<hbm>> -> memref<80x128xf32, #tpu.memory_space<hbm>>
      tpu.enqueue_dma source(%arg8 : memref<80x128xf32, #tpu.memory_space<vmem>>) target(%dma_start3A_80 : memref<80x128xf32, #tpu.memory_space<hbm>>) target_semaphore(%run_scoped3A_74 : memref<!tpu.dma_semaphore, #tpu.memory_space<semaphore_mem>>)
      %dma_wait3A_81 = arith.constant 0 : i32
      %dma_wait3A_82 = tpu.memref_slice %arg5[%arg0, %add3A_73, %dma_wait3A_81] : memref<2x10240x128xf32, #tpu.memory_space<hbm>> -> memref<1x80x128xf32, #tpu.memory_space<hbm>>
      %dma_wait3A_83 = tpu.memref_squeeze %dma_wait3A_82 : memref<1x80x128xf32, #tpu.memory_space<hbm>> -> memref<80x128xf32, #tpu.memory_space<hbm>>
      %dma_wait3A_84 = arith.constant 0 : i32
      %dma_wait3A_85 = tpu.memref_slice %arg5[%arg0, %add3A_73, %dma_wait3A_84] : memref<2x10240x128xf32, #tpu.memory_space<hbm>> -> memref<1x80x128xf32, #tpu.memory_space<hbm>>
      %dma_wait3A_86 = tpu.memref_squeeze %dma_wait3A_85 : memref<1x80x128xf32, #tpu.memory_space<hbm>> -> memref<80x128xf32, #tpu.memory_space<hbm>>
      tpu.wait_dma2 semaphore(%run_scoped3A_74 : memref<!tpu.dma_semaphore, #tpu.memory_space<semaphore_mem>>) src(%arg8 : memref<80x128xf32, #tpu.memory_space<vmem>>) dst(%dma_wait3A_86 : memref<80x128xf32, #tpu.memory_space<hbm>>)
      tpu.yield
    }) : () -> ()
    return
  }
}

#map = affine_map<(d0, d1) -> (0, 0, 0)>
module attributes {stable_mosaic.version = 14 : i64} {
  func.func @_deg_body(%arg0: i32, %arg1: i32, %arg2: memref<32x79x128xi32, #tpu.memory_space<hbm>>, %arg3: memref<2x10240x16xf32, #tpu.memory_space<hbm>>, %arg4: memref<79x128xi32, #tpu.memory_space<vmem>>, %arg5: memref<128x16xf32, #tpu.memory_space<vmem>>, %arg6: memref<128x16xf32, #tpu.memory_space<vmem>>, %arg7: memref<10240x16xf32, #tpu.memory_space<vmem_shared>>, %arg8: memref<!tpu.dma_semaphore, #tpu.memory_space<semaphore_mem>>) attributes {dimension_semantics = [#tpu.dimension_semantics<core_parallel>, #tpu.dimension_semantics<subcore_parallel>], iteration_bounds = array<i64: 2, 16>, scalar_prefetch = 0 : i64, scratch_operands = 5 : i64, tpu.core_type = #tpu.core_type<sc_vector_subcore>, window_params = [{transform_indices = #map}, {transform_indices = #map}]} {
    %mul3A = arith.constant 16 : i32
    %mul3A_0 = arith.muli %arg0, %mul3A : i32
    %add3A = arith.addi %mul3A_0, %arg1 : i32
    %mul3A_1 = arith.constant 640 : i32
    %mul3A_2 = arith.muli %arg1, %mul3A_1 : i32
    %broadcast_in_dim3A = arith.constant 0.000000e+00 : f32
    %broadcast_in_dim3A_3 = vector.broadcast %broadcast_in_dim3A : f32 to vector<16xf32>
    %broadcast_in_dim3A_4 = arith.constant 1.000000e+00 : f32
    %broadcast_in_dim3A_5 = vector.broadcast %broadcast_in_dim3A_4 : f32 to vector<16xf32>
    "tpu.region"() ({
      %run_scoped3A = tpu.sem_alloc : memref<!tpu.dma_semaphore, #tpu.memory_space<semaphore_mem>>
      %dma_start3A_111 = arith.constant 0 : i32
      %dma_start3A_112 = arith.constant 0 : i32
      %dma_start3A_113 = tpu.memref_slice %arg2[%add3A, %dma_start3A_111, %dma_start3A_112] : memref<32x79x128xi32, #tpu.memory_space<hbm>> -> memref<1x79x128xi32, #tpu.memory_space<hbm>>
      %dma_start3A_114 = tpu.memref_squeeze %dma_start3A_113 : memref<1x79x128xi32, #tpu.memory_space<hbm>> -> memref<79x128xi32, #tpu.memory_space<hbm>>
      %dma_start3A_115 = arith.constant 0 : i32
      %dma_start3A_116 = arith.constant 0 : i32
      %dma_start3A_117 = tpu.memref_slice %arg2[%add3A, %dma_start3A_115, %dma_start3A_116] : memref<32x79x128xi32, #tpu.memory_space<hbm>> -> memref<1x79x128xi32, #tpu.memory_space<hbm>>
      %dma_start3A_118 = tpu.memref_squeeze %dma_start3A_117 : memref<1x79x128xi32, #tpu.memory_space<hbm>> -> memref<79x128xi32, #tpu.memory_space<hbm>>
      tpu.enqueue_dma source(%dma_start3A_118 : memref<79x128xi32, #tpu.memory_space<hbm>>) target(%arg4 : memref<79x128xi32, #tpu.memory_space<vmem>>) target_semaphore(%run_scoped3A : memref<!tpu.dma_semaphore, #tpu.memory_space<semaphore_mem>>)
      %dma_wait3A_119 = arith.constant 0 : i32
      %dma_wait3A_120 = arith.constant 0 : i32
      %dma_wait3A_121 = tpu.memref_slice %arg2[%add3A, %dma_wait3A_119, %dma_wait3A_120] : memref<32x79x128xi32, #tpu.memory_space<hbm>> -> memref<1x79x128xi32, #tpu.memory_space<hbm>>
      %dma_wait3A_122 = tpu.memref_squeeze %dma_wait3A_121 : memref<1x79x128xi32, #tpu.memory_space<hbm>> -> memref<79x128xi32, #tpu.memory_space<hbm>>
      %dma_wait3A_123 = arith.constant 0 : i32
      %dma_wait3A_124 = arith.constant 0 : i32
      %dma_wait3A_125 = tpu.memref_slice %arg2[%add3A, %dma_wait3A_123, %dma_wait3A_124] : memref<32x79x128xi32, #tpu.memory_space<hbm>> -> memref<1x79x128xi32, #tpu.memory_space<hbm>>
      %dma_wait3A_126 = tpu.memref_squeeze %dma_wait3A_125 : memref<1x79x128xi32, #tpu.memory_space<hbm>> -> memref<79x128xi32, #tpu.memory_space<hbm>>
      tpu.wait_dma2 semaphore(%run_scoped3A : memref<!tpu.dma_semaphore, #tpu.memory_space<semaphore_mem>>) src(%dma_wait3A_126 : memref<79x128xi32, #tpu.memory_space<hbm>>) dst(%arg4 : memref<79x128xi32, #tpu.memory_space<vmem>>)
      tpu.yield
    }) : () -> ()
    %scan3A = arith.constant 0 : i32
    %scan3A_6 = arith.constant 0 : i32
    %scan3A_7 = arith.constant 128 : i32
    %scan3A_8 = arith.addi %scan3A_6, %scan3A_7 : i32
    %scan3A_9 = arith.constant 1 : i32
    %scan3A_10 = scf.for %scan3A_111 = %scan3A_6 to %scan3A_8 step %scan3A_9 iter_args(%scan3A_112 = %scan3A) -> (i32)  : i32 {
      %swap3A = arith.index_cast %scan3A_111 : i32 to index
      %swap3A_113 = arith.constant 0 : index
      %swap3A_114 = tpu.vector_load %arg5[%swap3A, %swap3A_113] {strides = array<i32>} : memref<128x16xf32, #tpu.memory_space<vmem>>, vector<1x16xf32>,
      %swap3A_115 = vector.shape_cast %swap3A_114 : vector<1x16xf32> to vector<16xf32>
      %swap3A_116 = vector.shape_cast %broadcast_in_dim3A_5 : vector<16xf32> to vector<1x16xf32>
      tpu.vector_store %arg5[%swap3A, %swap3A_113], %swap3A_116 {strides = array<i32>} : memref<128x16xf32, #tpu.memory_space<vmem>>, vector<1x16xf32>,
      %scan3A_117 = arith.constant 0 : i32
      scf.yield %scan3A_117 : i32
    }
    %scan3A_11 = arith.constant 128 : i32
    %scan3A_12 = arith.constant 0 : i32
    %scan3A_13 = arith.constant 0 : i32
    %scan3A_14 = arith.constant 128 : i32
    %scan3A_15 = arith.addi %scan3A_13, %scan3A_14 : i32
    %scan3A_16 = arith.constant 1 : i32
    %scan3A_17 = scf.for %scan3A_111 = %scan3A_13 to %scan3A_15 step %scan3A_16 iter_args(%scan3A_112 = %scan3A_12) -> (i32)  : i32 {
      %swap3A = arith.index_cast %scan3A_111 : i32 to index
      %swap3A_113 = arith.constant 0 : index
      %swap3A_114 = tpu.vector_load %arg6[%swap3A, %swap3A_113] {strides = array<i32>} : memref<128x16xf32, #tpu.memory_space<vmem>>, vector<1x16xf32>,
      %swap3A_115 = vector.shape_cast %swap3A_114 : vector<1x16xf32> to vector<16xf32>
      %swap3A_116 = vector.shape_cast %broadcast_in_dim3A_3 : vector<16xf32> to vector<1x16xf32>
      tpu.vector_store %arg6[%swap3A, %swap3A_113], %swap3A_116 {strides = array<i32>} : memref<128x16xf32, #tpu.memory_space<vmem>>, vector<1x16xf32>,
      %scan3A_117 = arith.constant 0 : i32
      scf.yield %scan3A_117 : i32
    }
    %scan3A_18 = arith.constant 128 : i32
    %add3A_19 = arith.constant 0 : i32
    %add3A_20 = arith.addi %mul3A_2, %add3A_19 : i32
    "tpu.region"() ({
      %run_scoped3A = tpu.sem_alloc : memref<!tpu.dma_semaphore, #tpu.memory_space<semaphore_mem>>
      %dma_start3A_111 = arith.constant 0 : i32
      %dma_start3A_112 = tpu.memref_slice %arg7[%add3A_20, %dma_start3A_111] : memref<10240x16xf32, #tpu.memory_space<vmem_shared>> -> memref<128x16xf32, #tpu.memory_space<vmem_shared>>
      %dma_start3A_113 = arith.constant 0 : i32
      %dma_start3A_114 = tpu.memref_slice %arg7[%add3A_20, %dma_start3A_113] : memref<10240x16xf32, #tpu.memory_space<vmem_shared>> -> memref<128x16xf32, #tpu.memory_space<vmem_shared>>
      tpu.enqueue_dma source(%arg6 : memref<128x16xf32, #tpu.memory_space<vmem>>) target(%dma_start3A_114 : memref<128x16xf32, #tpu.memory_space<vmem_shared>>) target_semaphore(%run_scoped3A : memref<!tpu.dma_semaphore, #tpu.memory_space<semaphore_mem>>)
      %dma_wait3A_115 = arith.constant 0 : i32
      %dma_wait3A_116 = tpu.memref_slice %arg7[%add3A_20, %dma_wait3A_115] : memref<10240x16xf32, #tpu.memory_space<vmem_shared>> -> memref<128x16xf32, #tpu.memory_space<vmem_shared>>
      %dma_wait3A_117 = arith.constant 0 : i32
      %dma_wait3A_118 = tpu.memref_slice %arg7[%add3A_20, %dma_wait3A_117] : memref<10240x16xf32, #tpu.memory_space<vmem_shared>> -> memref<128x16xf32, #tpu.memory_space<vmem_shared>>
      tpu.wait_dma2 semaphore(%run_scoped3A : memref<!tpu.dma_semaphore, #tpu.memory_space<semaphore_mem>>) src(%arg6 : memref<128x16xf32, #tpu.memory_space<vmem>>) dst(%dma_wait3A_118 : memref<128x16xf32, #tpu.memory_space<vmem_shared>>)
      tpu.yield
    }) : () -> ()
    %add3A_21 = arith.constant 128 : i32
    %add3A_22 = arith.addi %mul3A_2, %add3A_21 : i32
    "tpu.region"() ({
      %run_scoped3A = tpu.sem_alloc : memref<!tpu.dma_semaphore, #tpu.memory_space<semaphore_mem>>
      %dma_start3A_111 = arith.constant 0 : i32
      %dma_start3A_112 = tpu.memref_slice %arg7[%add3A_22, %dma_start3A_111] : memref<10240x16xf32, #tpu.memory_space<vmem_shared>> -> memref<128x16xf32, #tpu.memory_space<vmem_shared>>
      %dma_start3A_113 = arith.constant 0 : i32
      %dma_start3A_114 = tpu.memref_slice %arg7[%add3A_22, %dma_start3A_113] : memref<10240x16xf32, #tpu.memory_space<vmem_shared>> -> memref<128x16xf32, #tpu.memory_space<vmem_shared>>
      tpu.enqueue_dma source(%arg6 : memref<128x16xf32, #tpu.memory_space<vmem>>) target(%dma_start3A_114 : memref<128x16xf32, #tpu.memory_space<vmem_shared>>) target_semaphore(%run_scoped3A : memref<!tpu.dma_semaphore, #tpu.memory_space<semaphore_mem>>)
      %dma_wait3A_115 = arith.constant 0 : i32
      %dma_wait3A_116 = tpu.memref_slice %arg7[%add3A_22, %dma_wait3A_115] : memref<10240x16xf32, #tpu.memory_space<vmem_shared>> -> memref<128x16xf32, #tpu.memory_space<vmem_shared>>
      %dma_wait3A_117 = arith.constant 0 : i32
      %dma_wait3A_118 = tpu.memref_slice %arg7[%add3A_22, %dma_wait3A_117] : memref<10240x16xf32, #tpu.memory_space<vmem_shared>> -> memref<128x16xf32, #tpu.memory_space<vmem_shared>>
      tpu.wait_dma2 semaphore(%run_scoped3A : memref<!tpu.dma_semaphore, #tpu.memory_space<semaphore_mem>>) src(%arg6 : memref<128x16xf32, #tpu.memory_space<vmem>>) dst(%dma_wait3A_118 : memref<128x16xf32, #tpu.memory_space<vmem_shared>>)
      tpu.yield
    }) : () -> ()
    %add3A_23 = arith.constant 256 : i32
    %add3A_24 = arith.addi %mul3A_2, %add3A_23 : i32
    "tpu.region"() ({
      %run_scoped3A = tpu.sem_alloc : memref<!tpu.dma_semaphore, #tpu.memory_space<semaphore_mem>>
      %dma_start3A_111 = arith.constant 0 : i32
      %dma_start3A_112 = tpu.memref_slice %arg7[%add3A_24, %dma_start3A_111] : memref<10240x16xf32, #tpu.memory_space<vmem_shared>> -> memref<128x16xf32, #tpu.memory_space<vmem_shared>>
      %dma_start3A_113 = arith.constant 0 : i32
      %dma_start3A_114 = tpu.memref_slice %arg7[%add3A_24, %dma_start3A_113] : memref<10240x16xf32, #tpu.memory_space<vmem_shared>> -> memref<128x16xf32, #tpu.memory_space<vmem_shared>>
      tpu.enqueue_dma source(%arg6 : memref<128x16xf32, #tpu.memory_space<vmem>>) target(%dma_start3A_114 : memref<128x16xf32, #tpu.memory_space<vmem_shared>>) target_semaphore(%run_scoped3A : memref<!tpu.dma_semaphore, #tpu.memory_space<semaphore_mem>>)
      %dma_wait3A_115 = arith.constant 0 : i32
      %dma_wait3A_116 = tpu.memref_slice %arg7[%add3A_24, %dma_wait3A_115] : memref<10240x16xf32, #tpu.memory_space<vmem_shared>> -> memref<128x16xf32, #tpu.memory_space<vmem_shared>>
      %dma_wait3A_117 = arith.constant 0 : i32
      %dma_wait3A_118 = tpu.memref_slice %arg7[%add3A_24, %dma_wait3A_117] : memref<10240x16xf32, #tpu.memory_space<vmem_shared>> -> memref<128x16xf32, #tpu.memory_space<vmem_shared>>
      tpu.wait_dma2 semaphore(%run_scoped3A : memref<!tpu.dma_semaphore, #tpu.memory_space<semaphore_mem>>) src(%arg6 : memref<128x16xf32, #tpu.memory_space<vmem>>) dst(%dma_wait3A_118 : memref<128x16xf32, #tpu.memory_space<vmem_shared>>)
      tpu.yield
    }) : () -> ()
    %add3A_25 = arith.constant 384 : i32
    %add3A_26 = arith.addi %mul3A_2, %add3A_25 : i32
    "tpu.region"() ({
      %run_scoped3A = tpu.sem_alloc : memref<!tpu.dma_semaphore, #tpu.memory_space<semaphore_mem>>
      %dma_start3A_111 = arith.constant 0 : i32
      %dma_start3A_112 = tpu.memref_slice %arg7[%add3A_26, %dma_start3A_111] : memref<10240x16xf32, #tpu.memory_space<vmem_shared>> -> memref<128x16xf32, #tpu.memory_space<vmem_shared>>
      %dma_start3A_113 = arith.constant 0 : i32
      %dma_start3A_114 = tpu.memref_slice %arg7[%add3A_26, %dma_start3A_113] : memref<10240x16xf32, #tpu.memory_space<vmem_shared>> -> memref<128x16xf32, #tpu.memory_space<vmem_shared>>
      tpu.enqueue_dma source(%arg6 : memref<128x16xf32, #tpu.memory_space<vmem>>) target(%dma_start3A_114 : memref<128x16xf32, #tpu.memory_space<vmem_shared>>) target_semaphore(%run_scoped3A : memref<!tpu.dma_semaphore, #tpu.memory_space<semaphore_mem>>)
      %dma_wait3A_115 = arith.constant 0 : i32
      %dma_wait3A_116 = tpu.memref_slice %arg7[%add3A_26, %dma_wait3A_115] : memref<10240x16xf32, #tpu.memory_space<vmem_shared>> -> memref<128x16xf32, #tpu.memory_space<vmem_shared>>
      %dma_wait3A_117 = arith.constant 0 : i32
      %dma_wait3A_118 = tpu.memref_slice %arg7[%add3A_26, %dma_wait3A_117] : memref<10240x16xf32, #tpu.memory_space<vmem_shared>> -> memref<128x16xf32, #tpu.memory_space<vmem_shared>>
      tpu.wait_dma2 semaphore(%run_scoped3A : memref<!tpu.dma_semaphore, #tpu.memory_space<semaphore_mem>>) src(%arg6 : memref<128x16xf32, #tpu.memory_space<vmem>>) dst(%dma_wait3A_118 : memref<128x16xf32, #tpu.memory_space<vmem_shared>>)
      tpu.yield
    }) : () -> ()
    %add3A_27 = arith.constant 512 : i32
    %add3A_28 = arith.addi %mul3A_2, %add3A_27 : i32
    "tpu.region"() ({
      %run_scoped3A = tpu.sem_alloc : memref<!tpu.dma_semaphore, #tpu.memory_space<semaphore_mem>>
      %dma_start3A_111 = arith.constant 0 : i32
      %dma_start3A_112 = tpu.memref_slice %arg7[%add3A_28, %dma_start3A_111] : memref<10240x16xf32, #tpu.memory_space<vmem_shared>> -> memref<128x16xf32, #tpu.memory_space<vmem_shared>>
      %dma_start3A_113 = arith.constant 0 : i32
      %dma_start3A_114 = tpu.memref_slice %arg7[%add3A_28, %dma_start3A_113] : memref<10240x16xf32, #tpu.memory_space<vmem_shared>> -> memref<128x16xf32, #tpu.memory_space<vmem_shared>>
      tpu.enqueue_dma source(%arg6 : memref<128x16xf32, #tpu.memory_space<vmem>>) target(%dma_start3A_114 : memref<128x16xf32, #tpu.memory_space<vmem_shared>>) target_semaphore(%run_scoped3A : memref<!tpu.dma_semaphore, #tpu.memory_space<semaphore_mem>>)
      %dma_wait3A_115 = arith.constant 0 : i32
      %dma_wait3A_116 = tpu.memref_slice %arg7[%add3A_28, %dma_wait3A_115] : memref<10240x16xf32, #tpu.memory_space<vmem_shared>> -> memref<128x16xf32, #tpu.memory_space<vmem_shared>>
      %dma_wait3A_117 = arith.constant 0 : i32
      %dma_wait3A_118 = tpu.memref_slice %arg7[%add3A_28, %dma_wait3A_117] : memref<10240x16xf32, #tpu.memory_space<vmem_shared>> -> memref<128x16xf32, #tpu.memory_space<vmem_shared>>
      tpu.wait_dma2 semaphore(%run_scoped3A : memref<!tpu.dma_semaphore, #tpu.memory_space<semaphore_mem>>) src(%arg6 : memref<128x16xf32, #tpu.memory_space<vmem>>) dst(%dma_wait3A_118 : memref<128x16xf32, #tpu.memory_space<vmem_shared>>)
      tpu.yield
    }) : () -> ()
    %barrier3A = arith.constant 0 : index
    tpu.barrier barrier_id(%barrier3A)
    %dma_start3A = arith.constant 0 : i32
    %dma_start3A_29 = arith.constant 0 : i32
    %dma_start3A_30 = tpu.memref_slice %arg4[%dma_start3A, %dma_start3A_29] : memref<79x128xi32, #tpu.memory_space<vmem>> -> memref<1x128xi32, #tpu.memory_space<vmem>>
    %dma_start3A_31 = tpu.memref_squeeze %dma_start3A_30 : memref<1x128xi32, #tpu.memory_space<vmem>> -> memref<128xi32, #tpu.memory_space<vmem>>
    %dma_start3A_32 = arith.constant 0 : i32
    %dma_start3A_33 = arith.constant 0 : i32
    %dma_start3A_34 = tpu.memref_slice %arg7[%dma_start3A_32, %dma_start3A_33] : memref<10240x16xf32, #tpu.memory_space<vmem_shared>> -> memref<10240x16xf32, #tpu.memory_space<vmem_shared>>
    tpu.enqueue_indirect_dma source(%arg5 : memref<128x16xf32, #tpu.memory_space<vmem>>) target(%dma_start3A_34 : memref<10240x16xf32, #tpu.memory_space<vmem_shared>>) offsets(%dma_start3A_31 : memref<128xi32, #tpu.memory_space<vmem>>) semaphore(%arg8 : memref<!tpu.dma_semaphore, #tpu.memory_space<semaphore_mem>>) {add = true}
    %dma_start3A_35 = arith.constant 1 : i32
    %dma_start3A_36 = arith.constant 0 : i32
    %dma_start3A_37 = tpu.memref_slice %arg4[%dma_start3A_35, %dma_start3A_36] : memref<79x128xi32, #tpu.memory_space<vmem>> -> memref<1x128xi32, #tpu.memory_space<vmem>>
    %dma_start3A_38 = tpu.memref_squeeze %dma_start3A_37 : memref<1x128xi32, #tpu.memory_space<vmem>> -> memref<128xi32, #tpu.memory_space<vmem>>
    %dma_start3A_39 = arith.constant 0 : i32
    %dma_start3A_40 = arith.constant 0 : i32
    %dma_start3A_41 = tpu.memref_slice %arg7[%dma_start3A_39, %dma_start3A_40] : memref<10240x16xf32, #tpu.memory_space<vmem_shared>> -> memref<10240x16xf32, #tpu.memory_space<vmem_shared>>
    tpu.enqueue_indirect_dma source(%arg5 : memref<128x16xf32, #tpu.memory_space<vmem>>) target(%dma_start3A_41 : memref<10240x16xf32, #tpu.memory_space<vmem_shared>>) offsets(%dma_start3A_38 : memref<128xi32, #tpu.memory_space<vmem>>) semaphore(%arg8 : memref<!tpu.dma_semaphore, #tpu.memory_space<semaphore_mem>>) {add = true}
    %dma_start3A_42 = arith.constant 2 : i32
    %dma_start3A_43 = arith.constant 0 : i32
    %dma_start3A_44 = tpu.memref_slice %arg4[%dma_start3A_42, %dma_start3A_43] : memref<79x128xi32, #tpu.memory_space<vmem>> -> memref<1x128xi32, #tpu.memory_space<vmem>>
    %dma_start3A_45 = tpu.memref_squeeze %dma_start3A_44 : memref<1x128xi32, #tpu.memory_space<vmem>> -> memref<128xi32, #tpu.memory_space<vmem>>
    %dma_start3A_46 = arith.constant 0 : i32
    %dma_start3A_47 = arith.constant 0 : i32
    %dma_start3A_48 = tpu.memref_slice %arg7[%dma_start3A_46, %dma_start3A_47] : memref<10240x16xf32, #tpu.memory_space<vmem_shared>> -> memref<10240x16xf32, #tpu.memory_space<vmem_shared>>
    tpu.enqueue_indirect_dma source(%arg5 : memref<128x16xf32, #tpu.memory_space<vmem>>) target(%dma_start3A_48 : memref<10240x16xf32, #tpu.memory_space<vmem_shared>>) offsets(%dma_start3A_45 : memref<128xi32, #tpu.memory_space<vmem>>) semaphore(%arg8 : memref<!tpu.dma_semaphore, #tpu.memory_space<semaphore_mem>>) {add = true}
    %dma_start3A_49 = arith.constant 3 : i32
    %dma_start3A_50 = arith.constant 0 : i32
    %dma_start3A_51 = tpu.memref_slice %arg4[%dma_start3A_49, %dma_start3A_50] : memref<79x128xi32, #tpu.memory_space<vmem>> -> memref<1x128xi32, #tpu.memory_space<vmem>>
    %dma_start3A_52 = tpu.memref_squeeze %dma_start3A_51 : memref<1x128xi32, #tpu.memory_space<vmem>> -> memref<128xi32, #tpu.memory_space<vmem>>
    %dma_start3A_53 = arith.constant 0 : i32
    %dma_start3A_54 = arith.constant 0 : i32
    %dma_start3A_55 = tpu.memref_slice %arg7[%dma_start3A_53, %dma_start3A_54] : memref<10240x16xf32, #tpu.memory_space<vmem_shared>> -> memref<10240x16xf32, #tpu.memory_space<vmem_shared>>
    tpu.enqueue_indirect_dma source(%arg5 : memref<128x16xf32, #tpu.memory_space<vmem>>) target(%dma_start3A_55 : memref<10240x16xf32, #tpu.memory_space<vmem_shared>>) offsets(%dma_start3A_52 : memref<128xi32, #tpu.memory_space<vmem>>) semaphore(%arg8 : memref<!tpu.dma_semaphore, #tpu.memory_space<semaphore_mem>>) {add = true}
    %scan3A_56 = arith.constant 0 : i32
    %scan3A_57 = arith.constant 4 : i32
    %scan3A_58 = arith.constant 75 : i32
    %scan3A_59 = arith.addi %scan3A_57, %scan3A_58 : i32
    %scan3A_60 = arith.constant 1 : i32
    %scan3A_61 = scf.for %scan3A_111 = %scan3A_57 to %scan3A_59 step %scan3A_60 iter_args(%scan3A_112 = %scan3A_56) -> (i32)  : i32 {
      %dma_start3A_113 = arith.constant 0 : i32
      %dma_start3A_114 = tpu.memref_slice %arg4[%scan3A_111, %dma_start3A_113] : memref<79x128xi32, #tpu.memory_space<vmem>> -> memref<1x128xi32, #tpu.memory_space<vmem>>
      %dma_start3A_115 = tpu.memref_squeeze %dma_start3A_114 : memref<1x128xi32, #tpu.memory_space<vmem>> -> memref<128xi32, #tpu.memory_space<vmem>>
      %dma_start3A_116 = arith.constant 0 : i32
      %dma_start3A_117 = arith.constant 0 : i32
      %dma_start3A_118 = tpu.memref_slice %arg7[%dma_start3A_116, %dma_start3A_117] : memref<10240x16xf32, #tpu.memory_space<vmem_shared>> -> memref<10240x16xf32, #tpu.memory_space<vmem_shared>>
      tpu.enqueue_indirect_dma source(%arg5 : memref<128x16xf32, #tpu.memory_space<vmem>>) target(%dma_start3A_118 : memref<10240x16xf32, #tpu.memory_space<vmem_shared>>) offsets(%dma_start3A_115 : memref<128xi32, #tpu.memory_space<vmem>>) semaphore(%arg8 : memref<!tpu.dma_semaphore, #tpu.memory_space<semaphore_mem>>) {add = true}
      %dma_wait3A_119 = arith.constant 0 : i32
      %dma_wait3A_120 = arith.constant 0 : i32
      %dma_wait3A_121 = tpu.memref_slice %arg4[%dma_wait3A_119, %dma_wait3A_120] : memref<79x128xi32, #tpu.memory_space<vmem>> -> memref<1x128xi32, #tpu.memory_space<vmem>>
      %dma_wait3A_122 = tpu.memref_squeeze %dma_wait3A_121 : memref<1x128xi32, #tpu.memory_space<vmem>> -> memref<128xi32, #tpu.memory_space<vmem>>
      %dma_wait3A_123 = arith.constant 0 : i32
      %dma_wait3A_124 = arith.constant 0 : i32
      %dma_wait3A_125 = tpu.memref_slice %arg7[%dma_wait3A_123, %dma_wait3A_124] : memref<10240x16xf32, #tpu.memory_space<vmem_shared>> -> memref<10240x16xf32, #tpu.memory_space<vmem_shared>>
      tpu.wait_indirect_dma semaphore(%arg8 : memref<!tpu.dma_semaphore, #tpu.memory_space<semaphore_mem>>) src(%arg5 : memref<128x16xf32, #tpu.memory_space<vmem>>) dst(%dma_wait3A_125 : memref<10240x16xf32, #tpu.memory_space<vmem_shared>>)
      %scan3A_126 = arith.constant 0 : i32
      scf.yield %scan3A_126 : i32
    }
    %scan3A_62 = arith.constant 75 : i32
    %dma_wait3A = arith.constant 0 : i32
    %dma_wait3A_63 = arith.constant 0 : i32
    %dma_wait3A_64 = tpu.memref_slice %arg4[%dma_wait3A, %dma_wait3A_63] : memref<79x128xi32, #tpu.memory_space<vmem>> -> memref<1x128xi32, #tpu.memory_space<vmem>>
    %dma_wait3A_65 = tpu.memref_squeeze %dma_wait3A_64 : memref<1x128xi32, #tpu.memory_space<vmem>> -> memref<128xi32, #tpu.memory_space<vmem>>
    %dma_wait3A_66 = arith.constant 0 : i32
    %dma_wait3A_67 = arith.constant 0 : i32
    %dma_wait3A_68 = tpu.memref_slice %arg7[%dma_wait3A_66, %dma_wait3A_67] : memref<10240x16xf32, #tpu.memory_space<vmem_shared>> -> memref<10240x16xf32, #tpu.memory_space<vmem_shared>>
    tpu.wait_indirect_dma semaphore(%arg8 : memref<!tpu.dma_semaphore, #tpu.memory_space<semaphore_mem>>) src(%arg5 : memref<128x16xf32, #tpu.memory_space<vmem>>) dst(%dma_wait3A_68 : memref<10240x16xf32, #tpu.memory_space<vmem_shared>>)
    %dma_wait3A_69 = arith.constant 0 : i32
    %dma_wait3A_70 = arith.constant 0 : i32
    %dma_wait3A_71 = tpu.memref_slice %arg4[%dma_wait3A_69, %dma_wait3A_70] : memref<79x128xi32, #tpu.memory_space<vmem>> -> memref<1x128xi32, #tpu.memory_space<vmem>>
    %dma_wait3A_72 = tpu.memref_squeeze %dma_wait3A_71 : memref<1x128xi32, #tpu.memory_space<vmem>> -> memref<128xi32, #tpu.memory_space<vmem>>
    %dma_wait3A_73 = arith.constant 0 : i32
    %dma_wait3A_74 = arith.constant 0 : i32
    %dma_wait3A_75 = tpu.memref_slice %arg7[%dma_wait3A_73, %dma_wait3A_74] : memref<10240x16xf32, #tpu.memory_space<vmem_shared>> -> memref<10240x16xf32, #tpu.memory_space<vmem_shared>>
    tpu.wait_indirect_dma semaphore(%arg8 : memref<!tpu.dma_semaphore, #tpu.memory_space<semaphore_mem>>) src(%arg5 : memref<128x16xf32, #tpu.memory_space<vmem>>) dst(%dma_wait3A_75 : memref<10240x16xf32, #tpu.memory_space<vmem_shared>>)
    %dma_wait3A_76 = arith.constant 0 : i32
    %dma_wait3A_77 = arith.constant 0 : i32
    %dma_wait3A_78 = tpu.memref_slice %arg4[%dma_wait3A_76, %dma_wait3A_77] : memref<79x128xi32, #tpu.memory_space<vmem>> -> memref<1x128xi32, #tpu.memory_space<vmem>>
    %dma_wait3A_79 = tpu.memref_squeeze %dma_wait3A_78 : memref<1x128xi32, #tpu.memory_space<vmem>> -> memref<128xi32, #tpu.memory_space<vmem>>
    %dma_wait3A_80 = arith.constant 0 : i32
    %dma_wait3A_81 = arith.constant 0 : i32
    %dma_wait3A_82 = tpu.memref_slice %arg7[%dma_wait3A_80, %dma_wait3A_81] : memref<10240x16xf32, #tpu.memory_space<vmem_shared>> -> memref<10240x16xf32, #tpu.memory_space<vmem_shared>>
    tpu.wait_indirect_dma semaphore(%arg8 : memref<!tpu.dma_semaphore, #tpu.memory_space<semaphore_mem>>) src(%arg5 : memref<128x16xf32, #tpu.memory_space<vmem>>) dst(%dma_wait3A_82 : memref<10240x16xf32, #tpu.memory_space<vmem_shared>>)
    %dma_wait3A_83 = arith.constant 0 : i32
    %dma_wait3A_84 = arith.constant 0 : i32
    %dma_wait3A_85 = tpu.memref_slice %arg4[%dma_wait3A_83, %dma_wait3A_84] : memref<79x128xi32, #tpu.memory_space<vmem>> -> memref<1x128xi32, #tpu.memory_space<vmem>>
    %dma_wait3A_86 = tpu.memref_squeeze %dma_wait3A_85 : memref<1x128xi32, #tpu.memory_space<vmem>> -> memref<128xi32, #tpu.memory_space<vmem>>
    %dma_wait3A_87 = arith.constant 0 : i32
    %dma_wait3A_88 = arith.constant 0 : i32
    %dma_wait3A_89 = tpu.memref_slice %arg7[%dma_wait3A_87, %dma_wait3A_88] : memref<10240x16xf32, #tpu.memory_space<vmem_shared>> -> memref<10240x16xf32, #tpu.memory_space<vmem_shared>>
    tpu.wait_indirect_dma semaphore(%arg8 : memref<!tpu.dma_semaphore, #tpu.memory_space<semaphore_mem>>) src(%arg5 : memref<128x16xf32, #tpu.memory_space<vmem>>) dst(%dma_wait3A_89 : memref<10240x16xf32, #tpu.memory_space<vmem_shared>>)
    %barrier3A_90 = arith.constant 0 : index
    tpu.barrier barrier_id(%barrier3A_90)
    %add3A_91 = arith.constant 0 : i32
    %add3A_92 = arith.addi %mul3A_2, %add3A_91 : i32
    "tpu.region"() ({
      %run_scoped3A = tpu.sem_alloc : memref<!tpu.dma_semaphore, #tpu.memory_space<semaphore_mem>>
      %dma_start3A_111 = arith.constant 0 : i32
      %dma_start3A_112 = tpu.memref_slice %arg7[%add3A_92, %dma_start3A_111] : memref<10240x16xf32, #tpu.memory_space<vmem_shared>> -> memref<128x16xf32, #tpu.memory_space<vmem_shared>>
      %dma_start3A_113 = arith.constant 0 : i32
      %dma_start3A_114 = tpu.memref_slice %arg7[%add3A_92, %dma_start3A_113] : memref<10240x16xf32, #tpu.memory_space<vmem_shared>> -> memref<128x16xf32, #tpu.memory_space<vmem_shared>>
      tpu.enqueue_dma source(%dma_start3A_114 : memref<128x16xf32, #tpu.memory_space<vmem_shared>>) target(%arg6 : memref<128x16xf32, #tpu.memory_space<vmem>>) target_semaphore(%run_scoped3A : memref<!tpu.dma_semaphore, #tpu.memory_space<semaphore_mem>>)
      %dma_wait3A_115 = arith.constant 0 : i32
      %dma_wait3A_116 = tpu.memref_slice %arg7[%add3A_92, %dma_wait3A_115] : memref<10240x16xf32, #tpu.memory_space<vmem_shared>> -> memref<128x16xf32, #tpu.memory_space<vmem_shared>>
      %dma_wait3A_117 = arith.constant 0 : i32
      %dma_wait3A_118 = tpu.memref_slice %arg7[%add3A_92, %dma_wait3A_117] : memref<10240x16xf32, #tpu.memory_space<vmem_shared>> -> memref<128x16xf32, #tpu.memory_space<vmem_shared>>
      tpu.wait_dma2 semaphore(%run_scoped3A : memref<!tpu.dma_semaphore, #tpu.memory_space<semaphore_mem>>) src(%dma_wait3A_118 : memref<128x16xf32, #tpu.memory_space<vmem_shared>>) dst(%arg6 : memref<128x16xf32, #tpu.memory_space<vmem>>)
      tpu.yield
    }) : () -> ()
    %add3A_93 = arith.constant 0 : i32
    %add3A_94 = arith.addi %mul3A_2, %add3A_93 : i32
    "tpu.region"() ({
      %run_scoped3A = tpu.sem_alloc : memref<!tpu.dma_semaphore, #tpu.memory_space<semaphore_mem>>
      %dma_start3A_111 = arith.constant 0 : i32
      %dma_start3A_112 = tpu.memref_slice %arg3[%arg0, %add3A_94, %dma_start3A_111] : memref<2x10240x16xf32, #tpu.memory_space<hbm>> -> memref<1x128x16xf32, #tpu.memory_space<hbm>>
      %dma_start3A_113 = tpu.memref_squeeze %dma_start3A_112 : memref<1x128x16xf32, #tpu.memory_space<hbm>> -> memref<128x16xf32, #tpu.memory_space<hbm>>
      %dma_start3A_114 = arith.constant 0 : i32
      %dma_start3A_115 = tpu.memref_slice %arg3[%arg0, %add3A_94, %dma_start3A_114] : memref<2x10240x16xf32, #tpu.memory_space<hbm>> -> memref<1x128x16xf32, #tpu.memory_space<hbm>>
      %dma_start3A_116 = tpu.memref_squeeze %dma_start3A_115 : memref<1x128x16xf32, #tpu.memory_space<hbm>> -> memref<128x16xf32, #tpu.memory_space<hbm>>
      tpu.enqueue_dma source(%arg6 : memref<128x16xf32, #tpu.memory_space<vmem>>) target(%dma_start3A_116 : memref<128x16xf32, #tpu.memory_space<hbm>>) target_semaphore(%run_scoped3A : memref<!tpu.dma_semaphore, #tpu.memory_space<semaphore_mem>>)
      %dma_wait3A_117 = arith.constant 0 : i32
      %dma_wait3A_118 = tpu.memref_slice %arg3[%arg0, %add3A_94, %dma_wait3A_117] : memref<2x10240x16xf32, #tpu.memory_space<hbm>> -> memref<1x128x16xf32, #tpu.memory_space<hbm>>
      %dma_wait3A_119 = tpu.memref_squeeze %dma_wait3A_118 : memref<1x128x16xf32, #tpu.memory_space<hbm>> -> memref<128x16xf32, #tpu.memory_space<hbm>>
      %dma_wait3A_120 = arith.constant 0 : i32
      %dma_wait3A_121 = tpu.memref_slice %arg3[%arg0, %add3A_94, %dma_wait3A_120] : memref<2x10240x16xf32, #tpu.memory_space<hbm>> -> memref<1x128x16xf32, #tpu.memory_space<hbm>>
      %dma_wait3A_122 = tpu.memref_squeeze %dma_wait3A_121 : memref<1x128x16xf32, #tpu.memory_space<hbm>> -> memref<128x16xf32, #tpu.memory_space<hbm>>
      tpu.wait_dma2 semaphore(%run_scoped3A : memref<!tpu.dma_semaphore, #tpu.memory_space<semaphore_mem>>) src(%arg6 : memref<128x16xf32, #tpu.memory_space<vmem>>) dst(%dma_wait3A_122 : memref<128x16xf32, #tpu.memory_space<hbm>>)
      tpu.yield
    }) : () -> ()
    %add3A_95 = arith.constant 128 : i32
    %add3A_96 = arith.addi %mul3A_2, %add3A_95 : i32
    "tpu.region"() ({
      %run_scoped3A = tpu.sem_alloc : memref<!tpu.dma_semaphore, #tpu.memory_space<semaphore_mem>>
      %dma_start3A_111 = arith.constant 0 : i32
      %dma_start3A_112 = tpu.memref_slice %arg7[%add3A_96, %dma_start3A_111] : memref<10240x16xf32, #tpu.memory_space<vmem_shared>> -> memref<128x16xf32, #tpu.memory_space<vmem_shared>>
      %dma_start3A_113 = arith.constant 0 : i32
      %dma_start3A_114 = tpu.memref_slice %arg7[%add3A_96, %dma_start3A_113] : memref<10240x16xf32, #tpu.memory_space<vmem_shared>> -> memref<128x16xf32, #tpu.memory_space<vmem_shared>>
      tpu.enqueue_dma source(%dma_start3A_114 : memref<128x16xf32, #tpu.memory_space<vmem_shared>>) target(%arg6 : memref<128x16xf32, #tpu.memory_space<vmem>>) target_semaphore(%run_scoped3A : memref<!tpu.dma_semaphore, #tpu.memory_space<semaphore_mem>>)
      %dma_wait3A_115 = arith.constant 0 : i32
      %dma_wait3A_116 = tpu.memref_slice %arg7[%add3A_96, %dma_wait3A_115] : memref<10240x16xf32, #tpu.memory_space<vmem_shared>> -> memref<128x16xf32, #tpu.memory_space<vmem_shared>>
      %dma_wait3A_117 = arith.constant 0 : i32
      %dma_wait3A_118 = tpu.memref_slice %arg7[%add3A_96, %dma_wait3A_117] : memref<10240x16xf32, #tpu.memory_space<vmem_shared>> -> memref<128x16xf32, #tpu.memory_space<vmem_shared>>
      tpu.wait_dma2 semaphore(%run_scoped3A : memref<!tpu.dma_semaphore, #tpu.memory_space<semaphore_mem>>) src(%dma_wait3A_118 : memref<128x16xf32, #tpu.memory_space<vmem_shared>>) dst(%arg6 : memref<128x16xf32, #tpu.memory_space<vmem>>)
      tpu.yield
    }) : () -> ()
    %add3A_97 = arith.constant 128 : i32
    %add3A_98 = arith.addi %mul3A_2, %add3A_97 : i32
    "tpu.region"() ({
      %run_scoped3A = tpu.sem_alloc : memref<!tpu.dma_semaphore, #tpu.memory_space<semaphore_mem>>
      %dma_start3A_111 = arith.constant 0 : i32
      %dma_start3A_112 = tpu.memref_slice %arg3[%arg0, %add3A_98, %dma_start3A_111] : memref<2x10240x16xf32, #tpu.memory_space<hbm>> -> memref<1x128x16xf32, #tpu.memory_space<hbm>>
      %dma_start3A_113 = tpu.memref_squeeze %dma_start3A_112 : memref<1x128x16xf32, #tpu.memory_space<hbm>> -> memref<128x16xf32, #tpu.memory_space<hbm>>
      %dma_start3A_114 = arith.constant 0 : i32
      %dma_start3A_115 = tpu.memref_slice %arg3[%arg0, %add3A_98, %dma_start3A_114] : memref<2x10240x16xf32, #tpu.memory_space<hbm>> -> memref<1x128x16xf32, #tpu.memory_space<hbm>>
      %dma_start3A_116 = tpu.memref_squeeze %dma_start3A_115 : memref<1x128x16xf32, #tpu.memory_space<hbm>> -> memref<128x16xf32, #tpu.memory_space<hbm>>
      tpu.enqueue_dma source(%arg6 : memref<128x16xf32, #tpu.memory_space<vmem>>) target(%dma_start3A_116 : memref<128x16xf32, #tpu.memory_space<hbm>>) target_semaphore(%run_scoped3A : memref<!tpu.dma_semaphore, #tpu.memory_space<semaphore_mem>>)
      %dma_wait3A_117 = arith.constant 0 : i32
      %dma_wait3A_118 = tpu.memref_slice %arg3[%arg0, %add3A_98, %dma_wait3A_117] : memref<2x10240x16xf32, #tpu.memory_space<hbm>> -> memref<1x128x16xf32, #tpu.memory_space<hbm>>
      %dma_wait3A_119 = tpu.memref_squeeze %dma_wait3A_118 : memref<1x128x16xf32, #tpu.memory_space<hbm>> -> memref<128x16xf32, #tpu.memory_space<hbm>>
      %dma_wait3A_120 = arith.constant 0 : i32
      %dma_wait3A_121 = tpu.memref_slice %arg3[%arg0, %add3A_98, %dma_wait3A_120] : memref<2x10240x16xf32, #tpu.memory_space<hbm>> -> memref<1x128x16xf32, #tpu.memory_space<hbm>>
      %dma_wait3A_122 = tpu.memref_squeeze %dma_wait3A_121 : memref<1x128x16xf32, #tpu.memory_space<hbm>> -> memref<128x16xf32, #tpu.memory_space<hbm>>
      tpu.wait_dma2 semaphore(%run_scoped3A : memref<!tpu.dma_semaphore, #tpu.memory_space<semaphore_mem>>) src(%arg6 : memref<128x16xf32, #tpu.memory_space<vmem>>) dst(%dma_wait3A_122 : memref<128x16xf32, #tpu.memory_space<hbm>>)
      tpu.yield
    }) : () -> ()
    %add3A_99 = arith.constant 256 : i32
    %add3A_100 = arith.addi %mul3A_2, %add3A_99 : i32
    "tpu.region"() ({
      %run_scoped3A = tpu.sem_alloc : memref<!tpu.dma_semaphore, #tpu.memory_space<semaphore_mem>>
      %dma_start3A_111 = arith.constant 0 : i32
      %dma_start3A_112 = tpu.memref_slice %arg7[%add3A_100, %dma_start3A_111] : memref<10240x16xf32, #tpu.memory_space<vmem_shared>> -> memref<128x16xf32, #tpu.memory_space<vmem_shared>>
      %dma_start3A_113 = arith.constant 0 : i32
      %dma_start3A_114 = tpu.memref_slice %arg7[%add3A_100, %dma_start3A_113] : memref<10240x16xf32, #tpu.memory_space<vmem_shared>> -> memref<128x16xf32, #tpu.memory_space<vmem_shared>>
      tpu.enqueue_dma source(%dma_start3A_114 : memref<128x16xf32, #tpu.memory_space<vmem_shared>>) target(%arg6 : memref<128x16xf32, #tpu.memory_space<vmem>>) target_semaphore(%run_scoped3A : memref<!tpu.dma_semaphore, #tpu.memory_space<semaphore_mem>>)
      %dma_wait3A_115 = arith.constant 0 : i32
      %dma_wait3A_116 = tpu.memref_slice %arg7[%add3A_100, %dma_wait3A_115] : memref<10240x16xf32, #tpu.memory_space<vmem_shared>> -> memref<128x16xf32, #tpu.memory_space<vmem_shared>>
      %dma_wait3A_117 = arith.constant 0 : i32
      %dma_wait3A_118 = tpu.memref_slice %arg7[%add3A_100, %dma_wait3A_117] : memref<10240x16xf32, #tpu.memory_space<vmem_shared>> -> memref<128x16xf32, #tpu.memory_space<vmem_shared>>
      tpu.wait_dma2 semaphore(%run_scoped3A : memref<!tpu.dma_semaphore, #tpu.memory_space<semaphore_mem>>) src(%dma_wait3A_118 : memref<128x16xf32, #tpu.memory_space<vmem_shared>>) dst(%arg6 : memref<128x16xf32, #tpu.memory_space<vmem>>)
      tpu.yield
    }) : () -> ()
    %add3A_101 = arith.constant 256 : i32
    %add3A_102 = arith.addi %mul3A_2, %add3A_101 : i32
    "tpu.region"() ({
      %run_scoped3A = tpu.sem_alloc : memref<!tpu.dma_semaphore, #tpu.memory_space<semaphore_mem>>
      %dma_start3A_111 = arith.constant 0 : i32
      %dma_start3A_112 = tpu.memref_slice %arg3[%arg0, %add3A_102, %dma_start3A_111] : memref<2x10240x16xf32, #tpu.memory_space<hbm>> -> memref<1x128x16xf32, #tpu.memory_space<hbm>>
      %dma_start3A_113 = tpu.memref_squeeze %dma_start3A_112 : memref<1x128x16xf32, #tpu.memory_space<hbm>> -> memref<128x16xf32, #tpu.memory_space<hbm>>
      %dma_start3A_114 = arith.constant 0 : i32
      %dma_start3A_115 = tpu.memref_slice %arg3[%arg0, %add3A_102, %dma_start3A_114] : memref<2x10240x16xf32, #tpu.memory_space<hbm>> -> memref<1x128x16xf32, #tpu.memory_space<hbm>>
      %dma_start3A_116 = tpu.memref_squeeze %dma_start3A_115 : memref<1x128x16xf32, #tpu.memory_space<hbm>> -> memref<128x16xf32, #tpu.memory_space<hbm>>
      tpu.enqueue_dma source(%arg6 : memref<128x16xf32, #tpu.memory_space<vmem>>) target(%dma_start3A_116 : memref<128x16xf32, #tpu.memory_space<hbm>>) target_semaphore(%run_scoped3A : memref<!tpu.dma_semaphore, #tpu.memory_space<semaphore_mem>>)
      %dma_wait3A_117 = arith.constant 0 : i32
      %dma_wait3A_118 = tpu.memref_slice %arg3[%arg0, %add3A_102, %dma_wait3A_117] : memref<2x10240x16xf32, #tpu.memory_space<hbm>> -> memref<1x128x16xf32, #tpu.memory_space<hbm>>
      %dma_wait3A_119 = tpu.memref_squeeze %dma_wait3A_118 : memref<1x128x16xf32, #tpu.memory_space<hbm>> -> memref<128x16xf32, #tpu.memory_space<hbm>>
      %dma_wait3A_120 = arith.constant 0 : i32
      %dma_wait3A_121 = tpu.memref_slice %arg3[%arg0, %add3A_102, %dma_wait3A_120] : memref<2x10240x16xf32, #tpu.memory_space<hbm>> -> memref<1x128x16xf32, #tpu.memory_space<hbm>>
      %dma_wait3A_122 = tpu.memref_squeeze %dma_wait3A_121 : memref<1x128x16xf32, #tpu.memory_space<hbm>> -> memref<128x16xf32, #tpu.memory_space<hbm>>
      tpu.wait_dma2 semaphore(%run_scoped3A : memref<!tpu.dma_semaphore, #tpu.memory_space<semaphore_mem>>) src(%arg6 : memref<128x16xf32, #tpu.memory_space<vmem>>) dst(%dma_wait3A_122 : memref<128x16xf32, #tpu.memory_space<hbm>>)
      tpu.yield
    }) : () -> ()
    %add3A_103 = arith.constant 384 : i32
    %add3A_104 = arith.addi %mul3A_2, %add3A_103 : i32
    "tpu.region"() ({
      %run_scoped3A = tpu.sem_alloc : memref<!tpu.dma_semaphore, #tpu.memory_space<semaphore_mem>>
      %dma_start3A_111 = arith.constant 0 : i32
      %dma_start3A_112 = tpu.memref_slice %arg7[%add3A_104, %dma_start3A_111] : memref<10240x16xf32, #tpu.memory_space<vmem_shared>> -> memref<128x16xf32, #tpu.memory_space<vmem_shared>>
      %dma_start3A_113 = arith.constant 0 : i32
      %dma_start3A_114 = tpu.memref_slice %arg7[%add3A_104, %dma_start3A_113] : memref<10240x16xf32, #tpu.memory_space<vmem_shared>> -> memref<128x16xf32, #tpu.memory_space<vmem_shared>>
      tpu.enqueue_dma source(%dma_start3A_114 : memref<128x16xf32, #tpu.memory_space<vmem_shared>>) target(%arg6 : memref<128x16xf32, #tpu.memory_space<vmem>>) target_semaphore(%run_scoped3A : memref<!tpu.dma_semaphore, #tpu.memory_space<semaphore_mem>>)
      %dma_wait3A_115 = arith.constant 0 : i32
      %dma_wait3A_116 = tpu.memref_slice %arg7[%add3A_104, %dma_wait3A_115] : memref<10240x16xf32, #tpu.memory_space<vmem_shared>> -> memref<128x16xf32, #tpu.memory_space<vmem_shared>>
      %dma_wait3A_117 = arith.constant 0 : i32
      %dma_wait3A_118 = tpu.memref_slice %arg7[%add3A_104, %dma_wait3A_117] : memref<10240x16xf32, #tpu.memory_space<vmem_shared>> -> memref<128x16xf32, #tpu.memory_space<vmem_shared>>
      tpu.wait_dma2 semaphore(%run_scoped3A : memref<!tpu.dma_semaphore, #tpu.memory_space<semaphore_mem>>) src(%dma_wait3A_118 : memref<128x16xf32, #tpu.memory_space<vmem_shared>>) dst(%arg6 : memref<128x16xf32, #tpu.memory_space<vmem>>)
      tpu.yield
    }) : () -> ()
    %add3A_105 = arith.constant 384 : i32
    %add3A_106 = arith.addi %mul3A_2, %add3A_105 : i32
    "tpu.region"() ({
      %run_scoped3A = tpu.sem_alloc : memref<!tpu.dma_semaphore, #tpu.memory_space<semaphore_mem>>
      %dma_start3A_111 = arith.constant 0 : i32
      %dma_start3A_112 = tpu.memref_slice %arg3[%arg0, %add3A_106, %dma_start3A_111] : memref<2x10240x16xf32, #tpu.memory_space<hbm>> -> memref<1x128x16xf32, #tpu.memory_space<hbm>>
      %dma_start3A_113 = tpu.memref_squeeze %dma_start3A_112 : memref<1x128x16xf32, #tpu.memory_space<hbm>> -> memref<128x16xf32, #tpu.memory_space<hbm>>
      %dma_start3A_114 = arith.constant 0 : i32
      %dma_start3A_115 = tpu.memref_slice %arg3[%arg0, %add3A_106, %dma_start3A_114] : memref<2x10240x16xf32, #tpu.memory_space<hbm>> -> memref<1x128x16xf32, #tpu.memory_space<hbm>>
      %dma_start3A_116 = tpu.memref_squeeze %dma_start3A_115 : memref<1x128x16xf32, #tpu.memory_space<hbm>> -> memref<128x16xf32, #tpu.memory_space<hbm>>
      tpu.enqueue_dma source(%arg6 : memref<128x16xf32, #tpu.memory_space<vmem>>) target(%dma_start3A_116 : memref<128x16xf32, #tpu.memory_space<hbm>>) target_semaphore(%run_scoped3A : memref<!tpu.dma_semaphore, #tpu.memory_space<semaphore_mem>>)
      %dma_wait3A_117 = arith.constant 0 : i32
      %dma_wait3A_118 = tpu.memref_slice %arg3[%arg0, %add3A_106, %dma_wait3A_117] : memref<2x10240x16xf32, #tpu.memory_space<hbm>> -> memref<1x128x16xf32, #tpu.memory_space<hbm>>
      %dma_wait3A_119 = tpu.memref_squeeze %dma_wait3A_118 : memref<1x128x16xf32, #tpu.memory_space<hbm>> -> memref<128x16xf32, #tpu.memory_space<hbm>>
      %dma_wait3A_120 = arith.constant 0 : i32
      %dma_wait3A_121 = tpu.memref_slice %arg3[%arg0, %add3A_106, %dma_wait3A_120] : memref<2x10240x16xf32, #tpu.memory_space<hbm>> -> memref<1x128x16xf32, #tpu.memory_space<hbm>>
      %dma_wait3A_122 = tpu.memref_squeeze %dma_wait3A_121 : memref<1x128x16xf32, #tpu.memory_space<hbm>> -> memref<128x16xf32, #tpu.memory_space<hbm>>
      tpu.wait_dma2 semaphore(%run_scoped3A : memref<!tpu.dma_semaphore, #tpu.memory_space<semaphore_mem>>) src(%arg6 : memref<128x16xf32, #tpu.memory_space<vmem>>) dst(%dma_wait3A_122 : memref<128x16xf32, #tpu.memory_space<hbm>>)
      tpu.yield
    }) : () -> ()
    %add3A_107 = arith.constant 512 : i32
    %add3A_108 = arith.addi %mul3A_2, %add3A_107 : i32
    "tpu.region"() ({
      %run_scoped3A = tpu.sem_alloc : memref<!tpu.dma_semaphore, #tpu.memory_space<semaphore_mem>>
      %dma_start3A_111 = arith.constant 0 : i32
      %dma_start3A_112 = tpu.memref_slice %arg7[%add3A_108, %dma_start3A_111] : memref<10240x16xf32, #tpu.memory_space<vmem_shared>> -> memref<128x16xf32, #tpu.memory_space<vmem_shared>>
      %dma_start3A_113 = arith.constant 0 : i32
      %dma_start3A_114 = tpu.memref_slice %arg7[%add3A_108, %dma_start3A_113] : memref<10240x16xf32, #tpu.memory_space<vmem_shared>> -> memref<128x16xf32, #tpu.memory_space<vmem_shared>>
      tpu.enqueue_dma source(%dma_start3A_114 : memref<128x16xf32, #tpu.memory_space<vmem_shared>>) target(%arg6 : memref<128x16xf32, #tpu.memory_space<vmem>>) target_semaphore(%run_scoped3A : memref<!tpu.dma_semaphore, #tpu.memory_space<semaphore_mem>>)
      %dma_wait3A_115 = arith.constant 0 : i32
      %dma_wait3A_116 = tpu.memref_slice %arg7[%add3A_108, %dma_wait3A_115] : memref<10240x16xf32, #tpu.memory_space<vmem_shared>> -> memref<128x16xf32, #tpu.memory_space<vmem_shared>>
      %dma_wait3A_117 = arith.constant 0 : i32
      %dma_wait3A_118 = tpu.memref_slice %arg7[%add3A_108, %dma_wait3A_117] : memref<10240x16xf32, #tpu.memory_space<vmem_shared>> -> memref<128x16xf32, #tpu.memory_space<vmem_shared>>
      tpu.wait_dma2 semaphore(%run_scoped3A : memref<!tpu.dma_semaphore, #tpu.memory_space<semaphore_mem>>) src(%dma_wait3A_118 : memref<128x16xf32, #tpu.memory_space<vmem_shared>>) dst(%arg6 : memref<128x16xf32, #tpu.memory_space<vmem>>)
      tpu.yield
    }) : () -> ()
    %add3A_109 = arith.constant 512 : i32
    %add3A_110 = arith.addi %mul3A_2, %add3A_109 : i32
    "tpu.region"() ({
      %run_scoped3A = tpu.sem_alloc : memref<!tpu.dma_semaphore, #tpu.memory_space<semaphore_mem>>
      %dma_start3A_111 = arith.constant 0 : i32
      %dma_start3A_112 = tpu.memref_slice %arg3[%arg0, %add3A_110, %dma_start3A_111] : memref<2x10240x16xf32, #tpu.memory_space<hbm>> -> memref<1x128x16xf32, #tpu.memory_space<hbm>>
      %dma_start3A_113 = tpu.memref_squeeze %dma_start3A_112 : memref<1x128x16xf32, #tpu.memory_space<hbm>> -> memref<128x16xf32, #tpu.memory_space<hbm>>
      %dma_start3A_114 = arith.constant 0 : i32
      %dma_start3A_115 = tpu.memref_slice %arg3[%arg0, %add3A_110, %dma_start3A_114] : memref<2x10240x16xf32, #tpu.memory_space<hbm>> -> memref<1x128x16xf32, #tpu.memory_space<hbm>>
      %dma_start3A_116 = tpu.memref_squeeze %dma_start3A_115 : memref<1x128x16xf32, #tpu.memory_space<hbm>> -> memref<128x16xf32, #tpu.memory_space<hbm>>
      tpu.enqueue_dma source(%arg6 : memref<128x16xf32, #tpu.memory_space<vmem>>) target(%dma_start3A_116 : memref<128x16xf32, #tpu.memory_space<hbm>>) target_semaphore(%run_scoped3A : memref<!tpu.dma_semaphore, #tpu.memory_space<semaphore_mem>>)
      %dma_wait3A_117 = arith.constant 0 : i32
      %dma_wait3A_118 = tpu.memref_slice %arg3[%arg0, %add3A_110, %dma_wait3A_117] : memref<2x10240x16xf32, #tpu.memory_space<hbm>> -> memref<1x128x16xf32, #tpu.memory_space<hbm>>
      %dma_wait3A_119 = tpu.memref_squeeze %dma_wait3A_118 : memref<1x128x16xf32, #tpu.memory_space<hbm>> -> memref<128x16xf32, #tpu.memory_space<hbm>>
      %dma_wait3A_120 = arith.constant 0 : i32
      %dma_wait3A_121 = tpu.memref_slice %arg3[%arg0, %add3A_110, %dma_wait3A_120] : memref<2x10240x16xf32, #tpu.memory_space<hbm>> -> memref<1x128x16xf32, #tpu.memory_space<hbm>>
      %dma_wait3A_122 = tpu.memref_squeeze %dma_wait3A_121 : memref<1x128x16xf32, #tpu.memory_space<hbm>> -> memref<128x16xf32, #tpu.memory_space<hbm>>
      tpu.wait_dma2 semaphore(%run_scoped3A : memref<!tpu.dma_semaphore, #tpu.memory_space<semaphore_mem>>) src(%arg6 : memref<128x16xf32, #tpu.memory_space<vmem>>) dst(%dma_wait3A_122 : memref<128x16xf32, #tpu.memory_space<hbm>>)
      tpu.yield
    }) : () -> ()
    return
  }
}

module attributes {stable_mosaic.version = 14 : i64} {
  func.func @_tc1_body(%arg0: i32, %arg1: memref<5000x128xf32, #tpu.memory_space<vmem>>, %arg2: memref<128x128xf32, #tpu.memory_space<vmem>>, %arg3: memref<2x5000x16xf32, #tpu.memory_space<vmem>>, %arg4: memref<5000x128xf32, #tpu.memory_space<vmem>>) attributes {dimension_semantics = [#tpu.dimension_semantics<arbitrary>], iteration_bounds = array<i64: 2>, scalar_prefetch = 0 : i64, scratch_operands = 0 : i64, tpu.core_type = #tpu.core_type<tc>, window_params = [{transform_indices = @transform_0, window_bounds = array<i64: 5000, 128>}, {pipeline_mode = #tpu.pipeline_mode<synchronous>, transform_indices = @transform_1, window_bounds = array<i64: 128, 128>}, {transform_indices = @transform_2, window_bounds = array<i64: 2, 5000, 16>}, {transform_indices = @transform_3, window_bounds = array<i64: 5000, 128>}]} {
    %get3A = arith.constant 0 : index
    %get3A_0 = arith.constant 0 : index
    %get3A_1 = arith.constant 0 : index
    %get3A_2 = vector.load %arg3[%get3A, %get3A_0, %get3A_1] : memref<2x5000x16xf32, #tpu.memory_space<vmem>>, vector<2x5000x16xf32>
    %slice3A = vector.extract_strided_slice %get3A_2 {offsets = [0, 0, 0], sizes = [1, 5000, 1], strides = [1, 1, 1]} : vector<2x5000x16xf32> to vector<1x5000x1xf32>
    %squeeze3A = vector.shape_cast %slice3A : vector<1x5000x1xf32> to vector<5000x1xf32>
    %add3A = arith.constant 1.000000e+00 : f32
    %add3A_3 = vector.broadcast %add3A : f32 to vector<5000x1xf32>
    %add3A_4 = arith.addf %add3A_3, %squeeze3A : vector<5000x1xf32>
    %slice3A_5 = vector.extract_strided_slice %get3A_2 {offsets = [1, 0, 0], sizes = [1, 5000, 1], strides = [1, 1, 1]} : vector<2x5000x16xf32> to vector<1x5000x1xf32>
    %squeeze3A_6 = vector.shape_cast %slice3A_5 : vector<1x5000x1xf32> to vector<5000x1xf32>
    %add3A_7 = arith.addf %add3A_4, %squeeze3A_6 : vector<5000x1xf32>
    %rsqrt3A = math.rsqrt %add3A_7 : vector<5000x1xf32>
    %get3A_8 = arith.constant 0 : index
    %get3A_9 = arith.constant 0 : index
    %get3A_10 = vector.load %arg1[%get3A_8, %get3A_9] : memref<5000x128xf32, #tpu.memory_space<vmem>>, vector<5000x128xf32>
    %get3A_11 = arith.constant 0 : index
    %get3A_12 = arith.constant 0 : index
    %get3A_13 = vector.load %arg2[%get3A_11, %get3A_12] : memref<128x128xf32, #tpu.memory_space<vmem>>, vector<128x128xf32>
    %dot_general3A = arith.constant dense<0.000000e+00> : vector<5000x128xf32>
    %dot_general3A_14 = tpu.matmul %get3A_10, %get3A_13, %dot_general3A {dimension_numbers = #tpu.dot_dimension_numbers<[1], [0], [0], [1], [0, 0, 1, 1], [], []>, transpose_lhs_hint = false} : vector<5000x128xf32>, vector<128x128xf32>, vector<5000x128xf32> -> vector<5000x128xf32>
    %mul3A = vector.broadcast %rsqrt3A : vector<5000x1xf32> to vector<5000x128xf32>
    %mul3A_15 = arith.mulf %dot_general3A_14, %mul3A : vector<5000x128xf32>
    %swap3A = arith.constant 0 : index
    %swap3A_16 = arith.constant 0 : index
    %swap3A_17 = vector.load %arg4[%swap3A, %swap3A_16] : memref<5000x128xf32, #tpu.memory_space<vmem>>, vector<5000x128xf32>
    tpu.vector_store %arg4[%swap3A, %swap3A_16], %mul3A_15 {strides = array<i32>} : memref<5000x128xf32, #tpu.memory_space<vmem>>, vector<5000x128xf32>,
    return
  }
  func.func @transform_0(%arg0: i32) -> (i32, i32) {
    %c0_i32 = arith.constant 0 : i32
    %c0_i32_0 = arith.constant 0 : i32
    return %arg0, %c0_i32 : i32, i32
  }
  func.func @transform_1(%arg0: i32) -> (i32, i32) {
    %c0_i32 = arith.constant 0 : i32
    %c0_i32_0 = arith.constant 0 : i32
    %c0_i32_1 = arith.constant 0 : i32
    return %c0_i32, %c0_i32_0 : i32, i32
  }
  func.func @transform_2(%arg0: i32) -> (i32, i32, i32) {
    %c0_i32 = arith.constant 0 : i32
    %c0_i32_0 = arith.constant 0 : i32
    %c0_i32_1 = arith.constant 0 : i32
    return %c0_i32, %arg0, %c0_i32_0 : i32, i32, i32
  }
  func.func @transform_3(%arg0: i32) -> (i32, i32) {
    %c0_i32 = arith.constant 0 : i32
    %c0_i32_0 = arith.constant 0 : i32
    return %arg0, %c0_i32 : i32, i32
  }
}

module attributes {stable_mosaic.version = 14 : i64} {
  func.func @_tc2_body(%arg0: i32, %arg1: memref<5000x128xf32, #tpu.memory_space<vmem>>, %arg2: memref<2x5000x128xf32, #tpu.memory_space<vmem>>, %arg3: memref<2x5000x16xf32, #tpu.memory_space<vmem>>, %arg4: memref<128x128xf32, #tpu.memory_space<vmem>>, %arg5: memref<5000x128xf32, #tpu.memory_space<vmem>>) attributes {dimension_semantics = [#tpu.dimension_semantics<arbitrary>], iteration_bounds = array<i64: 2>, scalar_prefetch = 0 : i64, scratch_operands = 0 : i64, tpu.core_type = #tpu.core_type<tc>, window_params = [{transform_indices = @transform_0, window_bounds = array<i64: 5000, 128>}, {transform_indices = @transform_1, window_bounds = array<i64: 2, 5000, 128>}, {transform_indices = @transform_2, window_bounds = array<i64: 2, 5000, 16>}, {pipeline_mode = #tpu.pipeline_mode<synchronous>, transform_indices = @transform_3, window_bounds = array<i64: 128, 128>}, {transform_indices = @transform_4, window_bounds = array<i64: 5000, 128>}]} {
    %get3A = arith.constant 0 : index
    %get3A_0 = arith.constant 0 : index
    %get3A_1 = arith.constant 0 : index
    %get3A_2 = vector.load %arg3[%get3A, %get3A_0, %get3A_1] : memref<2x5000x16xf32, #tpu.memory_space<vmem>>, vector<2x5000x16xf32>
    %slice3A = vector.extract_strided_slice %get3A_2 {offsets = [0, 0, 0], sizes = [1, 5000, 1], strides = [1, 1, 1]} : vector<2x5000x16xf32> to vector<1x5000x1xf32>
    %squeeze3A = vector.shape_cast %slice3A : vector<1x5000x1xf32> to vector<5000x1xf32>
    %add3A = arith.constant 1.000000e+00 : f32
    %add3A_3 = vector.broadcast %add3A : f32 to vector<5000x1xf32>
    %add3A_4 = arith.addf %add3A_3, %squeeze3A : vector<5000x1xf32>
    %slice3A_5 = vector.extract_strided_slice %get3A_2 {offsets = [1, 0, 0], sizes = [1, 5000, 1], strides = [1, 1, 1]} : vector<2x5000x16xf32> to vector<1x5000x1xf32>
    %squeeze3A_6 = vector.shape_cast %slice3A_5 : vector<1x5000x1xf32> to vector<5000x1xf32>
    %add3A_7 = arith.addf %add3A_4, %squeeze3A_6 : vector<5000x1xf32>
    %rsqrt3A = math.rsqrt %add3A_7 : vector<5000x1xf32>
    %get3A_8 = arith.constant 0 : index
    %get3A_9 = arith.constant 0 : index
    %get3A_10 = arith.constant 0 : index
    %get3A_11 = vector.load %arg2[%get3A_8, %get3A_9, %get3A_10] : memref<2x5000x128xf32, #tpu.memory_space<vmem>>, vector<2x5000x128xf32>
    %get3A_12 = arith.constant 0 : index
    %get3A_13 = arith.constant 0 : index
    %get3A_14 = vector.load %arg1[%get3A_12, %get3A_13] : memref<5000x128xf32, #tpu.memory_space<vmem>>, vector<5000x128xf32>
    %slice3A_15 = vector.extract_strided_slice %get3A_11 {offsets = [0, 0, 0], sizes = [1, 5000, 128], strides = [1, 1, 1]} : vector<2x5000x128xf32> to vector<1x5000x128xf32>
    %squeeze3A_16 = vector.shape_cast %slice3A_15 : vector<1x5000x128xf32> to vector<5000x128xf32>
    %add3A_17 = arith.addf %get3A_14, %squeeze3A_16 : vector<5000x128xf32>
    %slice3A_18 = vector.extract_strided_slice %get3A_11 {offsets = [1, 0, 0], sizes = [1, 5000, 128], strides = [1, 1, 1]} : vector<2x5000x128xf32> to vector<1x5000x128xf32>
    %squeeze3A_19 = vector.shape_cast %slice3A_18 : vector<1x5000x128xf32> to vector<5000x128xf32>
    %add3A_20 = arith.addf %add3A_17, %squeeze3A_19 : vector<5000x128xf32>
    %mul3A = vector.broadcast %rsqrt3A : vector<5000x1xf32> to vector<5000x128xf32>
    %mul3A_21 = arith.mulf %add3A_20, %mul3A : vector<5000x128xf32>
    %max3A = arith.constant 0.000000e+00 : f32
    %max3A_22 = vector.broadcast %max3A : f32 to vector<5000x128xf32>
    %max3A_23 = arith.maximumf %mul3A_21, %max3A_22 : vector<5000x128xf32>
    %get3A_24 = arith.constant 0 : index
    %get3A_25 = arith.constant 0 : index
    %get3A_26 = vector.load %arg4[%get3A_24, %get3A_25] : memref<128x128xf32, #tpu.memory_space<vmem>>, vector<128x128xf32>
    %dot_general3A = arith.constant dense<0.000000e+00> : vector<5000x128xf32>
    %dot_general3A_27 = tpu.matmul %max3A_23, %get3A_26, %dot_general3A {dimension_numbers = #tpu.dot_dimension_numbers<[1], [0], [0], [1], [0, 0, 1, 1], [], []>, transpose_lhs_hint = false} : vector<5000x128xf32>, vector<128x128xf32>, vector<5000x128xf32> -> vector<5000x128xf32>
    %mul3A_28 = vector.broadcast %rsqrt3A : vector<5000x1xf32> to vector<5000x128xf32>
    %mul3A_29 = arith.mulf %dot_general3A_27, %mul3A_28 : vector<5000x128xf32>
    %swap3A = arith.constant 0 : index
    %swap3A_30 = arith.constant 0 : index
    %swap3A_31 = vector.load %arg5[%swap3A, %swap3A_30] : memref<5000x128xf32, #tpu.memory_space<vmem>>, vector<5000x128xf32>
    tpu.vector_store %arg5[%swap3A, %swap3A_30], %mul3A_29 {strides = array<i32>} : memref<5000x128xf32, #tpu.memory_space<vmem>>, vector<5000x128xf32>,
    return
  }
  func.func @transform_0(%arg0: i32) -> (i32, i32) {
    %c0_i32 = arith.constant 0 : i32
    %c0_i32_0 = arith.constant 0 : i32
    return %arg0, %c0_i32 : i32, i32
  }
  func.func @transform_1(%arg0: i32) -> (i32, i32, i32) {
    %c0_i32 = arith.constant 0 : i32
    %c0_i32_0 = arith.constant 0 : i32
    %c0_i32_1 = arith.constant 0 : i32
    return %c0_i32, %arg0, %c0_i32_0 : i32, i32, i32
  }
  func.func @transform_2(%arg0: i32) -> (i32, i32, i32) {
    %c0_i32 = arith.constant 0 : i32
    %c0_i32_0 = arith.constant 0 : i32
    %c0_i32_1 = arith.constant 0 : i32
    return %c0_i32, %arg0, %c0_i32_0 : i32, i32, i32
  }
  func.func @transform_3(%arg0: i32) -> (i32, i32) {
    %c0_i32 = arith.constant 0 : i32
    %c0_i32_0 = arith.constant 0 : i32
    %c0_i32_1 = arith.constant 0 : i32
    return %c0_i32, %c0_i32_0 : i32, i32
  }
  func.func @transform_4(%arg0: i32) -> (i32, i32) {
    %c0_i32 = arith.constant 0 : i32
    %c0_i32_0 = arith.constant 0 : i32
    return %arg0, %c0_i32 : i32, i32
  }
}

module attributes {stable_mosaic.version = 14 : i64} {
  func.func @_tc3_body(%arg0: i32, %arg1: memref<5000x128xf32, #tpu.memory_space<vmem>>, %arg2: memref<2x5000x128xf32, #tpu.memory_space<vmem>>, %arg3: memref<2x5000x16xf32, #tpu.memory_space<vmem>>, %arg4: memref<5000x128xf32, #tpu.memory_space<vmem>>) attributes {dimension_semantics = [#tpu.dimension_semantics<arbitrary>], iteration_bounds = array<i64: 2>, scalar_prefetch = 0 : i64, scratch_operands = 0 : i64, tpu.core_type = #tpu.core_type<tc>, window_params = [{transform_indices = @transform_0, window_bounds = array<i64: 5000, 128>}, {transform_indices = @transform_1, window_bounds = array<i64: 2, 5000, 128>}, {transform_indices = @transform_2, window_bounds = array<i64: 2, 5000, 16>}, {transform_indices = @transform_3, window_bounds = array<i64: 5000, 128>}]} {
    %get3A = arith.constant 0 : index
    %get3A_0 = arith.constant 0 : index
    %get3A_1 = arith.constant 0 : index
    %get3A_2 = vector.load %arg3[%get3A, %get3A_0, %get3A_1] : memref<2x5000x16xf32, #tpu.memory_space<vmem>>, vector<2x5000x16xf32>
    %slice3A = vector.extract_strided_slice %get3A_2 {offsets = [0, 0, 0], sizes = [1, 5000, 1], strides = [1, 1, 1]} : vector<2x5000x16xf32> to vector<1x5000x1xf32>
    %squeeze3A = vector.shape_cast %slice3A : vector<1x5000x1xf32> to vector<5000x1xf32>
    %add3A = arith.constant 1.000000e+00 : f32
    %add3A_3 = vector.broadcast %add3A : f32 to vector<5000x1xf32>
    %add3A_4 = arith.addf %add3A_3, %squeeze3A : vector<5000x1xf32>
    %slice3A_5 = vector.extract_strided_slice %get3A_2 {offsets = [1, 0, 0], sizes = [1, 5000, 1], strides = [1, 1, 1]} : vector<2x5000x16xf32> to vector<1x5000x1xf32>
    %squeeze3A_6 = vector.shape_cast %slice3A_5 : vector<1x5000x1xf32> to vector<5000x1xf32>
    %add3A_7 = arith.addf %add3A_4, %squeeze3A_6 : vector<5000x1xf32>
    %rsqrt3A = math.rsqrt %add3A_7 : vector<5000x1xf32>
    %get3A_8 = arith.constant 0 : index
    %get3A_9 = arith.constant 0 : index
    %get3A_10 = arith.constant 0 : index
    %get3A_11 = vector.load %arg2[%get3A_8, %get3A_9, %get3A_10] : memref<2x5000x128xf32, #tpu.memory_space<vmem>>, vector<2x5000x128xf32>
    %get3A_12 = arith.constant 0 : index
    %get3A_13 = arith.constant 0 : index
    %get3A_14 = vector.load %arg1[%get3A_12, %get3A_13] : memref<5000x128xf32, #tpu.memory_space<vmem>>, vector<5000x128xf32>
    %slice3A_15 = vector.extract_strided_slice %get3A_11 {offsets = [0, 0, 0], sizes = [1, 5000, 128], strides = [1, 1, 1]} : vector<2x5000x128xf32> to vector<1x5000x128xf32>
    %squeeze3A_16 = vector.shape_cast %slice3A_15 : vector<1x5000x128xf32> to vector<5000x128xf32>
    %add3A_17 = arith.addf %get3A_14, %squeeze3A_16 : vector<5000x128xf32>
    %slice3A_18 = vector.extract_strided_slice %get3A_11 {offsets = [1, 0, 0], sizes = [1, 5000, 128], strides = [1, 1, 1]} : vector<2x5000x128xf32> to vector<1x5000x128xf32>
    %squeeze3A_19 = vector.shape_cast %slice3A_18 : vector<1x5000x128xf32> to vector<5000x128xf32>
    %add3A_20 = arith.addf %add3A_17, %squeeze3A_19 : vector<5000x128xf32>
    %mul3A = vector.broadcast %rsqrt3A : vector<5000x1xf32> to vector<5000x128xf32>
    %mul3A_21 = arith.mulf %add3A_20, %mul3A : vector<5000x128xf32>
    %max3A = arith.constant 0.000000e+00 : f32
    %max3A_22 = vector.broadcast %max3A : f32 to vector<5000x128xf32>
    %max3A_23 = arith.maximumf %mul3A_21, %max3A_22 : vector<5000x128xf32>
    %reduce_max3A = arith.constant dense<0xFF800000> : vector<5000xf32>
    %reduce_max3A_24 = vector.multi_reduction <maximumf>, %max3A_23, %reduce_max3A [1] : vector<5000x128xf32> to vector<5000xf32>
    %broadcast_in_dim3A = vector.shape_cast %reduce_max3A_24 : vector<5000xf32> to vector<5000x1xf32>
    %sub3A = vector.broadcast %broadcast_in_dim3A : vector<5000x1xf32> to vector<5000x128xf32>
    %sub3A_25 = arith.subf %max3A_23, %sub3A : vector<5000x128xf32>
    %exp3A = math.exp %sub3A_25 : vector<5000x128xf32>
    %reduce_sum3A = arith.constant dense<0.000000e+00> : vector<5000xf32>
    %reduce_sum3A_26 = vector.multi_reduction <add>, %exp3A, %reduce_sum3A [1] : vector<5000x128xf32> to vector<5000xf32>
    %broadcast_in_dim3A_27 = vector.shape_cast %reduce_sum3A_26 : vector<5000xf32> to vector<5000x1xf32>
    %div3A = vector.broadcast %broadcast_in_dim3A_27 : vector<5000x1xf32> to vector<5000x128xf32>
    %div3A_28 = arith.divf %exp3A, %div3A : vector<5000x128xf32>
    %swap3A = arith.constant 0 : index
    %swap3A_29 = arith.constant 0 : index
    %swap3A_30 = vector.load %arg4[%swap3A, %swap3A_29] : memref<5000x128xf32, #tpu.memory_space<vmem>>, vector<5000x128xf32>
    tpu.vector_store %arg4[%swap3A, %swap3A_29], %div3A_28 {strides = array<i32>} : memref<5000x128xf32, #tpu.memory_space<vmem>>, vector<5000x128xf32>,
    return
  }
  func.func @transform_0(%arg0: i32) -> (i32, i32) {
    %c0_i32 = arith.constant 0 : i32
    %c0_i32_0 = arith.constant 0 : i32
    return %arg0, %c0_i32 : i32, i32
  }
  func.func @transform_1(%arg0: i32) -> (i32, i32, i32) {
    %c0_i32 = arith.constant 0 : i32
    %c0_i32_0 = arith.constant 0 : i32
    %c0_i32_1 = arith.constant 0 : i32
    return %c0_i32, %arg0, %c0_i32_0 : i32, i32, i32
  }
  func.func @transform_2(%arg0: i32) -> (i32, i32, i32) {
    %c0_i32 = arith.constant 0 : i32
    %c0_i32_0 = arith.constant 0 : i32
    %c0_i32_1 = arith.constant 0 : i32
    return %c0_i32, %arg0, %c0_i32_0 : i32, i32, i32
  }
  func.func @transform_3(%arg0: i32) -> (i32, i32) {
    %c0_i32 = arith.constant 0 : i32
    %c0_i32_0 = arith.constant 0 : i32
    return %arg0, %c0_i32 : i32, i32
  }
}

</mosaic_0001>

<sc_bundles>
// kernel: kernel.11.cloned.1.call-start
scs
__scs_entry_jumppad:
0x0: {  	(pc) =	sbr.rel $0x88, $3  }
0x1: {  	(tag) =	ssettag $0x0;
	lr =	simm.s32 $0x1  }
0x2: {  	[smem:$0x3F9D] =	sst lr;
	_ =	strace $0xD0000000  }
0x3: {  	_ = 	snop  }
0x4: {  	_ = 	snop  }
0x5: {  	_ = 	snop  }
0x6: {  	_ = 	snop  }
0x7: {  	_ = 	snop  }
__scs_overlays_trampoline_lowered:
0x8: {  	[smem:$0x3FAC] =	sst s0  }
0x9: {  	[smem:$0x3FAD] =	sst s1  }
0xa: {  	[smem:$0x3FAE] =	sst s2  }
0xb: {  	[smem:$0x3FAF] =	sst s3  }
0xc: {  	[smem:$0x3FB0] =	sst s4  }
0xd: {  	[smem:$0x3FB1] =	sst s5  }
0xe: {  	[smem:$0x3FB2] =	sst s6  }
0xf: {  	[smem:$0x3FB3] =	sst s7  }
0x10: {  	[smem:$0x3FB4] =	sst s8  }
0x11: {  	[smem:$0x3FB5] =	sst s9;
	s0 =	simm.s32 @!p0 $0x0  }
0x12: {  	s1 =	sld [smem:$0x3F9B];
	s0 =	simm.s32 @p0 $0x1  }
0x13: {  	[smem:$0x3FB6] =	sst s0;
	s0 =	simm.s32 @!p1 $0x0  }
0x14: {  	s2 =	sld [smem:$0x3F9A];
	s0 =	simm.s32 @p1 $0x1  }
0x15: {  	[smem:$0x3FB7] =	sst s0;
	s0 =	simm.s32 @!p2 $0x0  }
0x16: {  	s3 =	sld [smem:$0x3FDB];
	s0 =	simm.s32 @p2 $0x1  }
0x17: {  	s4 =	simm.s32 $0x1BF5;
	[smem:$0x3FB9] =	sst s0  }
0x18: {  	s0 =	sld [smem:$0x3F9C];
	_ =	swait.ge [sflag:s4], $0x0  }
0x19: {  	s7 =	sld [smem:$0x3F9D]  }
0x1a: {  	s8 =	sadd.s32 $0xFFFFE003, lr  }
0x1b: {  	s9 =	sadd.s32 $0xFFFFFEF7, lr;
	s5 =	simm.s32 $0xFFFFFFFF;
	p2 =	slt.u32 s8, $0xFFFFF086  }
0x1c: {  	p1 =	slt.u32 s9, $0xF7A;
	s5 =	simm.s32 @!p2 $0x0  }
0x1d: {  	s5 =	simm.s32 @p1 $0x1;
	p0 =	seq.s32 s7, s2  }
0x1e: {  	s7 =	smul.u32 @!p0 $0xF7A, s2;
	p2 =	seq.s32 @!p0 s5, $0x0  }
0x1f: {  	s9 =	smul.u32 $0xF7A, s1;
	s8 =	simm.s32 @!p0 $0x1BF5;
	p2 =	por !p2, p0  }
0x20: {  	[sflag:s8] =	ssyncset.s32 @!p0 $0xFFFFF086;
	s6 =	sadd.s32 @!p0 s3, s7;
	s7 =	simm.s32 @!p0 $0x108  }
0x21: {  	s3 =	sadd.s32 s3, s9;
	s6 =	sadd.s32 @!p0 $0x88, s6;
	s7 =	simm.s32 @p2 $0x1082  }
0x22: {  	[simem:s7], [sflag:s8] =	dma.local @!p0 [hbm:s6], $0xF7A  }
0x23: {  	s9 =	sor.u32 $0xD0000000, s2;
	s6 =	simm.s32 $0x108;
	_ =	swait.ge @!p0 [sflag:s8], $0x0  }
0x24: {  	s3 =	sadd.s32 $0x88, s3;
	s6 =	simm.s32 @!p1 $0x1082;
	[sflag:s4] =	ssyncset.s32 $0xFFFFF086  }
0x25: {  	[simem:s6], [sflag:s4] =	dma.local [hbm:s3], $0xF7A  }
0x26: {  	[smem:$0x3F9D] =	sst s1;
	(tag) =	ssettag s2;
	_ =	strace s9  }
0x27: {  	s1 =	sld [smem:$0x3FAD]  }
0x28: {  	s2 =	sld [smem:$0x3FAE]  }
0x29: {  	s4 =	sld [smem:$0x3FB0]  }
0x2a: {  	p0 =	seq.s32 s5, $0x0;
	s5 =	sld [smem:$0x3FB1]  }
0x2b: {  	s6 =	sld [smem:$0x3FB2]  }
0x2c: {  	s7 =	sld [smem:$0x3FB3]  }
0x2d: {  	s3 =	simm.s32 $0x108;
	s8 =	sld [smem:$0x3FB4]  }
0x2e: {  	s3 =	simm.s32 @!p0 $0x1082;
	s9 =	sld [smem:$0x3FB5]  }
0x2f: {  	lr =	sadd.s32 s0, s3;
	s0 =	sld [smem:$0x3FAC]  }
0x30: {  	s3 =	sld [smem:$0x3FAF]  }
0x31: {  	[smem:$0x3FB8] =	sst s10  }
0x32: {  	s10 =	sld [smem:$0x3FB6];
	_ =	sdelay $0x3  }
0x33: {  	p0 =	seq.s32 s10, $0x1;
	s10 =	sld [smem:$0x3FB8];
	_ =	sdelay $0x3  }
0x34: {  	[smem:$0x3FB8] =	sst s10  }
0x35: {  	s10 =	sld [smem:$0x3FB7];
	_ =	sdelay $0x3  }
0x36: {  	p1 =	seq.s32 s10, $0x1;
	s10 =	sld [smem:$0x3FB8];
	_ =	sdelay $0x3  }
0x37: {  	[smem:$0x3FB8] =	sst s10  }
0x38: {  	s10 =	sld [smem:$0x3FB9]  }
0x39: {  	_ = 	snop;
	(pc) =	sbr.ind lr, $3  }
0x3a: {  	_ = 	snop  }
0x3b: {  	_ = 	snop  }
0x3c: {  	p2 =	seq.s32 s10, $0x1;
	s10 =	sld [smem:$0x3FB8]  }
0x3d: {  	_ =	shalt  }
0x3e: {  	_ =	shalt  }
0x3f: {  	_ =	shalt  }
0x40: {  	_ =	shalt  }
0x41: {  	_ =	shalt  }
0x42: {  	_ =	shalt  }
0x43: {  	_ =	shalt  }
0x44: {  	_ =	shalt  }
0x45: {  	_ =	shalt  }
0x46: {  	_ =	shalt  }
0x47: {  	_ =	shalt  }
0x48: {  	_ =	shalt  }
0x49: {  	_ =	shalt  }
0x4a: {  	_ =	shalt  }
0x4b: {  	_ =	shalt  }
0x4c: {  	_ =	shalt  }
0x4d: {  	_ =	shalt  }
0x4e: {  	_ =	shalt  }
0x4f: {  	_ =	shalt  }
0x50: {  	_ =	shalt  }
0x51: {  	_ =	shalt  }
0x52: {  	_ =	shalt  }
0x53: {  	_ =	shalt  }
0x54: {  	_ =	shalt  }
0x55: {  	_ =	shalt  }
0x56: {  	_ =	shalt  }
0x57: {  	_ =	shalt  }
0x58: {  	_ =	shalt  }
0x59: {  	_ =	shalt  }
0x5a: {  	_ =	shalt  }
0x5b: {  	_ =	shalt  }
0x5c: {  	_ =	shalt  }
0x5d: {  	_ =	shalt  }
0x5e: {  	_ =	shalt  }
0x5f: {  	_ =	shalt  }
0x60: {  	_ =	shalt  }
0x61: {  	_ =	shalt  }
0x62: {  	_ =	shalt  }
0x63: {  	_ =	shalt  }
0x64: {  	_ =	shalt  }
0x65: {  	_ =	shalt  }
0x66: {  	_ =	shalt  }
0x67: {  	_ =	shalt  }
0x68: {  	_ =	shalt  }
0x69: {  	_ =	shalt  }
0x6a: {  	_ =	shalt  }
0x6b: {  	_ =	shalt  }
0x6c: {  	_ =	shalt  }
0x6d: {  	_ =	shalt  }
0x6e: {  	_ =	shalt  }
0x6f: {  	_ =	shalt  }
0x70: {  	_ =	shalt  }
0x71: {  	_ =	shalt  }
0x72: {  	_ =	shalt  }
0x73: {  	_ =	shalt  }
0x74: {  	_ =	shalt  }
0x75: {  	_ =	shalt  }
0x76: {  	_ =	shalt  }
0x77: {  	_ =	shalt  }
0x78: {  	_ =	shalt  }
0x79: {  	_ =	shalt  }
0x7a: {  	_ =	shalt  }
0x7b: {  	_ =	shalt  }
0x7c: {  	_ =	shalt  }
0x7d: {  	_ =	shalt  }
0x7e: {  	_ =	shalt  }
0x7f: {  	_ =	shalt  }
0x80: {  	_ =	shalt  }
0x81: {  	_ =	shalt  }
0x82: {  	_ =	shalt  }
0x83: {  	_ =	shalt  }
0x84: {  	_ =	shalt  }
0x85: {  	_ =	shalt  }
0x86: {  	_ =	shalt  }
0x87: {  	_ =	shalt  }
.Lfunc_end0:
.L_simem_size_0:
called_computation.1_lowered:
.L_overlay_start_0:
0x88: {  	s2 =	sld [smem:$0x3FD9]  }
0x89: {  	s3 =	sld [smem:$0x3FFE];
	_ =	sdelay $0x1  }
0x8a: {  	s1 =	srdreg.scid  }
0x8b: {  	s0 =	sand.u32 $0x1, s1  }
0x8c: {  	s17 =	sshll.u32 s0, $0xA;
	s2 =	sadd.s32 s3, s2  }
0x8d: {  	s2 =	sadd.s32 s2, s17  }
0x8e: {  	[smem:$0x3FC4] =	sst s2  }
0x8f: {  	_ = 	snop  }
0x90: {  	s2 =	sld [smem:$0x3FD0];
	(tm) =	ssettm $0x1  }
0x91: {  	s18 =	sld [smem:$0x3FFB];
	_ =	sdelay $0x3  }
0x92: {  	_ =	strace s18  }
0x93: {  	s3 =	sld [smem:$0x3FFC];
	_ =	sdelay $0x3  }
0x94: {  	_ =	strace s3  }
0x95: {  	s3 =	sld [smem:$0x3FFD];
	_ =	sdelay $0x3  }
0x96: {  	_ =	strace s3  }
0x97: {  	_ =	strace $0x8FFFFFFF  }
0x98: {  	s19 =	sld [smem:$0x3FDB];
	_ =	sdelay $0x1  }
0x99: {  	s4 =	simm.s32 $_scs_section_size  }
0x9a: {  	s5 =	simm.s32 $_size__tile_overlayer_lowered;
	s6 =	simm.s32 $_tile_overlayer_lowered  }
0x9b: {  	s22 =	simm.s32 $0x1BFF;
	s21 =	sshll.u32 s6, $0x1;
	s3 =	sadd.s32 s4, s19  }
0x9c: {  	s7 =	simm.s32 $0x0;
	s20 =	sshll.u32 s5, $0x1;
	s5 =	sadd.s32 s21, s3  }
0x9d: {  	[timem:s7], [sflag:s22] =	dma.local [hbm:s5], s20  }
0x9e: {  	_ =	swait.ge [sflag:s22], s20  }
0x9f: {  	s4 =	ssub.s32 $0x0, s20;
	[sflag:s22] =	ssyncset.done $0x0  }
0xa0: {  	[sflag:s22] =	ssyncadd.s32 s4;
	_ =	sdelay $0x1  }
0xa1: {  	s23 =	simm.s32 $0x1B8B  }
0xa2: {  	_ =	swait.ge [sflag:s23], $0x1  }
0xa3: {  	[sflag:s23] =	ssyncset.done $0x0  }
0xa4: {  	s25 =	simm.s32 $0x1B8E;
	s24 =	sld [smem:$0x3FFE];
	[sflag:s23] =	ssyncadd.s32 $0xFFFFFFFF  }
0xa5: {  	s26 =	simm.s32 $execute0_lowered;
	[smem:$0x3FD2] =	sst s25  }
0xa6: {  	s5 =	sshll.u32 s26, $0x1;
	_ =	strace $0x80000049;
	[dreg:$0x1] =	wrdreg $0xFFFFFFFF  }
0xa7: {  	s28 =	simm.s32 $_size_execute0_lowered;
	s3 =	sadd.s32 s3, s5;
	[dreg:$0x0] =	wrdreg $0x0  }
0xa8: {  	s5 =	sshll.u32 s28, $0x1;
	[dreg:$0x2] =	wrdreg s3  }
0xa9: {  	[dreg:$0x3] =	wrdreg s5  }
0xaa: {  	[dreg:$0x4] =	wrdreg $0xC0  }
0xab: {  	_ =	task [dreg:s7], $0x5FFFF  }
0xac: {  	[dreg:$0x1] =	wrdreg $0xFFFFFFFF  }
0xad: {  	[dreg:$0x0] =	wrdreg $0x60  }
0xae: {  	[dreg:$0x2] =	wrdreg s2  }
0xaf: {  	[dreg:$0x3] =	wrdreg s24  }
0xb0: {  	[dreg:$0x4] =	wrdreg $0xB7800  }
0xb1: {  	[dreg:$0x5] =	wrdreg $0x9  }
0xb2: {  	_ =	task.clear_ibuf [dreg:s7], $0x6FFFF;
	_ =	strace $0x90000049  }
0xb3: {  	s29 =	simm.s32 $0x9;
	_ =	strace $0x8000004B  }
0xb4: {  	_ =	swait.ge [sflag:s29], $0x1  }
0xb5: {  	[sflag:s29] =	ssyncadd.s32 $0xFFFFFFFF  }
0xb6: {  	_ =	strace $0x9000004B  }
0xb7: {  	_ =	sfence  }
0xb8: {  	s30 =	sld [smem:$0x0];
	_ =	sdelay $0x2  }
0xb9: {  	s31 =	sshll.u32 s1, $0xD;
	s1 =	sshrl.u32 s1, $0x2  }
0xba: {  	s3 =	sand.u32 $0x4000, s31;
	s1 =	sadd.s32 s1, s30  }
0xbb: {  	s0 =	sor.u32 s3, s0;
	s1 =	sshll.u32 s1, $0x11  }
0xbc: {  	s0 =	sor.u32 s1, s0  }
0xbd: {  	s0 =	sadd.s32 $0x8F2B, s0  }
0xbe: {  	[sflag:s0] =	ssyncadd.remote.s32 $0x1  }
0xbf: {  	_ =	sfence.sel $0xFFFF  }
0xc0: {  	[dreg:$0x0] =	wrdreg $0xFFFFFFFF;
	(pc) =	sbr.abs _section_cstart, $3  }
0xc1: {  	[dreg:$0x1] =	wrdreg $0xFFFFFFFF  }
0xc2: {  	_ =	task.clear_ibuf [dreg:s7], $0x2FFFF;
	_ =	strace $0x9FFFFFFF  }
0xc3: {  	(tm) =	ssettm $0x7FFFFFFF  }
tec
execute0_lowered:
.L_overlay_start_1:
0x0: {  	(tag) =	ssettag $0x1  }
0x1: {  	s0 =	srdreg.scid;
	s10 =	stileid.u32  }
0x2: {  	s5 =	rddreg [dreg:$0x1];
	s29 =	simm.s32 $0x6780;
	s30 =	simm.s32 $0x50  }
0x3: {  	s31 =	simm.s32 $0x8F80;
	s0 =	sand.u32 $0x1, s0;
	s8 =	smul.u32 $0x50000, s10  }
0x4: {  	s4 =	sshll.u32 s10, $0x7;
	s14 =	smul.u32 $0x14000, s10;
	s1 =	sshll.u32 s0, $0x4  }
0x5: {  	s7 =	sand.u32 $0x380, s4;
	s4 =	simm.s32 $0x0;
	s26 =	ssub.s32 $0x2, s0  }
0x6: {  	s0 =	smul.u32 $0x140000, s0;
	s2 =	sor.u32 s10, s1;
	s1 =	rddreg [dreg:$0x0]  }
0x7: {  	[smem:$0x7FF] =	sst s4;
	s9 =	sshrl.u32 s26, $0x1;
	s28 =	sshrl.u32 s8, $0x2  }
0x8: {  	s17 =	sadd.s32 $0x5000, s14;
	s18 =	sadd.s32 $0x7800, s14;
	s19 =	sadd.s32 $0xA000, s14  }
0x9: {  	s20 =	sadd.s32 $0xC800, s14;
	s21 =	sadd.s32 $0xF000, s14;
	s22 =	sadd.s32 $0x11800, s14  }
0xa: {  	s3 =	sshrl.u32 s2, $0x3;
	s2 =	sshll.u32 s2, $0xB;
	s23 =	ssub.s32 s26, s9  }
0xb: {  	s15 =	sadd.s32 s14, s0;
	s24 =	sadd.s32 s0, s19;
	s26 =	sadd.s32 s0, s20  }
0xc: {  	s6 =	smul.u32 $0x13C00, s3;
	s3 =	rddreg [dreg:$0x2];
	_ =	strace $0x8000004A  }
0xd: {  	s2 =	sadd.s32 s2, s5;
	s15 =	sshrl.u32 s15, $0x3;
	s24 =	sshrl.u32 s24, $0x3  }
0xe: {  	s23 =	smax.u32 s23, $0x1;
	s2 =	sadd.s32 $0x51E00, s2;
	s9 =	sadd.s32 s17, s3  }
0xf: {  	s10 =	sadd.s32 s18, s3;
	s11 =	sadd.s32 s19, s3;
	s12 =	sadd.s32 s20, s3  }
0x10: {  	s13 =	sadd.s32 s21, s3;
	s17 =	sadd.s32 s0, s17;
	s18 =	sadd.s32 s0, s18  }
0x11: {  	s6 =	sor.u32 s7, s6;
	[dreg:$0x5] =	wrdreg s2;
	s7 =	sadd.s32 s28, s3  }
0x12: {  	s25 =	sshrl.u32 s18, $0x3;
	s28 =	sadd.s32 s0, s21;
	s6 =	sshrl.u32 s6, $0x3  }
0x13: {  	s21 =	sshrl.u32 s28, $0x3;
	s6 =	sadd.s32 s6, s5;
	s5 =	sadd.s32 $0x6BC00, s5  }
0x14: {  	s6 =	sadd.s32 $0x61E00, s6;
	s16 =	sadd.s32 s5, s15;
	s18 =	sadd.s32 s5, s25  }
0x15: {  	s19 =	sadd.s32 s5, s24;
	s21 =	sadd.s32 s5, s21;
	s25 =	simm.s32 $0x0  }
0x16: {  	[dreg:$0x4] =	wrdreg s6;
	s6 =	sor.u32 $0x2800, s14;
	s14 =	sadd.s32 s22, s3  }
0x17: {  	[dreg:$0x6] =	wrdreg s16;
	s2 =	sadd.s32 s0, s6;
	s0 =	sadd.s32 s0, s22  }
0x18: {  	s8 =	sadd.s32 s6, s3;
	s2 =	sshrl.u32 s2, $0x3;
	s0 =	sshrl.u32 s0, $0x3  }
0x19: {  	s16 =	sadd.s32 s5, s2;
	s2 =	sshrl.u32 s17, $0x3;
	s22 =	sadd.s32 s5, s0  }
0x1a: {  	s0 =	simm.s32 $0x2;
	s17 =	sadd.s32 s5, s2;
	s2 =	sshrl.u32 s26, $0x3  }
0x1b: {  	v0 =	vimm.f32 $0.0e+00;
	s26 =	simm.s32 $0x3;
	s20 =	sadd.s32 s5, s2;
	s2 =	simm.s32 $0x1  }
.LBB2_1:
0x1c: {  	s5 =	rddreg [dreg:$0x4];
	s6 =	simm.s32 $0x80;
	s15 =	simm.s32 $0x400  }
0x1d: {  	[tilespmem:s4], [sflag:$0x3] =	stream.strided.gather [hbm4b:s5+s6], $0x2780, s15, s6, $0x38;
	[tilespmem:$0x1F780] =	vst v63  }
0x1e: {  	_ =	swait.ge [sflag:s26], $0x2780  }
0x1f: {  	[sflag:s26] =	ssyncset.done $0x0  }
0x20: {  	s24 =	simm.s32 $0x2780;
	s15 =	rddreg [dreg:$0x5];
	[sflag:s26] =	ssyncadd.s32 $0xFFFFD880  }
0x21: {  	[tilespmem:s24], [sflag:$0x3] =	stream.linear.gather [hbm4b:s15+s4], $0x3E80, $0x38;
	[tilespmem:$0x1F780] =	vst v63  }
0x22: {  	s5 =	simm.s32 $0x40;
	s15 =	sand.u32 $0xFE00, s4;
	_ =	swait.ge [sflag:s26], $0x3E80  }
0x23: {  	s24 =	sand.u32 $0x70, s4;
	s28 =	sshrl.u32 s15, $0x2;
	[sflag:s26] =	ssyncset.done $0x0  }
0x24: {  	s28 =	sor.u32 s24, s28;
	s24 =	simm.s32 $0x0;
	[sflag:s26] =	ssyncadd.s32 $0xFFFFC180  }
.LBB2_2:
0x25: {  	p0 =	sne.s32 s5, $0x9FC0  }
0x26: {  	[tilespmem:s28+$0x6780] =	vst v0;
	s24 =	sadd.s32 $0x10, s24;
	s28 =	smov.u32 s5;
	s5 =	sadd.s32 $0x40, s5  }
.Ltmp0:
0x27: {  	(pc) =	sbr.rel @p0 .LBB2_2-.Ltmp0, $4  }
0x28: {  	_ = 	snop  }
0x29: {  	s28 =	sand.u32 $0xFE00, s28  }
0x2a: {  	s6 =	sand.u32 $0x70, s24;
	s28 =	sshrl.u32 s28, $0x2  }
0x2b: {  	s28 =	sor.u32 s6, s28  }
0x2c: {  	[tilespmem:s28+$0x6780] =	vst v0  }
0x2d: {  	[spmem:s7] =	stream.linear.scatter [tilespmem:s29], [sflag:$0x3], $0x2800, $0x38;
	[tilespmem:$0x1F780] =	vst v63  }
0x2e: {  	_ =	swait.ge [sflag:s26], $0x2800  }
0x2f: {  	[sflag:s26] =	ssyncset.done $0x0  }
0x30: {  	[sflag:s26] =	ssyncadd.s32 $0xFFFFD800  }
0x31: {  	[spmem:s8] =	stream.linear.scatter [tilespmem:s29], [sflag:$0x3], $0x2800, $0x38;
	[tilespmem:$0x1F780] =	vst v63  }
0x32: {  	_ =	swait.ge [sflag:s26], $0x2800  }
0x33: {  	[sflag:s26] =	ssyncset.done $0x0  }
0x34: {  	[sflag:s26] =	ssyncadd.s32 $0xFFFFD800  }
0x35: {  	[spmem:s9] =	stream.linear.scatter [tilespmem:s29], [sflag:$0x3], $0x2800, $0x38;
	[tilespmem:$0x1F780] =	vst v63  }
0x36: {  	_ =	swait.ge [sflag:s26], $0x2800  }
0x37: {  	[sflag:s26] =	ssyncset.done $0x0  }
0x38: {  	[sflag:s26] =	ssyncadd.s32 $0xFFFFD800  }
0x39: {  	[spmem:s10] =	stream.linear.scatter [tilespmem:s29], [sflag:$0x3], $0x2800, $0x38;
	[tilespmem:$0x1F780] =	vst v63  }
0x3a: {  	_ =	swait.ge [sflag:s26], $0x2800  }
0x3b: {  	[sflag:s26] =	ssyncset.done $0x0  }
0x3c: {  	[sflag:s26] =	ssyncadd.s32 $0xFFFFD800  }
0x3d: {  	[spmem:s11] =	stream.linear.scatter [tilespmem:s29], [sflag:$0x3], $0x2800, $0x38;
	[tilespmem:$0x1F780] =	vst v63  }
0x3e: {  	_ =	swait.ge [sflag:s26], $0x2800  }
0x3f: {  	[sflag:s26] =	ssyncset.done $0x0  }
0x40: {  	[sflag:s26] =	ssyncadd.s32 $0xFFFFD800  }
0x41: {  	[spmem:s12] =	stream.linear.scatter [tilespmem:s29], [sflag:$0x3], $0x2800, $0x38;
	[tilespmem:$0x1F780] =	vst v63  }
0x42: {  	_ =	swait.ge [sflag:s26], $0x2800  }
0x43: {  	[sflag:s26] =	ssyncset.done $0x0  }
0x44: {  	[sflag:s26] =	ssyncadd.s32 $0xFFFFD800  }
0x45: {  	[spmem:s13] =	stream.linear.scatter [tilespmem:s29], [sflag:$0x3], $0x2800, $0x38;
	[tilespmem:$0x1F780] =	vst v63  }
0x46: {  	_ =	swait.ge [sflag:s26], $0x2800  }
0x47: {  	[sflag:s26] =	ssyncset.done $0x0  }
0x48: {  	[sflag:s26] =	ssyncadd.s32 $0xFFFFD800  }
0x49: {  	[spmem:s14] =	stream.linear.scatter [tilespmem:s29], [sflag:$0x3], $0x2800, $0x38;
	[tilespmem:$0x1F780] =	vst v63  }
0x4a: {  	_ =	swait.ge [sflag:s26], $0x2800  }
0x4b: {  	[sflag:s26] =	ssyncset.done $0x0  }
0x4c: {  	[sflag:s26] =	ssyncadd.s32 $0xFFFFD800  }
0x4d: {  	s5 =	simm.s32 $0x0;
	[bflag:$0x0] =	sbarrier.arrive $0xFFFF  }
0x4e: {  	[tilespmem:s29], [sflag:$0x1] =	stream.indirect.gather [hbm4b:s1+s30], $0x80, s5, s30, $0xb8;
	[tilespmem:$0x1F780] =	vst v63  }
0x4f: {  	s24 =	simm.s32 $0x50  }
0x50: {  	[tilespmem:s31], [sflag:$0x2] =	stream.indirect.gather [hbm4b:s1+s30], $0x80, s24, s30, $0xb8;
	[tilespmem:$0x1F780] =	vst v63  }
0x51: {  	_ =	swait.ge [sflag:s2], $0x2800  }
0x52: {  	[sflag:s2] =	ssyncset.done $0x0  }
0x53: {  	s6 =	simm.s32 $0x2780;
	[sflag:s2] =	ssyncadd.s32 $0xFFFFD800  }
0x54: {  	[spmem:s3] =	stream.indirect.scatter.add.f32 [tilespmem:s29], [sflag:$0x3], $0x80, s6, s30, $0xb8;
	[tilespmem:$0x1F780] =	vst v63  }
0x55: {  	_ =	swait.ge [sflag:s26], $0x2800  }
0x56: {  	[sflag:s26] =	ssyncset.done $0x0  }
0x57: {  	s15 =	simm.s32 $0xA0;
	[sflag:s26] =	ssyncadd.s32 $0xFFFFD800  }
0x58: {  	[tilespmem:s29], [sflag:$0x1] =	stream.indirect.gather [hbm4b:s1+s30], $0x80, s15, s30, $0xb8;
	[tilespmem:$0x1F780] =	vst v63  }
0x59: {  	_ =	swait.ge [sflag:s0], $0x2800  }
0x5a: {  	[sflag:s0] =	ssyncset.done $0x0  }
0x5b: {  	s24 =	simm.s32 $0x2800;
	[sflag:s0] =	ssyncadd.s32 $0xFFFFD800  }
0x5c: {  	[spmem:s3] =	stream.indirect.scatter.add.f32 [tilespmem:s31], [sflag:$0x3], $0x80, s24, s30, $0xb8;
	[tilespmem:$0x1F780] =	vst v63  }
0x5d: {  	s28 =	simm.s32 $0x140;
	_ =	swait.ge [sflag:s26], $0x2800  }
0x5e: {  	s5 =	simm.s32 $0x800;
	s24 =	simm.s32 $0x400;
	[sflag:s26] =	ssyncset.done $0x0  }
.LBB2_4:
0x5f: {  	p0 =	sne.s32 s5, $0xF400;
	s6 =	sadd.s32 $0xFFFFFFB0, s28;
	[sflag:s26] =	ssyncadd.s32 $0xFFFFD800  }
0x60: {  	[tilespmem:s31], [sflag:$0x2] =	stream.indirect.gather [hbm4b:s1+s30], $0x80, s6, s30, $0xb8;
	[tilespmem:$0x1F780] =	vst v63  }
0x61: {  	s6 =	smov.u32 s5;
	s5 =	sadd.s32 $0x400, s5;
	_ =	swait.ge [sflag:s2], $0x2800  }
0x62: {  	s15 =	sshra.s32 s24, $0x2;
	s24 =	smov.u32 s6;
	[sflag:s2] =	ssyncset.done $0x0  }
0x63: {  	s6 =	sadd.s32 $0x2780, s15;
	[sflag:s2] =	ssyncadd.s32 $0xFFFFD800  }
0x64: {  	[spmem:s3] =	stream.indirect.scatter.add.f32 [tilespmem:s29], [sflag:$0x3], $0x80, s6, s30, $0xb8;
	[tilespmem:$0x1F780] =	vst v63  }
0x65: {  	_ =	swait.ge [sflag:s26], $0x2800  }
0x66: {  	[sflag:s26] =	ssyncset.done $0x0  }
0x67: {  	[sflag:s26] =	ssyncadd.s32 $0xFFFFD800  }
0x68: {  	[tilespmem:s29], [sflag:$0x1] =	stream.indirect.gather [hbm4b:s1+s30], $0x80, s28, s30, $0xb8;
	[tilespmem:$0x1F780] =	vst v63  }
0x69: {  	_ =	swait.ge [sflag:s0], $0x2800  }
.Ltmp1:
0x6a: {  	[sflag:s0] =	ssyncset.done $0x0;
	(pc) =	sbr.rel @p0 .LBB2_4-.Ltmp1, $4  }
0x6b: {  	s6 =	sadd.s32 $0x2800, s15;
	[sflag:s0] =	ssyncadd.s32 $0xFFFFD800  }
0x6c: {  	[spmem:s3] =	stream.indirect.scatter.add.f32 [tilespmem:s31], [sflag:$0x3], $0x80, s6, s30, $0xb8;
	[tilespmem:$0x1F780] =	vst v63  }
0x6d: {  	_ =	swait.ge [sflag:s26], $0x2800  }
0x6e: {  	s28 =	sadd.s32 $0xA0, s28;
	[sflag:s26] =	ssyncset.done $0x0  }
0x6f: {  	s5 =	sadd.s32 $0xFFFFFFB0, s28;
	[sflag:s26] =	ssyncadd.s32 $0xFFFFD800  }
0x70: {  	[tilespmem:s31], [sflag:$0x2] =	stream.indirect.gather [hbm4b:s1+s30], $0x80, s5, s30, $0xb8;
	[tilespmem:$0x1F780] =	vst v63  }
0x71: {  	_ =	swait.ge [sflag:s2], $0x2800  }
0x72: {  	s15 =	sshra.s32 s24, $0x2;
	[sflag:s2] =	ssyncset.done $0x0  }
0x73: {  	s6 =	sadd.s32 $0x2780, s15;
	[sflag:s2] =	ssyncadd.s32 $0xFFFFD800  }
0x74: {  	[spmem:s3] =	stream.indirect.scatter.add.f32 [tilespmem:s29], [sflag:$0x3], $0x80, s6, s30, $0xb8;
	[tilespmem:$0x1F780] =	vst v63  }
0x75: {  	_ =	swait.ge [sflag:s26], $0x2800  }
0x76: {  	[sflag:s26] =	ssyncset.done $0x0  }
0x77: {  	[sflag:s26] =	ssyncadd.s32 $0xFFFFD800  }
0x78: {  	[tilespmem:s29], [sflag:$0x1] =	stream.indirect.gather [hbm4b:s1+s30], $0x80, s28, s30, $0xb8;
	[tilespmem:$0x1F780] =	vst v63  }
0x79: {  	_ =	swait.ge [sflag:s0], $0x2800  }
0x7a: {  	[sflag:s0] =	ssyncset.done $0x0  }
0x7b: {  	s5 =	sadd.s32 $0x2800, s15;
	[sflag:s0] =	ssyncadd.s32 $0xFFFFD800  }
0x7c: {  	[spmem:s3] =	stream.indirect.scatter.add.f32 [tilespmem:s31], [sflag:$0x3], $0x80, s5, s30, $0xb8;
	[tilespmem:$0x1F780] =	vst v63  }
0x7d: {  	_ =	swait.ge [sflag:s26], $0x2800  }
0x7e: {  	[sflag:s26] =	ssyncset.done $0x0  }
0x7f: {  	[sflag:s26] =	ssyncadd.s32 $0xFFFFD800  }
0x80: {  	_ =	swait.ge [sflag:s2], $0x2800  }
0x81: {  	[sflag:s2] =	ssyncset.done $0x0  }
0x82: {  	s24 =	simm.s32 $0x6580;
	[sflag:s2] =	ssyncadd.s32 $0xFFFFD800  }
0x83: {  	[spmem:s3] =	stream.indirect.scatter.add.f32 [tilespmem:s29], [sflag:$0x3], $0x80, s24, s30, $0xb8;
	[tilespmem:$0x1F780] =	vst v63  }
0x84: {  	_ =	swait.ge [sflag:s26], $0x2800  }
0x85: {  	[sflag:s26] =	ssyncset.done $0x0  }
0x86: {  	[sflag:s26] =	ssyncadd.s32 $0xFFFFD800  }
0x87: {  	[bflag:$0x0] =	sbarrier.arrive $0xFFFF  }
0x88: {  	[tilespmem:s29], [sflag:$0x3] =	stream.linear.gather [spmem:s7], $0x2800, $0x38;
	[tilespmem:$0x1F780] =	vst v63  }
0x89: {  	_ =	swait.ge [sflag:s26], $0x2800  }
0x8a: {  	[sflag:s26] =	ssyncset.done $0x0  }
0x8b: {  	s28 =	rddreg [dreg:$0x6];
	[sflag:s26] =	ssyncadd.s32 $0xFFFFD800  }
0x8c: {  	[hbm4b:s28+s4] =	stream.linear.scatter [tilespmem:s29], [sflag:$0x3], $0x2800, $0x38;
	[tilespmem:$0x1F780] =	vst v63  }
0x8d: {  	_ =	swait.ge [sflag:s26], $0x2800  }
0x8e: {  	[sflag:s26] =	ssyncset.done $0x0  }
0x8f: {  	[sflag:s26] =	ssyncadd.s32 $0xFFFFD800  }
0x90: {  	[tilespmem:s29], [sflag:$0x3] =	stream.linear.gather [spmem:s8], $0x2800, $0x38;
	[tilespmem:$0x1F780] =	vst v63  }
0x91: {  	_ =	swait.ge [sflag:s26], $0x2800  }
0x92: {  	[sflag:s26] =	ssyncset.done $0x0  }
0x93: {  	[sflag:s26] =	ssyncadd.s32 $0xFFFFD800  }
0x94: {  	[hbm4b:s16+s4] =	stream.linear.scatter [tilespmem:s29], [sflag:$0x3], $0x2800, $0x38;
	[tilespmem:$0x1F780] =	vst v63  }
0x95: {  	_ =	swait.ge [sflag:s26], $0x2800  }
0x96: {  	[sflag:s26] =	ssyncset.done $0x0  }
0x97: {  	[sflag:s26] =	ssyncadd.s32 $0xFFFFD800  }
0x98: {  	[tilespmem:s29], [sflag:$0x3] =	stream.linear.gather [spmem:s9], $0x2800, $0x38;
	[tilespmem:$0x1F780] =	vst v63  }
0x99: {  	_ =	swait.ge [sflag:s26], $0x2800  }
0x9a: {  	[sflag:s26] =	ssyncset.done $0x0  }
0x9b: {  	[sflag:s26] =	ssyncadd.s32 $0xFFFFD800  }
0x9c: {  	[hbm4b:s17+s4] =	stream.linear.scatter [tilespmem:s29], [sflag:$0x3], $0x2800, $0x38;
	[tilespmem:$0x1F780] =	vst v63  }
0x9d: {  	_ =	swait.ge [sflag:s26], $0x2800  }
0x9e: {  	[sflag:s26] =	ssyncset.done $0x0  }
0x9f: {  	[sflag:s26] =	ssyncadd.s32 $0xFFFFD800  }
0xa0: {  	[tilespmem:s29], [sflag:$0x3] =	stream.linear.gather [spmem:s10], $0x2800, $0x38;
	[tilespmem:$0x1F780] =	vst v63  }
0xa1: {  	_ =	swait.ge [sflag:s26], $0x2800  }
0xa2: {  	[sflag:s26] =	ssyncset.done $0x0  }
0xa3: {  	[sflag:s26] =	ssyncadd.s32 $0xFFFFD800  }
0xa4: {  	[hbm4b:s18+s4] =	stream.linear.scatter [tilespmem:s29], [sflag:$0x3], $0x2800, $0x38;
	[tilespmem:$0x1F780] =	vst v63  }
0xa5: {  	_ =	swait.ge [sflag:s26], $0x2800  }
0xa6: {  	[sflag:s26] =	ssyncset.done $0x0  }
0xa7: {  	[sflag:s26] =	ssyncadd.s32 $0xFFFFD800  }
0xa8: {  	[tilespmem:s29], [sflag:$0x3] =	stream.linear.gather [spmem:s11], $0x2800, $0x38;
	[tilespmem:$0x1F780] =	vst v63  }
0xa9: {  	_ =	swait.ge [sflag:s26], $0x2800  }
0xaa: {  	[sflag:s26] =	ssyncset.done $0x0  }
0xab: {  	[sflag:s26] =	ssyncadd.s32 $0xFFFFD800  }
0xac: {  	[hbm4b:s19+s4] =	stream.linear.scatter [tilespmem:s29], [sflag:$0x3], $0x2800, $0x38;
	[tilespmem:$0x1F780] =	vst v63  }
0xad: {  	_ =	swait.ge [sflag:s26], $0x2800  }
0xae: {  	[sflag:s26] =	ssyncset.done $0x0  }
0xaf: {  	[sflag:s26] =	ssyncadd.s32 $0xFFFFD800  }
0xb0: {  	[tilespmem:s29], [sflag:$0x3] =	stream.linear.gather [spmem:s12], $0x2800, $0x38;
	[tilespmem:$0x1F780] =	vst v63  }
0xb1: {  	_ =	swait.ge [sflag:s26], $0x2800  }
0xb2: {  	[sflag:s26] =	ssyncset.done $0x0  }
0xb3: {  	[sflag:s26] =	ssyncadd.s32 $0xFFFFD800  }
0xb4: {  	[hbm4b:s20+s4] =	stream.linear.scatter [tilespmem:s29], [sflag:$0x3], $0x2800, $0x38;
	[tilespmem:$0x1F780] =	vst v63  }
0xb5: {  	_ =	swait.ge [sflag:s26], $0x2800  }
0xb6: {  	[sflag:s26] =	ssyncset.done $0x0  }
0xb7: {  	[sflag:s26] =	ssyncadd.s32 $0xFFFFD800  }
0xb8: {  	[tilespmem:s29], [sflag:$0x3] =	stream.linear.gather [spmem:s13], $0x2800, $0x38;
	[tilespmem:$0x1F780] =	vst v63  }
0xb9: {  	_ =	swait.ge [sflag:s26], $0x2800  }
0xba: {  	[sflag:s26] =	ssyncset.done $0x0  }
0xbb: {  	[sflag:s26] =	ssyncadd.s32 $0xFFFFD800  }
0xbc: {  	[hbm4b:s21+s4] =	stream.linear.scatter [tilespmem:s29], [sflag:$0x3], $0x2800, $0x38;
	[tilespmem:$0x1F780] =	vst v63  }
0xbd: {  	_ =	swait.ge [sflag:s26], $0x2800  }
0xbe: {  	[sflag:s26] =	ssyncset.done $0x0  }
0xbf: {  	[sflag:s26] =	ssyncadd.s32 $0xFFFFD800  }
0xc0: {  	[tilespmem:s29], [sflag:$0x3] =	stream.linear.gather [spmem:s14], $0x2800, $0x38;
	[tilespmem:$0x1F780] =	vst v63  }
0xc1: {  	s25 =	sadd.s32 $0x1, s25;
	_ =	swait.ge [sflag:s26], $0x2800  }
0xc2: {  	p0 =	sne.s32 s25, s23;
	[sflag:s26] =	ssyncset.done $0x0  }
.Ltmp2:
0xc3: {  	[sflag:s26] =	ssyncadd.s32 $0xFFFFD800;
	(pc) =	sbr.rel @p0 .LBB2_1-.Ltmp2, $4  }
0xc4: {  	[hbm4b:s22+s4] =	stream.linear.scatter [tilespmem:s29], [sflag:$0x3], $0x2800, $0x38;
	[tilespmem:$0x1F780] =	vst v63  }
0xc5: {  	_ =	swait.ge [sflag:s26], $0x2800  }
0xc6: {  	[sflag:s26] =	ssyncset.done $0x0  }
0xc7: {  	[sflag:s26] =	ssyncadd.s32 $0xFFFFD800  }
0xc8: {  	_ =	sfence.sel $0x180000  }
0xc9: {  	[bflag:$0x0] =	sbarrier.arrive $0xFFFF  }
0xca: {  	_ =	strace $0x9000004A  }
0xcb: {  	s0 =	stileid.u32;
	[bflag:$0x2] =	sbarrier.arrive $0xFFFF  }
0xcc: {  	p0 =	sne.s32 s0, $0x0;
	s0 =	rddreg [dreg:$0x3]  }
0xcd: {  	s0 =	sadd.s32 @!p0 $0x100000, s0  }
0xce: {  	[sflag:s0] =	ssyncadd.tile.s32 @!p0 $0x1;
	_ =	shalt  }
.Lfunc_end2:
_tile_overlayer_lowered:
.L_overlay_start_2:
0xcf: {  	(tag) =	ssettag $0x2  }
0xd0: {  	s0 =	rddreg [dreg:$0x0];
	s2 =	stileid.u32  }
0xd1: {  	s1 =	rddreg [dreg:$0x1];
	p0 =	sne.s32 s2, $0x0  }
0xd2: {  	s3 =	rddreg [dreg:$0x2];
	[bflag:$0x3] =	sbarrier.arrive $0xFFFF;
	s2 =	simm.s32 @!p0 $0x1C03  }
0xd3: {  	[timem:s3], [sflag:s2] =	dma.local @!p0 [hbm:s0], s1  }
0xd4: {  	s0 =	simm.s32 @!p0 $0x3  }
0xd5: {  	_ =	swait.ge @!p0 [sflag:s0], s1  }
0xd6: {  	s1 =	ssub.s32 @!p0 $0x0, s1;
	[sflag:s0] =	ssyncset.done @!p0 $0x0  }
0xd7: {  	[sflag:s0] =	ssyncadd.s32 @!p0 s1  }
0xd8: {  	[bflag:$0x3] =	sbarrier.arrive $0xFFFF  }
0xd9: {  	_ =	shalt  }

// kernel: kernel.14.cloned.1.call-start
scs
__scs_entry_jumppad:
0x0: {  	(pc) =	sbr.rel $0x88, $3  }
0x1: {  	(tag) =	ssettag $0x0;
	lr =	simm.s32 $0x1  }
0x2: {  	[smem:$0x3F9D] =	sst lr;
	_ =	strace $0xD0000000  }
0x3: {  	_ = 	snop  }
0x4: {  	_ = 	snop  }
0x5: {  	_ = 	snop  }
0x6: {  	_ = 	snop  }
0x7: {  	_ = 	snop  }
__scs_overlays_trampoline_lowered:
0x8: {  	[smem:$0x3FAC] =	sst s0  }
0x9: {  	[smem:$0x3FAD] =	sst s1  }
0xa: {  	[smem:$0x3FAE] =	sst s2  }
0xb: {  	[smem:$0x3FAF] =	sst s3  }
0xc: {  	[smem:$0x3FB0] =	sst s4  }
0xd: {  	[smem:$0x3FB1] =	sst s5  }
0xe: {  	[smem:$0x3FB2] =	sst s6  }
0xf: {  	[smem:$0x3FB3] =	sst s7  }
0x10: {  	[smem:$0x3FB4] =	sst s8  }
0x11: {  	[smem:$0x3FB5] =	sst s9;
	s0 =	simm.s32 @!p0 $0x0  }
0x12: {  	s1 =	sld [smem:$0x3F9B];
	s0 =	simm.s32 @p0 $0x1  }
0x13: {  	[smem:$0x3FB6] =	sst s0;
	s0 =	simm.s32 @!p1 $0x0  }
0x14: {  	s2 =	sld [smem:$0x3F9A];
	s0 =	simm.s32 @p1 $0x1  }
0x15: {  	[smem:$0x3FB7] =	sst s0;
	s0 =	simm.s32 @!p2 $0x0  }
0x16: {  	s3 =	sld [smem:$0x3FDB];
	s0 =	simm.s32 @p2 $0x1  }
0x17: {  	s4 =	simm.s32 $0x1BF5;
	[smem:$0x3FB9] =	sst s0  }
0x18: {  	s0 =	sld [smem:$0x3F9C];
	_ =	swait.ge [sflag:s4], $0x0  }
0x19: {  	s7 =	sld [smem:$0x3F9D]  }
0x1a: {  	s8 =	sadd.s32 $0xFFFFE003, lr  }
0x1b: {  	s9 =	sadd.s32 $0xFFFFFEF7, lr;
	s5 =	simm.s32 $0xFFFFFFFF;
	p2 =	slt.u32 s8, $0xFFFFF086  }
0x1c: {  	p1 =	slt.u32 s9, $0xF7A;
	s5 =	simm.s32 @!p2 $0x0  }
0x1d: {  	s5 =	simm.s32 @p1 $0x1;
	p0 =	seq.s32 s7, s2  }
0x1e: {  	s7 =	smul.u32 @!p0 $0xF7A, s2;
	p2 =	seq.s32 @!p0 s5, $0x0  }
0x1f: {  	s9 =	smul.u32 $0xF7A, s1;
	s8 =	simm.s32 @!p0 $0x1BF5;
	p2 =	por !p2, p0  }
0x20: {  	[sflag:s8] =	ssyncset.s32 @!p0 $0xFFFFF086;
	s6 =	sadd.s32 @!p0 s3, s7;
	s7 =	simm.s32 @!p0 $0x108  }
0x21: {  	s3 =	sadd.s32 s3, s9;
	s6 =	sadd.s32 @!p0 $0x88, s6;
	s7 =	simm.s32 @p2 $0x1082  }
0x22: {  	[simem:s7], [sflag:s8] =	dma.local @!p0 [hbm:s6], $0xF7A  }
0x23: {  	s9 =	sor.u32 $0xD0000000, s2;
	s6 =	simm.s32 $0x108;
	_ =	swait.ge @!p0 [sflag:s8], $0x0  }
0x24: {  	s3 =	sadd.s32 $0x88, s3;
	s6 =	simm.s32 @!p1 $0x1082;
	[sflag:s4] =	ssyncset.s32 $0xFFFFF086  }
0x25: {  	[simem:s6], [sflag:s4] =	dma.local [hbm:s3], $0xF7A  }
0x26: {  	[smem:$0x3F9D] =	sst s1;
	(tag) =	ssettag s2;
	_ =	strace s9  }
0x27: {  	s1 =	sld [smem:$0x3FAD]  }
0x28: {  	s2 =	sld [smem:$0x3FAE]  }
0x29: {  	s4 =	sld [smem:$0x3FB0]  }
0x2a: {  	p0 =	seq.s32 s5, $0x0;
	s5 =	sld [smem:$0x3FB1]  }
0x2b: {  	s6 =	sld [smem:$0x3FB2]  }
0x2c: {  	s7 =	sld [smem:$0x3FB3]  }
0x2d: {  	s3 =	simm.s32 $0x108;
	s8 =	sld [smem:$0x3FB4]  }
0x2e: {  	s3 =	simm.s32 @!p0 $0x1082;
	s9 =	sld [smem:$0x3FB5]  }
0x2f: {  	lr =	sadd.s32 s0, s3;
	s0 =	sld [smem:$0x3FAC]  }
0x30: {  	s3 =	sld [smem:$0x3FAF]  }
0x31: {  	[smem:$0x3FB8] =	sst s10  }
0x32: {  	s10 =	sld [smem:$0x3FB6];
	_ =	sdelay $0x3  }
0x33: {  	p0 =	seq.s32 s10, $0x1;
	s10 =	sld [smem:$0x3FB8];
	_ =	sdelay $0x3  }
0x34: {  	[smem:$0x3FB8] =	sst s10  }
0x35: {  	s10 =	sld [smem:$0x3FB7];
	_ =	sdelay $0x3  }
0x36: {  	p1 =	seq.s32 s10, $0x1;
	s10 =	sld [smem:$0x3FB8];
	_ =	sdelay $0x3  }
0x37: {  	[smem:$0x3FB8] =	sst s10  }
0x38: {  	s10 =	sld [smem:$0x3FB9]  }
0x39: {  	_ = 	snop;
	(pc) =	sbr.ind lr, $3  }
0x3a: {  	_ = 	snop  }
0x3b: {  	_ = 	snop  }
0x3c: {  	p2 =	seq.s32 s10, $0x1;
	s10 =	sld [smem:$0x3FB8]  }
0x3d: {  	_ =	shalt  }
0x3e: {  	_ =	shalt  }
0x3f: {  	_ =	shalt  }
0x40: {  	_ =	shalt  }
0x41: {  	_ =	shalt  }
0x42: {  	_ =	shalt  }
0x43: {  	_ =	shalt  }
0x44: {  	_ =	shalt  }
0x45: {  	_ =	shalt  }
0x46: {  	_ =	shalt  }
0x47: {  	_ =	shalt  }
0x48: {  	_ =	shalt  }
0x49: {  	_ =	shalt  }
0x4a: {  	_ =	shalt  }
0x4b: {  	_ =	shalt  }
0x4c: {  	_ =	shalt  }
0x4d: {  	_ =	shalt  }
0x4e: {  	_ =	shalt  }
0x4f: {  	_ =	shalt  }
0x50: {  	_ =	shalt  }
0x51: {  	_ =	shalt  }
0x52: {  	_ =	shalt  }
0x53: {  	_ =	shalt  }
0x54: {  	_ =	shalt  }
0x55: {  	_ =	shalt  }
0x56: {  	_ =	shalt  }
0x57: {  	_ =	shalt  }
0x58: {  	_ =	shalt  }
0x59: {  	_ =	shalt  }
0x5a: {  	_ =	shalt  }
0x5b: {  	_ =	shalt  }
0x5c: {  	_ =	shalt  }
0x5d: {  	_ =	shalt  }
0x5e: {  	_ =	shalt  }
0x5f: {  	_ =	shalt  }
0x60: {  	_ =	shalt  }
0x61: {  	_ =	shalt  }
0x62: {  	_ =	shalt  }
0x63: {  	_ =	shalt  }
0x64: {  	_ =	shalt  }
0x65: {  	_ =	shalt  }
0x66: {  	_ =	shalt  }
0x67: {  	_ =	shalt  }
0x68: {  	_ =	shalt  }
0x69: {  	_ =	shalt  }
0x6a: {  	_ =	shalt  }
0x6b: {  	_ =	shalt  }
0x6c: {  	_ =	shalt  }
0x6d: {  	_ =	shalt  }
0x6e: {  	_ =	shalt  }
0x6f: {  	_ =	shalt  }
0x70: {  	_ =	shalt  }
0x71: {  	_ =	shalt  }
0x72: {  	_ =	shalt  }
0x73: {  	_ =	shalt  }
0x74: {  	_ =	shalt  }
0x75: {  	_ =	shalt  }
0x76: {  	_ =	shalt  }
0x77: {  	_ =	shalt  }
0x78: {  	_ =	shalt  }
0x79: {  	_ =	shalt  }
0x7a: {  	_ =	shalt  }
0x7b: {  	_ =	shalt  }
0x7c: {  	_ =	shalt  }
0x7d: {  	_ =	shalt  }
0x7e: {  	_ =	shalt  }
0x7f: {  	_ =	shalt  }
0x80: {  	_ =	shalt  }
0x81: {  	_ =	shalt  }
0x82: {  	_ =	shalt  }
0x83: {  	_ =	shalt  }
0x84: {  	_ =	shalt  }
0x85: {  	_ =	shalt  }
0x86: {  	_ =	shalt  }
0x87: {  	_ =	shalt  }
.Lfunc_end0:
.L_simem_size_0:
called_computation.2_lowered:
.L_overlay_start_0:
0x88: {  	s2 =	sld [smem:$0x3FD9]  }
0x89: {  	s3 =	sld [smem:$0x3FFE];
	_ =	sdelay $0x1  }
0x8a: {  	s1 =	srdreg.scid  }
0x8b: {  	s0 =	sand.u32 $0x1, s1  }
0x8c: {  	s17 =	sshll.u32 s0, $0xA;
	s2 =	sadd.s32 s3, s2  }
0x8d: {  	s2 =	sadd.s32 s2, s17  }
0x8e: {  	[smem:$0x3FC4] =	sst s2  }
0x8f: {  	_ = 	snop  }
0x90: {  	s2 =	sld [smem:$0x3FD0];
	(tm) =	ssettm $0x1  }
0x91: {  	s18 =	sld [smem:$0x3FFB];
	_ =	sdelay $0x3  }
0x92: {  	_ =	strace s18  }
0x93: {  	s3 =	sld [smem:$0x3FFC];
	_ =	sdelay $0x3  }
0x94: {  	_ =	strace s3  }
0x95: {  	s3 =	sld [smem:$0x3FFD];
	_ =	sdelay $0x3  }
0x96: {  	_ =	strace s3  }
0x97: {  	_ =	strace $0x8FFFFFFF  }
0x98: {  	s19 =	sld [smem:$0x3FDB];
	_ =	sdelay $0x1  }
0x99: {  	s4 =	simm.s32 $_scs_section_size  }
0x9a: {  	s5 =	simm.s32 $_size__tile_overlayer_lowered;
	s6 =	simm.s32 $_tile_overlayer_lowered  }
0x9b: {  	s22 =	simm.s32 $0x1BFF;
	s21 =	sshll.u32 s6, $0x1;
	s3 =	sadd.s32 s4, s19  }
0x9c: {  	s7 =	simm.s32 $0x0;
	s20 =	sshll.u32 s5, $0x1;
	s5 =	sadd.s32 s21, s3  }
0x9d: {  	[timem:s7], [sflag:s22] =	dma.local [hbm:s5], s20  }
0x9e: {  	_ =	swait.ge [sflag:s22], s20  }
0x9f: {  	s4 =	ssub.s32 $0x0, s20;
	[sflag:s22] =	ssyncset.done $0x0  }
0xa0: {  	[sflag:s22] =	ssyncadd.s32 s4;
	_ =	sdelay $0x1  }
0xa1: {  	s23 =	simm.s32 $0x1B8B  }
0xa2: {  	_ =	swait.ge [sflag:s23], $0x1  }
0xa3: {  	[sflag:s23] =	ssyncset.done $0x0  }
0xa4: {  	s25 =	simm.s32 $0x1B8E;
	s24 =	sld [smem:$0x3FFE];
	[sflag:s23] =	ssyncadd.s32 $0xFFFFFFFF  }
0xa5: {  	s26 =	simm.s32 $execute0_lowered;
	[smem:$0x3FD2] =	sst s25  }
0xa6: {  	s5 =	sshll.u32 s26, $0x1;
	_ =	strace $0x8000004C;
	[dreg:$0x1] =	wrdreg $0xFFFFFFFF  }
0xa7: {  	s28 =	simm.s32 $_size_execute0_lowered;
	s3 =	sadd.s32 s3, s5;
	[dreg:$0x0] =	wrdreg $0x0  }
0xa8: {  	s5 =	sshll.u32 s28, $0x1;
	[dreg:$0x2] =	wrdreg s3  }
0xa9: {  	[dreg:$0x3] =	wrdreg s5  }
0xaa: {  	[dreg:$0x4] =	wrdreg $0xC0  }
0xab: {  	_ =	task [dreg:s7], $0x5FFFF  }
0xac: {  	[dreg:$0x1] =	wrdreg $0xFFFFFFFF  }
0xad: {  	[dreg:$0x0] =	wrdreg $0x60  }
0xae: {  	[dreg:$0x2] =	wrdreg s2  }
0xaf: {  	[dreg:$0x3] =	wrdreg s24  }
0xb0: {  	[dreg:$0x4] =	wrdreg $0xB7800  }
0xb1: {  	[dreg:$0x5] =	wrdreg $0x9  }
0xb2: {  	_ =	task.clear_ibuf [dreg:s7], $0x6FFFF;
	_ =	strace $0x9000004C  }
0xb3: {  	s29 =	simm.s32 $0x9;
	_ =	strace $0x8000004E  }
0xb4: {  	_ =	swait.ge [sflag:s29], $0x1  }
0xb5: {  	[sflag:s29] =	ssyncadd.s32 $0xFFFFFFFF  }
0xb6: {  	_ =	strace $0x9000004E  }
0xb7: {  	_ =	sfence  }
0xb8: {  	s30 =	sld [smem:$0x0];
	_ =	sdelay $0x2  }
0xb9: {  	s31 =	sshll.u32 s1, $0xD;
	s1 =	sshrl.u32 s1, $0x2  }
0xba: {  	s3 =	sand.u32 $0x4000, s31;
	s1 =	sadd.s32 s1, s30  }
0xbb: {  	s0 =	sor.u32 s3, s0;
	s1 =	sshll.u32 s1, $0x11  }
0xbc: {  	s0 =	sor.u32 s1, s0  }
0xbd: {  	s0 =	sadd.s32 $0x8F2B, s0  }
0xbe: {  	[sflag:s0] =	ssyncadd.remote.s32 $0x1  }
0xbf: {  	_ =	sfence.sel $0xFFFF  }
0xc0: {  	[dreg:$0x0] =	wrdreg $0xFFFFFFFF;
	(pc) =	sbr.abs _section_cstart, $3  }
0xc1: {  	[dreg:$0x1] =	wrdreg $0xFFFFFFFF  }
0xc2: {  	_ =	task.clear_ibuf [dreg:s7], $0x2FFFF;
	_ =	strace $0x9FFFFFFF  }
0xc3: {  	(tm) =	ssettm $0x7FFFFFFF  }
tec
execute0_lowered:
.L_overlay_start_1:
0x0: {  	(tag) =	ssettag $0x1  }
0x1: {  	s0 =	srdreg.scid;
	s10 =	stileid.u32  }
0x2: {  	s5 =	rddreg [dreg:$0x1];
	s29 =	simm.s32 $0x6780;
	s30 =	simm.s32 $0x50  }
0x3: {  	s31 =	simm.s32 $0x8F80;
	s0 =	sand.u32 $0x1, s0;
	s8 =	smul.u32 $0x50000, s10  }
0x4: {  	s4 =	sshll.u32 s10, $0x7;
	s14 =	smul.u32 $0x14000, s10;
	s1 =	sshll.u32 s0, $0x4  }
0x5: {  	s7 =	sand.u32 $0x380, s4;
	s4 =	simm.s32 $0x0;
	s26 =	ssub.s32 $0x2, s0  }
0x6: {  	s0 =	smul.u32 $0x140000, s0;
	s2 =	sor.u32 s10, s1;
	s1 =	rddreg [dreg:$0x0]  }
0x7: {  	[smem:$0x7FF] =	sst s4;
	s9 =	sshrl.u32 s26, $0x1;
	s28 =	sshrl.u32 s8, $0x2  }
0x8: {  	s17 =	sadd.s32 $0x5000, s14;
	s18 =	sadd.s32 $0x7800, s14;
	s19 =	sadd.s32 $0xA000, s14  }
0x9: {  	s20 =	sadd.s32 $0xC800, s14;
	s21 =	sadd.s32 $0xF000, s14;
	s22 =	sadd.s32 $0x11800, s14  }
0xa: {  	s3 =	sshrl.u32 s2, $0x3;
	s2 =	sshll.u32 s2, $0xB;
	s23 =	ssub.s32 s26, s9  }
0xb: {  	s15 =	sadd.s32 s14, s0;
	s24 =	sadd.s32 s0, s19;
	s26 =	sadd.s32 s0, s20  }
0xc: {  	s6 =	smul.u32 $0x13C00, s3;
	s3 =	rddreg [dreg:$0x2];
	_ =	strace $0x8000004D  }
0xd: {  	s2 =	sadd.s32 s2, s5;
	s15 =	sshrl.u32 s15, $0x3;
	s24 =	sshrl.u32 s24, $0x3  }
0xe: {  	s23 =	smax.u32 s23, $0x1;
	s2 =	sadd.s32 $0x51E00, s2;
	s9 =	sadd.s32 s17, s3  }
0xf: {  	s10 =	sadd.s32 s18, s3;
	s11 =	sadd.s32 s19, s3;
	s12 =	sadd.s32 s20, s3  }
0x10: {  	s13 =	sadd.s32 s21, s3;
	s17 =	sadd.s32 s0, s17;
	s18 =	sadd.s32 s0, s18  }
0x11: {  	s6 =	sor.u32 s7, s6;
	[dreg:$0x5] =	wrdreg s2;
	s7 =	sadd.s32 s28, s3  }
0x12: {  	s25 =	sshrl.u32 s18, $0x3;
	s28 =	sadd.s32 s0, s21;
	s6 =	sshrl.u32 s6, $0x3  }
0x13: {  	s21 =	sshrl.u32 s28, $0x3;
	s6 =	sadd.s32 s6, s5;
	s5 =	sadd.s32 $0x6BC00, s5  }
0x14: {  	s6 =	sadd.s32 $0x61E00, s6;
	s16 =	sadd.s32 s5, s15;
	s18 =	sadd.s32 s5, s25  }
0x15: {  	s19 =	sadd.s32 s5, s24;
	s21 =	sadd.s32 s5, s21;
	s25 =	simm.s32 $0x0  }
0x16: {  	[dreg:$0x4] =	wrdreg s6;
	s6 =	sor.u32 $0x2800, s14;
	s14 =	sadd.s32 s22, s3  }
0x17: {  	[dreg:$0x6] =	wrdreg s16;
	s2 =	sadd.s32 s0, s6;
	s0 =	sadd.s32 s0, s22  }
0x18: {  	s8 =	sadd.s32 s6, s3;
	s2 =	sshrl.u32 s2, $0x3;
	s0 =	sshrl.u32 s0, $0x3  }
0x19: {  	s16 =	sadd.s32 s5, s2;
	s2 =	sshrl.u32 s17, $0x3;
	s22 =	sadd.s32 s5, s0  }
0x1a: {  	s0 =	simm.s32 $0x2;
	s17 =	sadd.s32 s5, s2;
	s2 =	sshrl.u32 s26, $0x3  }
0x1b: {  	v0 =	vimm.f32 $0.0e+00;
	s26 =	simm.s32 $0x3;
	s20 =	sadd.s32 s5, s2;
	s2 =	simm.s32 $0x1  }
.LBB2_1:
0x1c: {  	s5 =	rddreg [dreg:$0x4];
	s6 =	simm.s32 $0x80;
	s15 =	simm.s32 $0x400  }
0x1d: {  	[tilespmem:s4], [sflag:$0x3] =	stream.strided.gather [hbm4b:s5+s6], $0x2780, s15, s6, $0x38;
	[tilespmem:$0x1F780] =	vst v63  }
0x1e: {  	_ =	swait.ge [sflag:s26], $0x2780  }
0x1f: {  	[sflag:s26] =	ssyncset.done $0x0  }
0x20: {  	s24 =	simm.s32 $0x2780;
	s15 =	rddreg [dreg:$0x5];
	[sflag:s26] =	ssyncadd.s32 $0xFFFFD880  }
0x21: {  	[tilespmem:s24], [sflag:$0x3] =	stream.linear.gather [hbm4b:s15+s4], $0x3E80, $0x38;
	[tilespmem:$0x1F780] =	vst v63  }
0x22: {  	s5 =	simm.s32 $0x40;
	s15 =	sand.u32 $0xFE00, s4;
	_ =	swait.ge [sflag:s26], $0x3E80  }
0x23: {  	s24 =	sand.u32 $0x70, s4;
	s28 =	sshrl.u32 s15, $0x2;
	[sflag:s26] =	ssyncset.done $0x0  }
0x24: {  	s28 =	sor.u32 s24, s28;
	s24 =	simm.s32 $0x0;
	[sflag:s26] =	ssyncadd.s32 $0xFFFFC180  }
.LBB2_2:
0x25: {  	p0 =	sne.s32 s5, $0x9FC0  }
0x26: {  	[tilespmem:s28+$0x6780] =	vst v0;
	s24 =	sadd.s32 $0x10, s24;
	s28 =	smov.u32 s5;
	s5 =	sadd.s32 $0x40, s5  }
.Ltmp0:
0x27: {  	(pc) =	sbr.rel @p0 .LBB2_2-.Ltmp0, $4  }
0x28: {  	_ = 	snop  }
0x29: {  	s28 =	sand.u32 $0xFE00, s28  }
0x2a: {  	s6 =	sand.u32 $0x70, s24;
	s28 =	sshrl.u32 s28, $0x2  }
0x2b: {  	s28 =	sor.u32 s6, s28  }
0x2c: {  	[tilespmem:s28+$0x6780] =	vst v0  }
0x2d: {  	[spmem:s7] =	stream.linear.scatter [tilespmem:s29], [sflag:$0x3], $0x2800, $0x38;
	[tilespmem:$0x1F780] =	vst v63  }
0x2e: {  	_ =	swait.ge [sflag:s26], $0x2800  }
0x2f: {  	[sflag:s26] =	ssyncset.done $0x0  }
0x30: {  	[sflag:s26] =	ssyncadd.s32 $0xFFFFD800  }
0x31: {  	[spmem:s8] =	stream.linear.scatter [tilespmem:s29], [sflag:$0x3], $0x2800, $0x38;
	[tilespmem:$0x1F780] =	vst v63  }
0x32: {  	_ =	swait.ge [sflag:s26], $0x2800  }
0x33: {  	[sflag:s26] =	ssyncset.done $0x0  }
0x34: {  	[sflag:s26] =	ssyncadd.s32 $0xFFFFD800  }
0x35: {  	[spmem:s9] =	stream.linear.scatter [tilespmem:s29], [sflag:$0x3], $0x2800, $0x38;
	[tilespmem:$0x1F780] =	vst v63  }
0x36: {  	_ =	swait.ge [sflag:s26], $0x2800  }
0x37: {  	[sflag:s26] =	ssyncset.done $0x0  }
0x38: {  	[sflag:s26] =	ssyncadd.s32 $0xFFFFD800  }
0x39: {  	[spmem:s10] =	stream.linear.scatter [tilespmem:s29], [sflag:$0x3], $0x2800, $0x38;
	[tilespmem:$0x1F780] =	vst v63  }
0x3a: {  	_ =	swait.ge [sflag:s26], $0x2800  }
0x3b: {  	[sflag:s26] =	ssyncset.done $0x0  }
0x3c: {  	[sflag:s26] =	ssyncadd.s32 $0xFFFFD800  }
0x3d: {  	[spmem:s11] =	stream.linear.scatter [tilespmem:s29], [sflag:$0x3], $0x2800, $0x38;
	[tilespmem:$0x1F780] =	vst v63  }
0x3e: {  	_ =	swait.ge [sflag:s26], $0x2800  }
0x3f: {  	[sflag:s26] =	ssyncset.done $0x0  }
0x40: {  	[sflag:s26] =	ssyncadd.s32 $0xFFFFD800  }
0x41: {  	[spmem:s12] =	stream.linear.scatter [tilespmem:s29], [sflag:$0x3], $0x2800, $0x38;
	[tilespmem:$0x1F780] =	vst v63  }
0x42: {  	_ =	swait.ge [sflag:s26], $0x2800  }
0x43: {  	[sflag:s26] =	ssyncset.done $0x0  }
0x44: {  	[sflag:s26] =	ssyncadd.s32 $0xFFFFD800  }
0x45: {  	[spmem:s13] =	stream.linear.scatter [tilespmem:s29], [sflag:$0x3], $0x2800, $0x38;
	[tilespmem:$0x1F780] =	vst v63  }
0x46: {  	_ =	swait.ge [sflag:s26], $0x2800  }
0x47: {  	[sflag:s26] =	ssyncset.done $0x0  }
0x48: {  	[sflag:s26] =	ssyncadd.s32 $0xFFFFD800  }
0x49: {  	[spmem:s14] =	stream.linear.scatter [tilespmem:s29], [sflag:$0x3], $0x2800, $0x38;
	[tilespmem:$0x1F780] =	vst v63  }
0x4a: {  	_ =	swait.ge [sflag:s26], $0x2800  }
0x4b: {  	[sflag:s26] =	ssyncset.done $0x0  }
0x4c: {  	[sflag:s26] =	ssyncadd.s32 $0xFFFFD800  }
0x4d: {  	s5 =	simm.s32 $0x0;
	[bflag:$0x0] =	sbarrier.arrive $0xFFFF  }
0x4e: {  	[tilespmem:s29], [sflag:$0x1] =	stream.indirect.gather [hbm4b:s1+s30], $0x80, s5, s30, $0xb8;
	[tilespmem:$0x1F780] =	vst v63  }
0x4f: {  	s24 =	simm.s32 $0x50  }
0x50: {  	[tilespmem:s31], [sflag:$0x2] =	stream.indirect.gather [hbm4b:s1+s30], $0x80, s24, s30, $0xb8;
	[tilespmem:$0x1F780] =	vst v63  }
0x51: {  	_ =	swait.ge [sflag:s2], $0x2800  }
0x52: {  	[sflag:s2] =	ssyncset.done $0x0  }
0x53: {  	s6 =	simm.s32 $0x2780;
	[sflag:s2] =	ssyncadd.s32 $0xFFFFD800  }
0x54: {  	[spmem:s3] =	stream.indirect.scatter.add.f32 [tilespmem:s29], [sflag:$0x3], $0x80, s6, s30, $0xb8;
	[tilespmem:$0x1F780] =	vst v63  }
0x55: {  	_ =	swait.ge [sflag:s26], $0x2800  }
0x56: {  	[sflag:s26] =	ssyncset.done $0x0  }
0x57: {  	s15 =	simm.s32 $0xA0;
	[sflag:s26] =	ssyncadd.s32 $0xFFFFD800  }
0x58: {  	[tilespmem:s29], [sflag:$0x1] =	stream.indirect.gather [hbm4b:s1+s30], $0x80, s15, s30, $0xb8;
	[tilespmem:$0x1F780] =	vst v63  }
0x59: {  	_ =	swait.ge [sflag:s0], $0x2800  }
0x5a: {  	[sflag:s0] =	ssyncset.done $0x0  }
0x5b: {  	s24 =	simm.s32 $0x2800;
	[sflag:s0] =	ssyncadd.s32 $0xFFFFD800  }
0x5c: {  	[spmem:s3] =	stream.indirect.scatter.add.f32 [tilespmem:s31], [sflag:$0x3], $0x80, s24, s30, $0xb8;
	[tilespmem:$0x1F780] =	vst v63  }
0x5d: {  	s28 =	simm.s32 $0x140;
	_ =	swait.ge [sflag:s26], $0x2800  }
0x5e: {  	s5 =	simm.s32 $0x800;
	s24 =	simm.s32 $0x400;
	[sflag:s26] =	ssyncset.done $0x0  }
.LBB2_4:
0x5f: {  	p0 =	sne.s32 s5, $0xF400;
	s6 =	sadd.s32 $0xFFFFFFB0, s28;
	[sflag:s26] =	ssyncadd.s32 $0xFFFFD800  }
0x60: {  	[tilespmem:s31], [sflag:$0x2] =	stream.indirect.gather [hbm4b:s1+s30], $0x80, s6, s30, $0xb8;
	[tilespmem:$0x1F780] =	vst v63  }
0x61: {  	s6 =	smov.u32 s5;
	s5 =	sadd.s32 $0x400, s5;
	_ =	swait.ge [sflag:s2], $0x2800  }
0x62: {  	s15 =	sshra.s32 s24, $0x2;
	s24 =	smov.u32 s6;
	[sflag:s2] =	ssyncset.done $0x0  }
0x63: {  	s6 =	sadd.s32 $0x2780, s15;
	[sflag:s2] =	ssyncadd.s32 $0xFFFFD800  }
0x64: {  	[spmem:s3] =	stream.indirect.scatter.add.f32 [tilespmem:s29], [sflag:$0x3], $0x80, s6, s30, $0xb8;
	[tilespmem:$0x1F780] =	vst v63  }
0x65: {  	_ =	swait.ge [sflag:s26], $0x2800  }
0x66: {  	[sflag:s26] =	ssyncset.done $0x0  }
0x67: {  	[sflag:s26] =	ssyncadd.s32 $0xFFFFD800  }
0x68: {  	[tilespmem:s29], [sflag:$0x1] =	stream.indirect.gather [hbm4b:s1+s30], $0x80, s28, s30, $0xb8;
	[tilespmem:$0x1F780] =	vst v63  }
0x69: {  	_ =	swait.ge [sflag:s0], $0x2800  }
.Ltmp1:
0x6a: {  	[sflag:s0] =	ssyncset.done $0x0;
	(pc) =	sbr.rel @p0 .LBB2_4-.Ltmp1, $4  }
0x6b: {  	s6 =	sadd.s32 $0x2800, s15;
	[sflag:s0] =	ssyncadd.s32 $0xFFFFD800  }
0x6c: {  	[spmem:s3] =	stream.indirect.scatter.add.f32 [tilespmem:s31], [sflag:$0x3], $0x80, s6, s30, $0xb8;
	[tilespmem:$0x1F780] =	vst v63  }
0x6d: {  	_ =	swait.ge [sflag:s26], $0x2800  }
0x6e: {  	s28 =	sadd.s32 $0xA0, s28;
	[sflag:s26] =	ssyncset.done $0x0  }
0x6f: {  	s5 =	sadd.s32 $0xFFFFFFB0, s28;
	[sflag:s26] =	ssyncadd.s32 $0xFFFFD800  }
0x70: {  	[tilespmem:s31], [sflag:$0x2] =	stream.indirect.gather [hbm4b:s1+s30], $0x80, s5, s30, $0xb8;
	[tilespmem:$0x1F780] =	vst v63  }
0x71: {  	_ =	swait.ge [sflag:s2], $0x2800  }
0x72: {  	s15 =	sshra.s32 s24, $0x2;
	[sflag:s2] =	ssyncset.done $0x0  }
0x73: {  	s6 =	sadd.s32 $0x2780, s15;
	[sflag:s2] =	ssyncadd.s32 $0xFFFFD800  }
0x74: {  	[spmem:s3] =	stream.indirect.scatter.add.f32 [tilespmem:s29], [sflag:$0x3], $0x80, s6, s30, $0xb8;
	[tilespmem:$0x1F780] =	vst v63  }
0x75: {  	_ =	swait.ge [sflag:s26], $0x2800  }
0x76: {  	[sflag:s26] =	ssyncset.done $0x0  }
0x77: {  	[sflag:s26] =	ssyncadd.s32 $0xFFFFD800  }
0x78: {  	[tilespmem:s29], [sflag:$0x1] =	stream.indirect.gather [hbm4b:s1+s30], $0x80, s28, s30, $0xb8;
	[tilespmem:$0x1F780] =	vst v63  }
0x79: {  	_ =	swait.ge [sflag:s0], $0x2800  }
0x7a: {  	[sflag:s0] =	ssyncset.done $0x0  }
0x7b: {  	s5 =	sadd.s32 $0x2800, s15;
	[sflag:s0] =	ssyncadd.s32 $0xFFFFD800  }
0x7c: {  	[spmem:s3] =	stream.indirect.scatter.add.f32 [tilespmem:s31], [sflag:$0x3], $0x80, s5, s30, $0xb8;
	[tilespmem:$0x1F780] =	vst v63  }
0x7d: {  	_ =	swait.ge [sflag:s26], $0x2800  }
0x7e: {  	[sflag:s26] =	ssyncset.done $0x0  }
0x7f: {  	[sflag:s26] =	ssyncadd.s32 $0xFFFFD800  }
0x80: {  	_ =	swait.ge [sflag:s2], $0x2800  }
0x81: {  	[sflag:s2] =	ssyncset.done $0x0  }
0x82: {  	s24 =	simm.s32 $0x6580;
	[sflag:s2] =	ssyncadd.s32 $0xFFFFD800  }
0x83: {  	[spmem:s3] =	stream.indirect.scatter.add.f32 [tilespmem:s29], [sflag:$0x3], $0x80, s24, s30, $0xb8;
	[tilespmem:$0x1F780] =	vst v63  }
0x84: {  	_ =	swait.ge [sflag:s26], $0x2800  }
0x85: {  	[sflag:s26] =	ssyncset.done $0x0  }
0x86: {  	[sflag:s26] =	ssyncadd.s32 $0xFFFFD800  }
0x87: {  	[bflag:$0x0] =	sbarrier.arrive $0xFFFF  }
0x88: {  	[tilespmem:s29], [sflag:$0x3] =	stream.linear.gather [spmem:s7], $0x2800, $0x38;
	[tilespmem:$0x1F780] =	vst v63  }
0x89: {  	_ =	swait.ge [sflag:s26], $0x2800  }
0x8a: {  	[sflag:s26] =	ssyncset.done $0x0  }
0x8b: {  	s28 =	rddreg [dreg:$0x6];
	[sflag:s26] =	ssyncadd.s32 $0xFFFFD800  }
0x8c: {  	[hbm4b:s28+s4] =	stream.linear.scatter [tilespmem:s29], [sflag:$0x3], $0x2800, $0x38;
	[tilespmem:$0x1F780] =	vst v63  }
0x8d: {  	_ =	swait.ge [sflag:s26], $0x2800  }
0x8e: {  	[sflag:s26] =	ssyncset.done $0x0  }
0x8f: {  	[sflag:s26] =	ssyncadd.s32 $0xFFFFD800  }
0x90: {  	[tilespmem:s29], [sflag:$0x3] =	stream.linear.gather [spmem:s8], $0x2800, $0x38;
	[tilespmem:$0x1F780] =	vst v63  }
0x91: {  	_ =	swait.ge [sflag:s26], $0x2800  }
0x92: {  	[sflag:s26] =	ssyncset.done $0x0  }
0x93: {  	[sflag:s26] =	ssyncadd.s32 $0xFFFFD800  }
0x94: {  	[hbm4b:s16+s4] =	stream.linear.scatter [tilespmem:s29], [sflag:$0x3], $0x2800, $0x38;
	[tilespmem:$0x1F780] =	vst v63  }
0x95: {  	_ =	swait.ge [sflag:s26], $0x2800  }
0x96: {  	[sflag:s26] =	ssyncset.done $0x0  }
0x97: {  	[sflag:s26] =	ssyncadd.s32 $0xFFFFD800  }
0x98: {  	[tilespmem:s29], [sflag:$0x3] =	stream.linear.gather [spmem:s9], $0x2800, $0x38;
	[tilespmem:$0x1F780] =	vst v63  }
0x99: {  	_ =	swait.ge [sflag:s26], $0x2800  }
0x9a: {  	[sflag:s26] =	ssyncset.done $0x0  }
0x9b: {  	[sflag:s26] =	ssyncadd.s32 $0xFFFFD800  }
0x9c: {  	[hbm4b:s17+s4] =	stream.linear.scatter [tilespmem:s29], [sflag:$0x3], $0x2800, $0x38;
	[tilespmem:$0x1F780] =	vst v63  }
0x9d: {  	_ =	swait.ge [sflag:s26], $0x2800  }
0x9e: {  	[sflag:s26] =	ssyncset.done $0x0  }
0x9f: {  	[sflag:s26] =	ssyncadd.s32 $0xFFFFD800  }
0xa0: {  	[tilespmem:s29], [sflag:$0x3] =	stream.linear.gather [spmem:s10], $0x2800, $0x38;
	[tilespmem:$0x1F780] =	vst v63  }
0xa1: {  	_ =	swait.ge [sflag:s26], $0x2800  }
0xa2: {  	[sflag:s26] =	ssyncset.done $0x0  }
0xa3: {  	[sflag:s26] =	ssyncadd.s32 $0xFFFFD800  }
0xa4: {  	[hbm4b:s18+s4] =	stream.linear.scatter [tilespmem:s29], [sflag:$0x3], $0x2800, $0x38;
	[tilespmem:$0x1F780] =	vst v63  }
0xa5: {  	_ =	swait.ge [sflag:s26], $0x2800  }
0xa6: {  	[sflag:s26] =	ssyncset.done $0x0  }
0xa7: {  	[sflag:s26] =	ssyncadd.s32 $0xFFFFD800  }
0xa8: {  	[tilespmem:s29], [sflag:$0x3] =	stream.linear.gather [spmem:s11], $0x2800, $0x38;
	[tilespmem:$0x1F780] =	vst v63  }
0xa9: {  	_ =	swait.ge [sflag:s26], $0x2800  }
0xaa: {  	[sflag:s26] =	ssyncset.done $0x0  }
0xab: {  	[sflag:s26] =	ssyncadd.s32 $0xFFFFD800  }
0xac: {  	[hbm4b:s19+s4] =	stream.linear.scatter [tilespmem:s29], [sflag:$0x3], $0x2800, $0x38;
	[tilespmem:$0x1F780] =	vst v63  }
0xad: {  	_ =	swait.ge [sflag:s26], $0x2800  }
0xae: {  	[sflag:s26] =	ssyncset.done $0x0  }
0xaf: {  	[sflag:s26] =	ssyncadd.s32 $0xFFFFD800  }
0xb0: {  	[tilespmem:s29], [sflag:$0x3] =	stream.linear.gather [spmem:s12], $0x2800, $0x38;
	[tilespmem:$0x1F780] =	vst v63  }
0xb1: {  	_ =	swait.ge [sflag:s26], $0x2800  }
0xb2: {  	[sflag:s26] =	ssyncset.done $0x0  }
0xb3: {  	[sflag:s26] =	ssyncadd.s32 $0xFFFFD800  }
0xb4: {  	[hbm4b:s20+s4] =	stream.linear.scatter [tilespmem:s29], [sflag:$0x3], $0x2800, $0x38;
	[tilespmem:$0x1F780] =	vst v63  }
0xb5: {  	_ =	swait.ge [sflag:s26], $0x2800  }
0xb6: {  	[sflag:s26] =	ssyncset.done $0x0  }
0xb7: {  	[sflag:s26] =	ssyncadd.s32 $0xFFFFD800  }
0xb8: {  	[tilespmem:s29], [sflag:$0x3] =	stream.linear.gather [spmem:s13], $0x2800, $0x38;
	[tilespmem:$0x1F780] =	vst v63  }
0xb9: {  	_ =	swait.ge [sflag:s26], $0x2800  }
0xba: {  	[sflag:s26] =	ssyncset.done $0x0  }
0xbb: {  	[sflag:s26] =	ssyncadd.s32 $0xFFFFD800  }
0xbc: {  	[hbm4b:s21+s4] =	stream.linear.scatter [tilespmem:s29], [sflag:$0x3], $0x2800, $0x38;
	[tilespmem:$0x1F780] =	vst v63  }
0xbd: {  	_ =	swait.ge [sflag:s26], $0x2800  }
0xbe: {  	[sflag:s26] =	ssyncset.done $0x0  }
0xbf: {  	[sflag:s26] =	ssyncadd.s32 $0xFFFFD800  }
0xc0: {  	[tilespmem:s29], [sflag:$0x3] =	stream.linear.gather [spmem:s14], $0x2800, $0x38;
	[tilespmem:$0x1F780] =	vst v63  }
0xc1: {  	s25 =	sadd.s32 $0x1, s25;
	_ =	swait.ge [sflag:s26], $0x2800  }
0xc2: {  	p0 =	sne.s32 s25, s23;
	[sflag:s26] =	ssyncset.done $0x0  }
.Ltmp2:
0xc3: {  	[sflag:s26] =	ssyncadd.s32 $0xFFFFD800;
	(pc) =	sbr.rel @p0 .LBB2_1-.Ltmp2, $4  }
0xc4: {  	[hbm4b:s22+s4] =	stream.linear.scatter [tilespmem:s29], [sflag:$0x3], $0x2800, $0x38;
	[tilespmem:$0x1F780] =	vst v63  }
0xc5: {  	_ =	swait.ge [sflag:s26], $0x2800  }
0xc6: {  	[sflag:s26] =	ssyncset.done $0x0  }
0xc7: {  	[sflag:s26] =	ssyncadd.s32 $0xFFFFD800  }
0xc8: {  	_ =	sfence.sel $0x180000  }
0xc9: {  	[bflag:$0x0] =	sbarrier.arrive $0xFFFF  }
0xca: {  	_ =	strace $0x9000004D  }
0xcb: {  	s0 =	stileid.u32;
	[bflag:$0x2] =	sbarrier.arrive $0xFFFF  }
0xcc: {  	p0 =	sne.s32 s0, $0x0;
	s0 =	rddreg [dreg:$0x3]  }
0xcd: {  	s0 =	sadd.s32 @!p0 $0x100000, s0  }
0xce: {  	[sflag:s0] =	ssyncadd.tile.s32 @!p0 $0x1;
	_ =	shalt  }
.Lfunc_end2:
_tile_overlayer_lowered:
.L_overlay_start_2:
0xcf: {  	(tag) =	ssettag $0x2  }
0xd0: {  	s0 =	rddreg [dreg:$0x0];
	s2 =	stileid.u32  }
0xd1: {  	s1 =	rddreg [dreg:$0x1];
	p0 =	sne.s32 s2, $0x0  }
0xd2: {  	s3 =	rddreg [dreg:$0x2];
	[bflag:$0x3] =	sbarrier.arrive $0xFFFF;
	s2 =	simm.s32 @!p0 $0x1C03  }
0xd3: {  	[timem:s3], [sflag:s2] =	dma.local @!p0 [hbm:s0], s1  }
0xd4: {  	s0 =	simm.s32 @!p0 $0x3  }
0xd5: {  	_ =	swait.ge @!p0 [sflag:s0], s1  }
0xd6: {  	s1 =	ssub.s32 @!p0 $0x0, s1;
	[sflag:s0] =	ssyncset.done @!p0 $0x0  }
0xd7: {  	[sflag:s0] =	ssyncadd.s32 @!p0 s1  }
0xd8: {  	[bflag:$0x3] =	sbarrier.arrive $0xFFFF  }
0xd9: {  	_ =	shalt  }

// kernel: kernel.8.cloned.1.call-start
scs
__scs_entry_jumppad:
0x0: {  	(pc) =	sbr.rel $0x88, $3  }
0x1: {  	(tag) =	ssettag $0x0;
	lr =	simm.s32 $0x1  }
0x2: {  	[smem:$0x3F9D] =	sst lr;
	_ =	strace $0xD0000000  }
0x3: {  	_ = 	snop  }
0x4: {  	_ = 	snop  }
0x5: {  	_ = 	snop  }
0x6: {  	_ = 	snop  }
0x7: {  	_ = 	snop  }
__scs_overlays_trampoline_lowered:
0x8: {  	[smem:$0x3FAC] =	sst s0  }
0x9: {  	[smem:$0x3FAD] =	sst s1  }
0xa: {  	[smem:$0x3FAE] =	sst s2  }
0xb: {  	[smem:$0x3FAF] =	sst s3  }
0xc: {  	[smem:$0x3FB0] =	sst s4  }
0xd: {  	[smem:$0x3FB1] =	sst s5  }
0xe: {  	[smem:$0x3FB2] =	sst s6  }
0xf: {  	[smem:$0x3FB3] =	sst s7  }
0x10: {  	[smem:$0x3FB4] =	sst s8  }
0x11: {  	[smem:$0x3FB5] =	sst s9;
	s0 =	simm.s32 @!p0 $0x0  }
0x12: {  	s1 =	sld [smem:$0x3F9B];
	s0 =	simm.s32 @p0 $0x1  }
0x13: {  	[smem:$0x3FB6] =	sst s0;
	s0 =	simm.s32 @!p1 $0x0  }
0x14: {  	s2 =	sld [smem:$0x3F9A];
	s0 =	simm.s32 @p1 $0x1  }
0x15: {  	[smem:$0x3FB7] =	sst s0;
	s0 =	simm.s32 @!p2 $0x0  }
0x16: {  	s3 =	sld [smem:$0x3FDB];
	s0 =	simm.s32 @p2 $0x1  }
0x17: {  	s4 =	simm.s32 $0x1BF5;
	[smem:$0x3FB9] =	sst s0  }
0x18: {  	s0 =	sld [smem:$0x3F9C];
	_ =	swait.ge [sflag:s4], $0x0  }
0x19: {  	s7 =	sld [smem:$0x3F9D]  }
0x1a: {  	s8 =	sadd.s32 $0xFFFFE003, lr  }
0x1b: {  	s9 =	sadd.s32 $0xFFFFFEF7, lr;
	s5 =	simm.s32 $0xFFFFFFFF;
	p2 =	slt.u32 s8, $0xFFFFF086  }
0x1c: {  	p1 =	slt.u32 s9, $0xF7A;
	s5 =	simm.s32 @!p2 $0x0  }
0x1d: {  	s5 =	simm.s32 @p1 $0x1;
	p0 =	seq.s32 s7, s2  }
0x1e: {  	s7 =	smul.u32 @!p0 $0xF7A, s2;
	p2 =	seq.s32 @!p0 s5, $0x0  }
0x1f: {  	s9 =	smul.u32 $0xF7A, s1;
	s8 =	simm.s32 @!p0 $0x1BF5;
	p2 =	por !p2, p0  }
0x20: {  	[sflag:s8] =	ssyncset.s32 @!p0 $0xFFFFF086;
	s6 =	sadd.s32 @!p0 s3, s7;
	s7 =	simm.s32 @!p0 $0x108  }
0x21: {  	s3 =	sadd.s32 s3, s9;
	s6 =	sadd.s32 @!p0 $0x88, s6;
	s7 =	simm.s32 @p2 $0x1082  }
0x22: {  	[simem:s7], [sflag:s8] =	dma.local @!p0 [hbm:s6], $0xF7A  }
0x23: {  	s9 =	sor.u32 $0xD0000000, s2;
	s6 =	simm.s32 $0x108;
	_ =	swait.ge @!p0 [sflag:s8], $0x0  }
0x24: {  	s3 =	sadd.s32 $0x88, s3;
	s6 =	simm.s32 @!p1 $0x1082;
	[sflag:s4] =	ssyncset.s32 $0xFFFFF086  }
0x25: {  	[simem:s6], [sflag:s4] =	dma.local [hbm:s3], $0xF7A  }
0x26: {  	[smem:$0x3F9D] =	sst s1;
	(tag) =	ssettag s2;
	_ =	strace s9  }
0x27: {  	s1 =	sld [smem:$0x3FAD]  }
0x28: {  	s2 =	sld [smem:$0x3FAE]  }
0x29: {  	s4 =	sld [smem:$0x3FB0]  }
0x2a: {  	p0 =	seq.s32 s5, $0x0;
	s5 =	sld [smem:$0x3FB1]  }
0x2b: {  	s6 =	sld [smem:$0x3FB2]  }
0x2c: {  	s7 =	sld [smem:$0x3FB3]  }
0x2d: {  	s3 =	simm.s32 $0x108;
	s8 =	sld [smem:$0x3FB4]  }
0x2e: {  	s3 =	simm.s32 @!p0 $0x1082;
	s9 =	sld [smem:$0x3FB5]  }
0x2f: {  	lr =	sadd.s32 s0, s3;
	s0 =	sld [smem:$0x3FAC]  }
0x30: {  	s3 =	sld [smem:$0x3FAF]  }
0x31: {  	[smem:$0x3FB8] =	sst s10  }
0x32: {  	s10 =	sld [smem:$0x3FB6];
	_ =	sdelay $0x3  }
0x33: {  	p0 =	seq.s32 s10, $0x1;
	s10 =	sld [smem:$0x3FB8];
	_ =	sdelay $0x3  }
0x34: {  	[smem:$0x3FB8] =	sst s10  }
0x35: {  	s10 =	sld [smem:$0x3FB7];
	_ =	sdelay $0x3  }
0x36: {  	p1 =	seq.s32 s10, $0x1;
	s10 =	sld [smem:$0x3FB8];
	_ =	sdelay $0x3  }
0x37: {  	[smem:$0x3FB8] =	sst s10  }
0x38: {  	s10 =	sld [smem:$0x3FB9]  }
0x39: {  	_ = 	snop;
	(pc) =	sbr.ind lr, $3  }
0x3a: {  	_ = 	snop  }
0x3b: {  	_ = 	snop  }
0x3c: {  	p2 =	seq.s32 s10, $0x1;
	s10 =	sld [smem:$0x3FB8]  }
0x3d: {  	_ =	shalt  }
0x3e: {  	_ =	shalt  }
0x3f: {  	_ =	shalt  }
0x40: {  	_ =	shalt  }
0x41: {  	_ =	shalt  }
0x42: {  	_ =	shalt  }
0x43: {  	_ =	shalt  }
0x44: {  	_ =	shalt  }
0x45: {  	_ =	shalt  }
0x46: {  	_ =	shalt  }
0x47: {  	_ =	shalt  }
0x48: {  	_ =	shalt  }
0x49: {  	_ =	shalt  }
0x4a: {  	_ =	shalt  }
0x4b: {  	_ =	shalt  }
0x4c: {  	_ =	shalt  }
0x4d: {  	_ =	shalt  }
0x4e: {  	_ =	shalt  }
0x4f: {  	_ =	shalt  }
0x50: {  	_ =	shalt  }
0x51: {  	_ =	shalt  }
0x52: {  	_ =	shalt  }
0x53: {  	_ =	shalt  }
0x54: {  	_ =	shalt  }
0x55: {  	_ =	shalt  }
0x56: {  	_ =	shalt  }
0x57: {  	_ =	shalt  }
0x58: {  	_ =	shalt  }
0x59: {  	_ =	shalt  }
0x5a: {  	_ =	shalt  }
0x5b: {  	_ =	shalt  }
0x5c: {  	_ =	shalt  }
0x5d: {  	_ =	shalt  }
0x5e: {  	_ =	shalt  }
0x5f: {  	_ =	shalt  }
0x60: {  	_ =	shalt  }
0x61: {  	_ =	shalt  }
0x62: {  	_ =	shalt  }
0x63: {  	_ =	shalt  }
0x64: {  	_ =	shalt  }
0x65: {  	_ =	shalt  }
0x66: {  	_ =	shalt  }
0x67: {  	_ =	shalt  }
0x68: {  	_ =	shalt  }
0x69: {  	_ =	shalt  }
0x6a: {  	_ =	shalt  }
0x6b: {  	_ =	shalt  }
0x6c: {  	_ =	shalt  }
0x6d: {  	_ =	shalt  }
0x6e: {  	_ =	shalt  }
0x6f: {  	_ =	shalt  }
0x70: {  	_ =	shalt  }
0x71: {  	_ =	shalt  }
0x72: {  	_ =	shalt  }
0x73: {  	_ =	shalt  }
0x74: {  	_ =	shalt  }
0x75: {  	_ =	shalt  }
0x76: {  	_ =	shalt  }
0x77: {  	_ =	shalt  }
0x78: {  	_ =	shalt  }
0x79: {  	_ =	shalt  }
0x7a: {  	_ =	shalt  }
0x7b: {  	_ =	shalt  }
0x7c: {  	_ =	shalt  }
0x7d: {  	_ =	shalt  }
0x7e: {  	_ =	shalt  }
0x7f: {  	_ =	shalt  }
0x80: {  	_ =	shalt  }
0x81: {  	_ =	shalt  }
0x82: {  	_ =	shalt  }
0x83: {  	_ =	shalt  }
0x84: {  	_ =	shalt  }
0x85: {  	_ =	shalt  }
0x86: {  	_ =	shalt  }
0x87: {  	_ =	shalt  }
.Lfunc_end0:
.L_simem_size_0:
called_computation_lowered:
.L_overlay_start_0:
0x88: {  	s2 =	sld [smem:$0x3FD9]  }
0x89: {  	s3 =	sld [smem:$0x3FFE];
	_ =	sdelay $0x1  }
0x8a: {  	s1 =	srdreg.scid  }
0x8b: {  	s0 =	sand.u32 $0x1, s1  }
0x8c: {  	s17 =	sshll.u32 s0, $0xA;
	s2 =	sadd.s32 s3, s2  }
0x8d: {  	s2 =	sadd.s32 s2, s17  }
0x8e: {  	[smem:$0x3FC4] =	sst s2  }
0x8f: {  	_ = 	snop  }
0x90: {  	s2 =	sld [smem:$0x3FD0];
	(tm) =	ssettm $0x1  }
0x91: {  	s18 =	sld [smem:$0x3FFB];
	_ =	sdelay $0x3  }
0x92: {  	_ =	strace s18  }
0x93: {  	s3 =	sld [smem:$0x3FFC];
	_ =	sdelay $0x3  }
0x94: {  	_ =	strace s3  }
0x95: {  	s3 =	sld [smem:$0x3FFD];
	_ =	sdelay $0x3  }
0x96: {  	_ =	strace s3  }
0x97: {  	_ =	strace $0x8FFFFFFF  }
0x98: {  	s19 =	sld [smem:$0x3FDB];
	_ =	sdelay $0x1  }
0x99: {  	s4 =	simm.s32 $_scs_section_size  }
0x9a: {  	s5 =	simm.s32 $_size__tile_overlayer_lowered;
	s6 =	simm.s32 $_tile_overlayer_lowered  }
0x9b: {  	s22 =	simm.s32 $0x1BFF;
	s21 =	sshll.u32 s6, $0x1;
	s3 =	sadd.s32 s4, s19  }
0x9c: {  	s7 =	simm.s32 $0x0;
	s20 =	sshll.u32 s5, $0x1;
	s5 =	sadd.s32 s21, s3  }
0x9d: {  	[timem:s7], [sflag:s22] =	dma.local [hbm:s5], s20  }
0x9e: {  	_ =	swait.ge [sflag:s22], s20  }
0x9f: {  	s4 =	ssub.s32 $0x0, s20;
	[sflag:s22] =	ssyncset.done $0x0  }
0xa0: {  	[sflag:s22] =	ssyncadd.s32 s4;
	_ =	sdelay $0x1  }
0xa1: {  	s23 =	simm.s32 $0x1B8B  }
0xa2: {  	_ =	swait.ge [sflag:s23], $0x1  }
0xa3: {  	[sflag:s23] =	ssyncset.done $0x0  }
0xa4: {  	s25 =	simm.s32 $0x1B8E;
	s24 =	sld [smem:$0x3FFE];
	[sflag:s23] =	ssyncadd.s32 $0xFFFFFFFF  }
0xa5: {  	s26 =	simm.s32 $execute0_lowered;
	[smem:$0x3FD2] =	sst s25  }
0xa6: {  	s5 =	sshll.u32 s26, $0x1;
	_ =	strace $0x80000046;
	[dreg:$0x1] =	wrdreg $0xFFFFFFFF  }
0xa7: {  	s28 =	simm.s32 $_size_execute0_lowered;
	s3 =	sadd.s32 s3, s5;
	[dreg:$0x0] =	wrdreg $0x0  }
0xa8: {  	s5 =	sshll.u32 s28, $0x1;
	[dreg:$0x2] =	wrdreg s3  }
0xa9: {  	[dreg:$0x3] =	wrdreg s5  }
0xaa: {  	[dreg:$0x4] =	wrdreg $0xC0  }
0xab: {  	_ =	task [dreg:s7], $0x5FFFF  }
0xac: {  	[dreg:$0x1] =	wrdreg $0xFFFFFFFF  }
0xad: {  	[dreg:$0x0] =	wrdreg $0x60  }
0xae: {  	[dreg:$0x2] =	wrdreg s2  }
0xaf: {  	[dreg:$0x3] =	wrdreg s24  }
0xb0: {  	[dreg:$0x4] =	wrdreg $0xA8000  }
0xb1: {  	[dreg:$0x5] =	wrdreg $0x9  }
0xb2: {  	_ =	task.clear_ibuf [dreg:s7], $0x6FFFF;
	_ =	strace $0x90000046  }
0xb3: {  	s29 =	simm.s32 $0x9;
	_ =	strace $0x80000048  }
0xb4: {  	_ =	swait.ge [sflag:s29], $0x1  }
0xb5: {  	[sflag:s29] =	ssyncadd.s32 $0xFFFFFFFF  }
0xb6: {  	_ =	strace $0x90000048  }
0xb7: {  	_ =	sfence  }
0xb8: {  	s30 =	sld [smem:$0x0];
	_ =	sdelay $0x2  }
0xb9: {  	s31 =	sshll.u32 s1, $0xD;
	s1 =	sshrl.u32 s1, $0x2  }
0xba: {  	s3 =	sand.u32 $0x4000, s31;
	s1 =	sadd.s32 s1, s30  }
0xbb: {  	s0 =	sor.u32 s3, s0;
	s1 =	sshll.u32 s1, $0x11  }
0xbc: {  	s0 =	sor.u32 s1, s0  }
0xbd: {  	s0 =	sadd.s32 $0x8F2B, s0  }
0xbe: {  	[sflag:s0] =	ssyncadd.remote.s32 $0x1  }
0xbf: {  	_ =	sfence.sel $0xFFFF  }
0xc0: {  	[dreg:$0x0] =	wrdreg $0xFFFFFFFF;
	(pc) =	sbr.abs _section_cstart, $3  }
0xc1: {  	[dreg:$0x1] =	wrdreg $0xFFFFFFFF  }
0xc2: {  	_ =	task.clear_ibuf [dreg:s7], $0x2FFFF;
	_ =	strace $0x9FFFFFFF  }
0xc3: {  	(tm) =	ssettm $0x7FFFFFFF  }
tec
execute0_lowered:
.L_overlay_start_1:
0x0: {  	(tag) =	ssettag $0x1  }
0x1: {  	s4 =	rddreg [dreg:$0x0]  }
0x2: {  	s5 =	rddreg [dreg:$0x1]  }
0x3: {  	s1 =	rddreg [dreg:$0x2];
	s2 =	srdreg.scid  }
0x4: {  	s0 =	rddreg [dreg:$0x3];
	s3 =	simm.s32 $0x0;
	s18 =	simm.s32 $0x80  }
0x5: {  	s19 =	simm.s32 $0x2800;
	s20 =	simm.s32 $0x100;
	s21 =	simm.s32 $0x180  }
0x6: {  	s22 =	simm.s32 $0x1;
	s6 =	sand.u32 $0x1, s2;
	s2 =	stileid.u32  }
0x7: {  	s23 =	simm.s32 $0x0;
	[smem:$0x7FF] =	sst s3;
	s8 =	smul.u32 $0x50000, s2  }
0x8: {  	s14 =	sadd.s32 $0x1E00, s5;
	s7 =	sshll.u32 s6, $0x4;
	s10 =	smul.u32 $0x14000, s2  }
0x9: {  	s28 =	ssub.s32 $0x2, s6;
	s13 =	smul.u32 $0x140000, s6;
	s7 =	sor.u32 s2, s7  }
0xa: {  	_ =	strace $0x80000047;
	s9 =	sshrl.u32 s28, $0x1;
	s7 =	smul.u32 $0x500, s7  }
0xb: {  	s8 =	sshrl.u32 s8, $0x2;
	s15 =	ssub.s32 s28, s9;
	s29 =	sadd.s32 $0x4000, s10  }
0xc: {  	s12 =	sadd.s32 $0x8000, s10;
	s16 =	sadd.s32 $0xC000, s10;
	s11 =	sadd.s32 s10, s13  }
0xd: {  	s17 =	sadd.s32 $0x10000, s10;
	s5 =	sadd.s32 s8, s1;
	s6 =	sadd.s32 s29, s1  }
0xe: {  	s8 =	sadd.s32 s16, s1;
	s9 =	sadd.s32 s13, s29;
	s30 =	sshrl.u32 s11, $0x3  }
0xf: {  	s16 =	sadd.s32 s13, s16;
	s15 =	smax.u32 s15, $0x1;
	s4 =	sadd.s32 s4, s7  }
0x10: {  	s7 =	sadd.s32 s12, s1;
	s31 =	sshrl.u32 s9, $0x3;
	s9 =	sadd.s32 s17, s1  }
0x11: {  	s10 =	sadd.s32 s14, s30;
	s12 =	sadd.s32 s13, s12;
	s13 =	sadd.s32 s13, s17  }
0x12: {  	s16 =	sshrl.u32 s16, $0x3;
	s11 =	sadd.s32 s14, s31;
	s12 =	sshrl.u32 s12, $0x3  }
0x13: {  	s17 =	sshrl.u32 s13, $0x3;
	s13 =	sadd.s32 s14, s16;
	s16 =	simm.s32 $0x2  }
0x14: {  	v0 =	vimm.f32 $1.000000000e+00;
	v1 =	vimm.f32 $0.0e+00;
	s12 =	sadd.s32 s14, s12;
	s14 =	sadd.s32 s14, s17;
	s17 =	simm.s32 $0x6800  }
.LBB2_1:
0x15: {  	[tilespmem:s3], [sflag:$0x2] =	stream.linear.gather [hbm4b:s4+s3], $0x2780, $0x38;
	[tilespmem:$0xD000] =	vst v63  }
0x16: {  	_ =	swait.ge [sflag:s16], $0x2780  }
0x17: {  	[sflag:s16] =	ssyncset.done $0x0  }
0x18: {  	s24 =	simm.s32 $0x0;
	[sflag:s16] =	ssyncadd.s32 $0xFFFFD880  }
.LBB2_2:
0x19: {  	p0 =	sne.s32 s24, $0xFE00  }
.Ltmp0:
0x1a: {  	_ = 	snop;
	(pc) =	sbr.rel @p0 .LBB2_2-.Ltmp0, $3  }
0x1b: {  	_ =	sdelay $0x1  }
0x1c: {  	s25 =	sshra.s32 s24, $0x2  }
0x1d: {  	s24 =	sadd.s32 $0x200, s24;
	[tilespmem:s25+$0x2800] =	vst v0  }
0x1e: {  	s24 =	simm.s32 $0x200;
	s25 =	simm.s32 $0x0  }
.LBB2_4:
0x1f: {  	p0 =	sne.s32 s24, $0xFE00;
	[tilespmem:s25+$0x6800] =	vst v1;
	s25 =	smov.u32 s24;
	s24 =	sadd.s32 $0x200, s24  }
.Ltmp1:
0x20: {  	(pc) =	sbr.rel @p0 .LBB2_4-.Ltmp1, $2  }
0x21: {  	_ =	sdelay $0x2  }
0x22: {  	s25 =	sshra.s32 s25, $0x2  }
0x23: {  	[tilespmem:s25+$0x6800] =	vst v1  }
0x24: {  	[spmem:s5] =	stream.linear.scatter [tilespmem:s17], [sflag:$0x2], $0x4000, $0x38;
	[tilespmem:$0xD000] =	vst v63  }
0x25: {  	_ =	swait.ge [sflag:s16], $0x4000  }
0x26: {  	[sflag:s16] =	ssyncset.done $0x0  }
0x27: {  	[sflag:s16] =	ssyncadd.s32 $0xFFFFC000  }
0x28: {  	[spmem:s6] =	stream.linear.scatter [tilespmem:s17], [sflag:$0x2], $0x4000, $0x38;
	[tilespmem:$0xD000] =	vst v63  }
0x29: {  	_ =	swait.ge [sflag:s16], $0x4000  }
0x2a: {  	[sflag:s16] =	ssyncset.done $0x0  }
0x2b: {  	[sflag:s16] =	ssyncadd.s32 $0xFFFFC000  }
0x2c: {  	[spmem:s7] =	stream.linear.scatter [tilespmem:s17], [sflag:$0x2], $0x4000, $0x38;
	[tilespmem:$0xD000] =	vst v63  }
0x2d: {  	_ =	swait.ge [sflag:s16], $0x4000  }
0x2e: {  	[sflag:s16] =	ssyncset.done $0x0  }
0x2f: {  	[sflag:s16] =	ssyncadd.s32 $0xFFFFC000  }
0x30: {  	[spmem:s8] =	stream.linear.scatter [tilespmem:s17], [sflag:$0x2], $0x4000, $0x38;
	[tilespmem:$0xD000] =	vst v63  }
0x31: {  	_ =	swait.ge [sflag:s16], $0x4000  }
0x32: {  	[sflag:s16] =	ssyncset.done $0x0  }
0x33: {  	[sflag:s16] =	ssyncadd.s32 $0xFFFFC000  }
0x34: {  	[spmem:s9] =	stream.linear.scatter [tilespmem:s17], [sflag:$0x2], $0x4000, $0x38;
	[tilespmem:$0xD000] =	vst v63  }
0x35: {  	_ =	swait.ge [sflag:s16], $0x4000  }
0x36: {  	[sflag:s16] =	ssyncset.done $0x0  }
0x37: {  	[sflag:s16] =	ssyncadd.s32 $0xFFFFC000  }
0x38: {  	[bflag:$0x0] =	sbarrier.arrive $0xFFFF  }
0x39: {  	[spmem:s1] =	stream.indirect.scatter.add.f32 [tilespmem:s19], [sflag:$0x1], $0x10, s3, s18, $0xb8;
	[tilespmem:$0xD000] =	vst v63  }
0x3a: {  	_ = 	snop  }
0x3b: {  	[spmem:s1] =	stream.indirect.scatter.add.f32 [tilespmem:s19], [sflag:$0x1], $0x10, s18, s18, $0xb8;
	[tilespmem:$0xD000] =	vst v63  }
0x3c: {  	_ = 	snop  }
0x3d: {  	[spmem:s1] =	stream.indirect.scatter.add.f32 [tilespmem:s19], [sflag:$0x1], $0x10, s20, s18, $0xb8;
	[tilespmem:$0xD000] =	vst v63  }
0x3e: {  	_ = 	snop  }
0x3f: {  	[spmem:s1] =	stream.indirect.scatter.add.f32 [tilespmem:s19], [sflag:$0x1], $0x10, s21, s18, $0xb8;
	[tilespmem:$0xD000] =	vst v63  }
0x40: {  	s24 =	simm.s32 $0x200  }
0x41: {  	[spmem:s1] =	stream.indirect.scatter.add.f32 [tilespmem:s19], [sflag:$0x1], $0x10, s24, s18, $0xb8;
	[tilespmem:$0xD000] =	vst v63  }
0x42: {  	_ =	swait.ge [sflag:s22], $0x800  }
0x43: {  	s24 =	simm.s32 $0xA00;
	[sflag:s22] =	ssyncset.done $0x0  }
.LBB2_6:
0x44: {  	s25 =	sshra.s32 s24, $0x2;
	[sflag:s22] =	ssyncadd.s32 $0xFFFFF800;
	p0 =	sne.s32 s24, $0x9C00  }
0x45: {  	[spmem:s1] =	stream.indirect.scatter.add.f32 [tilespmem:s19], [sflag:$0x1], $0x10, s25, s18, $0xb8;
	[tilespmem:$0xD000] =	vst v63  }
.Ltmp2:
0x46: {  	_ = 	snop;
	(pc) =	sbr.rel @p0 .LBB2_6-.Ltmp2, $4  }
0x47: {  	_ = 	snop  }
0x48: {  	s24 =	sadd.s32 $0x200, s24  }
0x49: {  	_ =	swait.ge [sflag:s22], $0x800  }
0x4a: {  	[sflag:s22] =	ssyncset.done $0x0  }
0x4b: {  	[sflag:s22] =	ssyncadd.s32 $0xFFFFF800  }
0x4c: {  	_ =	swait.ge [sflag:s22], $0x800  }
0x4d: {  	[sflag:s22] =	ssyncset.done $0x0  }
0x4e: {  	[sflag:s22] =	ssyncadd.s32 $0xFFFFF800  }
0x4f: {  	_ =	swait.ge [sflag:s22], $0x800  }
0x50: {  	[sflag:s22] =	ssyncset.done $0x0  }
0x51: {  	[sflag:s22] =	ssyncadd.s32 $0xFFFFF800  }
0x52: {  	_ =	swait.ge [sflag:s22], $0x800  }
0x53: {  	[sflag:s22] =	ssyncset.done $0x0  }
0x54: {  	[sflag:s22] =	ssyncadd.s32 $0xFFFFF800  }
0x55: {  	_ =	swait.ge [sflag:s22], $0x800  }
0x56: {  	[sflag:s22] =	ssyncset.done $0x0  }
0x57: {  	[sflag:s22] =	ssyncadd.s32 $0xFFFFF800  }
0x58: {  	[bflag:$0x0] =	sbarrier.arrive $0xFFFF  }
0x59: {  	[tilespmem:s17], [sflag:$0x2] =	stream.linear.gather [spmem:s5], $0x4000, $0x38;
	[tilespmem:$0xD000] =	vst v63  }
0x5a: {  	_ =	swait.ge [sflag:s16], $0x4000  }
0x5b: {  	[sflag:s16] =	ssyncset.done $0x0  }
0x5c: {  	[sflag:s16] =	ssyncadd.s32 $0xFFFFC000  }
0x5d: {  	[hbm4b:s10+s3] =	stream.linear.scatter [tilespmem:s17], [sflag:$0x2], $0x4000, $0x38;
	[tilespmem:$0xD000] =	vst v63  }
0x5e: {  	_ =	swait.ge [sflag:s16], $0x4000  }
0x5f: {  	[sflag:s16] =	ssyncset.done $0x0  }
0x60: {  	[sflag:s16] =	ssyncadd.s32 $0xFFFFC000  }
0x61: {  	[tilespmem:s17], [sflag:$0x2] =	stream.linear.gather [spmem:s6], $0x4000, $0x38;
	[tilespmem:$0xD000] =	vst v63  }
0x62: {  	_ =	swait.ge [sflag:s16], $0x4000  }
0x63: {  	[sflag:s16] =	ssyncset.done $0x0  }
0x64: {  	[sflag:s16] =	ssyncadd.s32 $0xFFFFC000  }
0x65: {  	[hbm4b:s11+s3] =	stream.linear.scatter [tilespmem:s17], [sflag:$0x2], $0x4000, $0x38;
	[tilespmem:$0xD000] =	vst v63  }
0x66: {  	_ =	swait.ge [sflag:s16], $0x4000  }
0x67: {  	[sflag:s16] =	ssyncset.done $0x0  }
0x68: {  	[sflag:s16] =	ssyncadd.s32 $0xFFFFC000  }
0x69: {  	[tilespmem:s17], [sflag:$0x2] =	stream.linear.gather [spmem:s7], $0x4000, $0x38;
	[tilespmem:$0xD000] =	vst v63  }
0x6a: {  	_ =	swait.ge [sflag:s16], $0x4000  }
0x6b: {  	[sflag:s16] =	ssyncset.done $0x0  }
0x6c: {  	[sflag:s16] =	ssyncadd.s32 $0xFFFFC000  }
0x6d: {  	[hbm4b:s12+s3] =	stream.linear.scatter [tilespmem:s17], [sflag:$0x2], $0x4000, $0x38;
	[tilespmem:$0xD000] =	vst v63  }
0x6e: {  	_ =	swait.ge [sflag:s16], $0x4000  }
0x6f: {  	[sflag:s16] =	ssyncset.done $0x0  }
0x70: {  	[sflag:s16] =	ssyncadd.s32 $0xFFFFC000  }
0x71: {  	[tilespmem:s17], [sflag:$0x2] =	stream.linear.gather [spmem:s8], $0x4000, $0x38;
	[tilespmem:$0xD000] =	vst v63  }
0x72: {  	_ =	swait.ge [sflag:s16], $0x4000  }
0x73: {  	[sflag:s16] =	ssyncset.done $0x0  }
0x74: {  	[sflag:s16] =	ssyncadd.s32 $0xFFFFC000  }
0x75: {  	[hbm4b:s13+s3] =	stream.linear.scatter [tilespmem:s17], [sflag:$0x2], $0x4000, $0x38;
	[tilespmem:$0xD000] =	vst v63  }
0x76: {  	_ =	swait.ge [sflag:s16], $0x4000  }
0x77: {  	[sflag:s16] =	ssyncset.done $0x0  }
0x78: {  	[sflag:s16] =	ssyncadd.s32 $0xFFFFC000  }
0x79: {  	[tilespmem:s17], [sflag:$0x2] =	stream.linear.gather [spmem:s9], $0x4000, $0x38;
	[tilespmem:$0xD000] =	vst v63  }
0x7a: {  	s23 =	sadd.s32 $0x1, s23;
	_ =	swait.ge [sflag:s16], $0x4000  }
0x7b: {  	p0 =	sne.s32 s23, s15;
	[sflag:s16] =	ssyncset.done $0x0  }
.Ltmp3:
0x7c: {  	[sflag:s16] =	ssyncadd.s32 $0xFFFFC000;
	(pc) =	sbr.rel @p0 .LBB2_1-.Ltmp3, $4  }
0x7d: {  	[hbm4b:s14+s3] =	stream.linear.scatter [tilespmem:s17], [sflag:$0x2], $0x4000, $0x38;
	[tilespmem:$0xD000] =	vst v63  }
0x7e: {  	_ =	swait.ge [sflag:s16], $0x4000  }
0x7f: {  	[sflag:s16] =	ssyncset.done $0x0  }
0x80: {  	[sflag:s16] =	ssyncadd.s32 $0xFFFFC000  }
0x81: {  	_ =	sfence.sel $0x180000  }
0x82: {  	[bflag:$0x0] =	sbarrier.arrive $0xFFFF  }
0x83: {  	p0 =	sne.s32 s2, $0x0;
	_ =	strace $0x90000047  }
0x84: {  	s0 =	sadd.s32 @!p0 $0x100000, s0;
	[bflag:$0x2] =	sbarrier.arrive $0xFFFF  }
0x85: {  	[sflag:s0] =	ssyncadd.tile.s32 @!p0 $0x1;
	_ =	shalt  }
.Lfunc_end2:
_tile_overlayer_lowered:
.L_overlay_start_2:
0x86: {  	(tag) =	ssettag $0x2  }
0x87: {  	s0 =	rddreg [dreg:$0x0];
	s2 =	stileid.u32  }
0x88: {  	s1 =	rddreg [dreg:$0x1];
	p0 =	sne.s32 s2, $0x0  }
0x89: {  	s3 =	rddreg [dreg:$0x2];
	[bflag:$0x3] =	sbarrier.arrive $0xFFFF;
	s2 =	simm.s32 @!p0 $0x1C02  }
0x8a: {  	[timem:s3], [sflag:s2] =	dma.local @!p0 [hbm:s0], s1  }
0x8b: {  	s0 =	simm.s32 @!p0 $0x2  }
0x8c: {  	_ =	swait.ge @!p0 [sflag:s0], s1  }
0x8d: {  	s1 =	ssub.s32 @!p0 $0x0, s1;
	[sflag:s0] =	ssyncset.done @!p0 $0x0  }
0x8e: {  	[sflag:s0] =	ssyncadd.s32 @!p0 s1  }
0x8f: {  	[bflag:$0x3] =	sbarrier.arrive $0xFFFF  }
0x90: {  	_ =	shalt  }

</sc_bundles>
